<compile_context>
chip_gen: v7x
topology: tpu7x:2x2x1
jax: 0.10.2.dev20260603
libtpu: 0.0.44.dev20260713+nightly
codegen_flags: <defaults>
</compile_context>

<pallas_src>
import dataclasses
import functools

import jax
import jax.numpy as jnp
from jax import lax
from jax.experimental import pallas as pl
from jax.experimental.pallas import tpu as pltpu
from jax.experimental.pallas import tpu_sc as plsc

N = 10000
E = 160000
D_IN = 256
HEADS = 8
HID = 8
OUT = 16

NPAD = 10240
BM = 512
NBLK = NPAD // BM
ETOT = E + N
NWORK = 32
CHUNK = 128
EPW = ((ETOT + NWORK * CHUNK - 1) // (NWORK * CHUNK)) * CHUNK
NCHUNK = EPW // CHUNK
EPAD = EPW * NWORK
ROWS_PER_TILE = NPAD // 16

_F32 = jnp.float32



def _prep1_body(x_ref, w1_ref, p1_ref, h_ref, sd_ref, hs_ref, m_ref):
    i = pl.program_id(0)
    h = jnp.dot(x_ref[...], w1_ref[...], preferred_element_type=_F32)
    h_ref[...] = h
    sd = jnp.dot(h, p1_ref[...], preferred_element_type=_F32)
    sd_ref[...] = sd
    hs_ref[...] = jnp.concatenate([h, sd], axis=1)
    bm = jnp.max(sd, axis=0, keepdims=True)

    @pl.when(i == 0)
    def _():
        m_ref[...] = bm

    @pl.when(i > 0)
    def _():
        m_ref[...] = jnp.maximum(m_ref[...], bm)

    @pl.when(i == NBLK - 1)
    def _():
        mm = m_ref[...]
        z = mm[:, :HEADS] + mm[:, HEADS:]
        zz = jnp.maximum(z, 0.2 * z)
        m_ref[...] = jnp.concatenate([zz, zz], axis=1)


def _tc_prep1(x_pad, w1, p1):
    return pl.pallas_call(
        _prep1_body,
        grid=(NBLK,),
        in_specs=[
            pl.BlockSpec((BM, D_IN), lambda i: (i, 0)),
            pl.BlockSpec((D_IN, HEADS * HID), lambda i: (0, 0)),
            pl.BlockSpec((HEADS * HID, 2 * HEADS), lambda i: (0, 0)),
        ],
        out_specs=[
            pl.BlockSpec((BM, HEADS * HID), lambda i: (i, 0)),
            pl.BlockSpec((BM, 2 * HEADS), lambda i: (i, 0)),
            pl.BlockSpec((BM, 80), lambda i: (i, 0)),
            pl.BlockSpec((1, 16), lambda i: (0, 0)),
        ],
        out_shape=[
            jax.ShapeDtypeStruct((NPAD, HEADS * HID), _F32),
            jax.ShapeDtypeStruct((NPAD, 2 * HEADS), _F32),
            jax.ShapeDtypeStruct((NPAD, 80), _F32),
            jax.ShapeDtypeStruct((1, 16), _F32),
        ],
    )(x_pad, w1, p1)


def _mid_body(acc_ref, b1_ref, w2_ref, p2_ref, r8_ref, h2_ref, sd2_ref, hs2_ref, m_ref):
    i = pl.program_id(0)
    a = acc_ref[0] + acc_ref[1]
    numer = a[:, : HEADS * HID]
    denom = a[:, HEADS * HID : HEADS * HID + HEADS]
    deb = jnp.dot(denom, r8_ref[...], preferred_element_type=_F32)
    o1 = numer / (deb + 1e-16) + b1_ref[...]
    a1 = jnp.where(o1 > 0, o1, jnp.exp(o1) - 1.0)
    h2 = jnp.dot(a1, w2_ref[...], preferred_element_type=_F32)
    h2_ref[...] = h2
    sd2 = jnp.dot(h2, p2_ref[...], preferred_element_type=_F32)
    sd2_ref[...] = sd2
    hs2_ref[...] = jnp.concatenate([h2, sd2], axis=1)
    bm = jnp.max(sd2, axis=0, keepdims=True)

    @pl.when(i == 0)
    def _():
        m_ref[...] = bm

    @pl.when(i > 0)
    def _():
        m_ref[...] = jnp.maximum(m_ref[...], bm)

    @pl.when(i == NBLK - 1)
    def _():
        mm = m_ref[...]
        z = mm[0, 0] + mm[0, 1]
        zz = jnp.maximum(z, 0.2 * z)
        m_ref[...] = jnp.full((1, 16), zz, _F32)


def _tc_mid(acc1, b1, w2, p2, r8):
    return pl.pallas_call(
        _mid_body,
        grid=(NBLK,),
        in_specs=[
            pl.BlockSpec((2, BM, 80), lambda i: (0, i, 0)),
            pl.BlockSpec((1, HEADS * HID), lambda i: (0, 0)),
            pl.BlockSpec((HEADS * HID, OUT), lambda i: (0, 0)),
            pl.BlockSpec((OUT, 16), lambda i: (0, 0)),
            pl.BlockSpec((HEADS, HEADS * HID), lambda i: (0, 0)),
        ],
        out_specs=[
            pl.BlockSpec((BM, OUT), lambda i: (i, 0)),
            pl.BlockSpec((BM, 16), lambda i: (i, 0)),
            pl.BlockSpec((BM, 32), lambda i: (i, 0)),
            pl.BlockSpec((1, 16), lambda i: (0, 0)),
        ],
        out_shape=[
            jax.ShapeDtypeStruct((NPAD, OUT), _F32),
            jax.ShapeDtypeStruct((NPAD, 16), _F32),
            jax.ShapeDtypeStruct((NPAD, 32), _F32),
            jax.ShapeDtypeStruct((1, 16), _F32),
        ],
    )(acc1, b1, w2, p2, r8)


def _fin_body(acc_ref, b2_ref, o_ref):
    a = acc_ref[0] + acc_ref[1]
    numer = a[:, :OUT]
    denom = a[:, OUT : OUT + 1]
    o = numer / (denom + 1e-16) + b2_ref[...]
    mx = jnp.max(o, axis=1, keepdims=True)
    ex = jnp.exp(o - mx)
    o_ref[...] = (o - mx) - jnp.log(jnp.sum(ex, axis=1, keepdims=True))


def _tc_fin(acc2, b2):
    return pl.pallas_call(
        _fin_body,
        grid=(NBLK,),
        in_specs=[
            pl.BlockSpec((2, BM, 32), lambda i: (0, i, 0)),
            pl.BlockSpec((1, OUT), lambda i: (0, 0)),
        ],
        out_specs=pl.BlockSpec((BM, OUT), lambda i: (i, 0)),
        out_shape=jax.ShapeDtypeStruct((NPAD, OUT), _F32),
    )(acc2, b2)



def _make_sc_edge_v2(hw, msgw, heads8):
    mesh = plsc.VectorSubcoreMesh(core_axis_name="c", subcore_axis_name="s")
    wbuf_len = CHUNK * HEADS + 16 if heads8 else CHUNK + 16
    cp = pltpu.CompilerParams(needs_layout_passes=False,
                              use_tc_tiling_on_sc=False)

    @functools.partial(
        pl.kernel,
        mesh=mesh,
        compiler_params=cp,
        out_type=jax.ShapeDtypeStruct((2, NPAD, msgw), _F32),
        scratch_types=[
            pltpu.VMEM_SHARED((NPAD, msgw), _F32),
            pltpu.VMEM((EPW,), jnp.int32),
            pltpu.VMEM((EPW,), jnp.int32),
            [pltpu.VMEM((CHUNK,), jnp.int32)] * 2,
            [pltpu.VMEM((CHUNK,), jnp.int32)] * 2,
            [pltpu.VMEM((CHUNK, 16), _F32)] * 2,
            [pltpu.VMEM((CHUNK, hw), _F32)] * 2,
            [pltpu.VMEM((CHUNK, msgw), _F32)] * 2,
            [pltpu.VMEM((CHUNK,), jnp.int32)] * 2,
            pltpu.VMEM((wbuf_len,), _F32),
            pltpu.VMEM((1, 16), _F32),
            [pltpu.SemaphoreType.DMA] * 2,
            [pltpu.SemaphoreType.DMA] * 2,
        ],
    )
    def sc_edge(src_hbm, dst_hbm, sd_hbm, h_hbm, m_hbm, z_hbm, out_hbm,
                acc, src_all, dst_all, src_idx, dst_idx,
                sdv_d, hv, msg, dsc_idx, wbuf, mbuf, gsem, ssem):
        c = lax.axis_index("c")
        s = lax.axis_index("s")
        wid = c * 16 + s
        row0 = s * ROWS_PER_TILE
        pltpu.sync_copy(z_hbm.at[pl.ds(row0, ROWS_PER_TILE)],
                        acc.at[pl.ds(row0, ROWS_PER_TILE)])
        pltpu.sync_copy(m_hbm, mbuf)
        base = wid * EPW
        pltpu.sync_copy(src_hbm.at[pl.ds(base, EPW)], src_all)
        pltpu.sync_copy(dst_hbm.at[pl.ds(base, EPW)], dst_all)
        plsc.subcore_barrier()

        iota = lax.iota(jnp.int32, 16)
        zeros16 = iota * 0
        mvec = mbuf[0, :]
        rsel = lax.shift_right_logical(iota, 3)
        low3 = lax.bitwise_and(iota, 7)
        wbuf[pl.ds(wbuf_len - 16, 16)] = jnp.zeros((16,), _F32)

        def prefetch(k, b):
            off = k * CHUNK

            @pl.loop(0, CHUNK, step=16)
            def _cp(j):
                src_idx[b][pl.ds(j, 16)] = src_all[pl.ds(off + j, 16)]
                dst_idx[b][pl.ds(j, 16)] = dst_all[pl.ds(off + j, 16)]

            pltpu.async_copy(sd_hbm.at[dst_idx[b]], sdv_d[b], gsem[b])
            pltpu.async_copy(h_hbm.at[src_idx[b]], hv[b], gsem[b])

        def half(k, b):
            pltpu.make_async_copy(sd_hbm.at[dst_idx[b]], sdv_d[b], gsem[b]).wait()
            pltpu.make_async_copy(h_hbm.at[src_idx[b]], hv[b], gsem[b]).wait()

            @pl.when(k >= 2)
            def _():
                pltpu.make_async_copy(msg[b], acc.at[dsc_idx[b]], ssem[b]).wait()

            if heads8:
                @plsc.parallel_loop(0, CHUNK, step=2, unroll=2)
                def _w2(e):
                    sv = plsc.load_gather(hv[b], [e + rsel, low3 + 64])
                    dv = plsc.load_gather(sdv_d[b], [e + rsel, low3 + 8])
                    z = sv + dv
                    z = jnp.maximum(z, 0.2 * z) - mvec
                    wbuf[pl.ds(e * 8, 16)] = jnp.exp(z)

                @plsc.parallel_loop(0, CHUNK, step=1, unroll=2)
                def _msg8(e):
                    wp = plsc.load_gather(wbuf, [e * 8 + low3])
                    for v in range(4):
                        msg[b][e, pl.ds(16 * v, 16)] = hv[b][e, pl.ds(16 * v, 16)] * wp
                    msg[b][e, pl.ds(64, 16)] = wp
            else:
                @plsc.parallel_loop(0, CHUNK, step=16, unroll=2)
                def _w16(e):
                    sv = plsc.load_gather(hv[b], [e + iota, zeros16 + 16])
                    dv = plsc.load_gather(sdv_d[b], [e + iota, zeros16 + 1])
                    z = sv + dv
                    z = jnp.maximum(z, 0.2 * z) - mvec
                    wbuf[pl.ds(e, 16)] = jnp.exp(z)

                @plsc.parallel_loop(0, CHUNK, step=1, unroll=2)
                def _msg1(e):
                    ws = plsc.load_gather(wbuf, [e + zeros16])
                    msg[b][e, pl.ds(0, 16)] = hv[b][e, pl.ds(0, 16)] * ws
                    msg[b][e, pl.ds(16, 16)] = ws

            @pl.loop(0, CHUNK, step=16)
            def _cpsc(j):
                dsc_idx[b][pl.ds(j, 16)] = dst_idx[b][pl.ds(j, 16)]

            pltpu.async_copy(msg[b], acc.at[dsc_idx[b]], ssem[b], add=True)

            @pl.when(k + 2 < NCHUNK)
            def _():
                prefetch(k + 2, b)

        prefetch(0, 0)
        prefetch(1, 1)

        @pl.loop(0, NCHUNK, step=2)
        def _loop(k):
            half(k, 0)
            half(k + 1, 1)

        pltpu.make_async_copy(msg[0], acc.at[dsc_idx[0]], ssem[0]).wait()
        pltpu.make_async_copy(msg[1], acc.at[dsc_idx[1]], ssem[1]).wait()
        plsc.subcore_barrier()
        pltpu.sync_copy(acc.at[pl.ds(row0, ROWS_PER_TILE)],
                        out_hbm.at[c, pl.ds(row0, ROWS_PER_TILE)])

    return sc_edge


_sc_edge1 = _make_sc_edge_v2(80, 80, True)
_sc_edge2 = _make_sc_edge_v2(32, 32, False)



def kernel(x, edge_index, w1, att_src1, att_dst1, b1, w2, att_src2,
           att_dst2, b2):
    x_pad = jnp.pad(x, ((0, NPAD - N), (0, 0)))
    loops = jnp.arange(N, dtype=jnp.int32)
    pad_e = jnp.full((EPAD - ETOT,), N, jnp.int32)
    src = jnp.concatenate([edge_index[0].astype(jnp.int32), loops, pad_e])
    dst = jnp.concatenate([edge_index[1].astype(jnp.int32), loops, pad_e])

    eye8 = jnp.eye(HEADS, dtype=_F32)
    w1p = w1.reshape(D_IN, HEADS, HID).transpose(0, 2, 1).reshape(
        D_IN, HEADS * HID)
    p1_src = (att_src1.T[:, :, None] * eye8[None, :, :]).reshape(
        HEADS * HID, HEADS)
    p1_dst = (att_dst1.T[:, :, None] * eye8[None, :, :]).reshape(
        HEADS * HID, HEADS)
    p1 = jnp.concatenate([p1_src, p1_dst], axis=1)
    p2 = jnp.concatenate(
        [att_src2.reshape(OUT, 1), att_dst2.reshape(OUT, 1),
         jnp.zeros((OUT, 14), _F32)], axis=1)
    r8 = jnp.tile(eye8, (1, HID))
    b1p = b1.reshape(HEADS, HID).T.reshape(1, HEADS * HID)
    w2p = w2.reshape(HEADS, HID, OUT).transpose(1, 0, 2).reshape(
        HEADS * HID, OUT)

    z80 = jnp.zeros((NPAD, 80), _F32)
    z32 = jnp.zeros((NPAD, 32), _F32)

    h1, sd1, hs1, m1 = _tc_prep1(x_pad, w1p, p1)
    acc1 = _sc_edge1(src, dst, sd1, hs1, m1, z80)
    h2, sd2, hs2, m2 = _tc_mid(acc1, b1p, w2p, p2, r8)
    acc2 = _sc_edge2(src, dst, sd2, hs2, m2, z32)
    out = _tc_fin(acc2, b2.reshape(1, OUT))
    return out[:N]

# --- scband reference (transcript-rebuilt; emitter-appended) ---
"""Pipeline reference for scband-gat-59201829208068 (READ-ONLY COPY).

The authoritative reference and input builder live on the scoring server;
editing this copy changes nothing except your own understanding.
"""

import jax, jax.numpy as jnp
import numpy as np

N = 10000
E = 160000
D_IN = 256
HEADS = 8
HID = 8
OUT = 16


def _gat_layer(x, src, dst, W, a_src, a_dst, bias, heads, out_ph, concat, num_nodes):
    # linear transform per head
    h = (x @ W).reshape(num_nodes, heads, out_ph)
    # attention logits (PyG GATConv style: split src/dst attention vectors)
    alpha_s = (h * a_src[None, :, :]).sum(-1)  # [N, H]
    alpha_d = (h * a_dst[None, :, :]).sum(-1)  # [N, H]
    e = alpha_s[src] + alpha_d[dst]            # [E, H]
    e = jax.nn.leaky_relu(e, 0.2)
    # softmax over incoming edges per destination node
    e_max = jax.ops.segment_max(e, dst, num_segments=num_nodes)
    e_max = jnp.where(jnp.isfinite(e_max), e_max, 0.0)
    e_max = jax.lax.stop_gradient(e_max)
    ex = jnp.exp(e - e_max[dst])
    denom = jax.ops.segment_sum(ex, dst, num_segments=num_nodes)
    alpha = ex / (denom[dst] + 1e-16)          # [E, H]
    # dropout on alpha skipped (eval mode)
    msg = h[src] * alpha[:, :, None]           # [E, H, C]
    out = jax.ops.segment_sum(msg, dst, num_segments=num_nodes)  # [N, H, C]
    if concat:
        out = out.reshape(num_nodes, heads * out_ph)
    else:
        out = out.mean(axis=1)
    return out + bias


def setup_inputs(seed: int = 0):
    key = jax.random.key(seed)
    ks = jax.random.split(key, 10)
    x = jax.random.normal(ks[0], (N, D_IN), dtype=jnp.float32)
    edge_index = jax.random.randint(ks[1], (2, E), 0, N)
    w1 = jax.random.normal(ks[2], (D_IN, HEADS * HID), dtype=jnp.float32) * 0.06
    att_src1 = jax.random.normal(ks[3], (HEADS, HID), dtype=jnp.float32) * 0.3
    att_dst1 = jax.random.normal(ks[4], (HEADS, HID), dtype=jnp.float32) * 0.3
    b1 = jnp.zeros((HEADS * HID,), dtype=jnp.float32)
    w2 = jax.random.normal(ks[5], (HEADS * HID, OUT), dtype=jnp.float32) * 0.12
    att_src2 = jax.random.normal(ks[6], (1, OUT), dtype=jnp.float32) * 0.3
    att_dst2 = jax.random.normal(ks[7], (1, OUT), dtype=jnp.float32) * 0.3
    b2 = jnp.zeros((OUT,), dtype=jnp.float32)
    return {"x": x, "edge_index": edge_index, "w1": w1, "att_src1": att_src1,
            "att_dst1": att_dst1, "b1": b1, "w2": w2, "att_src2": att_src2,
            "att_dst2": att_dst2, "b2": b2}


def reference(x, edge_index, w1, att_src1, att_dst1, b1, w2, att_src2, att_dst2, b2):
    # add self loops (PyG GATConv default)
    loops = jnp.arange(N, dtype=edge_index.dtype)
    src = jnp.concatenate([edge_index[0], loops])
    dst = jnp.concatenate([edge_index[1], loops])
    # input dropout skipped (eval mode)
    h = _gat_layer(x, src, dst, w1, att_src1, att_dst1, b1, HEADS, HID, True, N)
    h = jax.nn.elu(h)
    # dropout skipped (eval mode)
    out = _gat_layer(h, src, dst, w2, att_src2, att_dst2, b2, 1, OUT, False, N)
    return jax.nn.log_softmax(out, axis=1)

if __name__ == "__main__":
    import jax
    _d = setup_inputs()
    print(jax.jit(kernel)(*tuple(_d.values())))

</pallas_src>

<mosaic_0001>
#map = affine_map<(d0, d1) -> (0)>
#map1 = affine_map<(d0, d1) -> (0, 0)>
#map2 = affine_map<(d0, d1) -> (0, 0, 0)>
module attributes {stable_mosaic.version = 14 : i64} {
  func.func @sc_edge(%arg0: i32, %arg1: i32, %arg2: memref<172032xi32, #tpu.memory_space<hbm>>, %arg3: memref<172032xi32, #tpu.memory_space<hbm>>, %arg4: memref<10240x16xf32, #tpu.memory_space<hbm>>, %arg5: memref<10240x32xf32, #tpu.memory_space<hbm>>, %arg6: memref<1x16xf32, #tpu.memory_space<hbm>>, %arg7: memref<10240x32xf32, #tpu.memory_space<hbm>>, %arg8: memref<2x10240x32xf32, #tpu.memory_space<hbm>>, %arg9: memref<10240x32xf32, #tpu.memory_space<vmem_shared>>, %arg10: memref<5376xi32, #tpu.memory_space<vmem>>, %arg11: memref<5376xi32, #tpu.memory_space<vmem>>, %arg12: memref<128xi32, #tpu.memory_space<vmem>>, %arg13: memref<128xi32, #tpu.memory_space<vmem>>, %arg14: memref<128xi32, #tpu.memory_space<vmem>>, %arg15: memref<128xi32, #tpu.memory_space<vmem>>, %arg16: memref<128x16xf32, #tpu.memory_space<vmem>>, %arg17: memref<128x16xf32, #tpu.memory_space<vmem>>, %arg18: memref<128x32xf32, #tpu.memory_space<vmem>>, %arg19: memref<128x32xf32, #tpu.memory_space<vmem>>, %arg20: memref<128x32xf32, #tpu.memory_space<vmem>>, %arg21: memref<128x32xf32, #tpu.memory_space<vmem>>, %arg22: memref<128xi32, #tpu.memory_space<vmem>>, %arg23: memref<128xi32, #tpu.memory_space<vmem>>, %arg24: memref<144xf32, #tpu.memory_space<vmem>>, %arg25: memref<1x16xf32, #tpu.memory_space<vmem>>, %arg26: memref<!tpu.dma_semaphore, #tpu.memory_space<semaphore_mem>>, %arg27: memref<!tpu.dma_semaphore, #tpu.memory_space<semaphore_mem>>, %arg28: memref<!tpu.dma_semaphore, #tpu.memory_space<semaphore_mem>>, %arg29: memref<!tpu.dma_semaphore, #tpu.memory_space<semaphore_mem>>) attributes {dimension_semantics = [#tpu.dimension_semantics<core_parallel>, #tpu.dimension_semantics<subcore_parallel>], iteration_bounds = array<i64: 2, 16>, scalar_prefetch = 0 : i64, scratch_operands = 21 : i64, tpu.core_type = #tpu.core_type<sc_vector_subcore>, window_params = [{transform_indices = #map}, {transform_indices = #map}, {transform_indices = #map1}, {transform_indices = #map1}, {transform_indices = #map1}, {transform_indices = #map1}, {transform_indices = #map2}]} {
    %mul3A = arith.constant 16 : i32
    %mul3A_0 = arith.muli %arg0, %mul3A : i32
    %add3A = arith.addi %mul3A_0, %arg1 : i32
    %mul3A_1 = arith.constant 640 : i32
    %mul3A_2 = arith.muli %arg1, %mul3A_1 : i32
    "tpu.region"() ({
      %run_scoped3A = tpu.sem_alloc : memref<!tpu.dma_semaphore, #tpu.memory_space<semaphore_mem>>
      %dma_start3A_48 = arith.constant 0 : i32
      %dma_start3A_49 = tpu.memref_slice %arg9[%mul3A_2, %dma_start3A_48] : memref<10240x32xf32, #tpu.memory_space<vmem_shared>> -> memref<640x32xf32, #tpu.memory_space<vmem_shared>>
      %dma_start3A_50 = arith.constant 0 : i32
      %dma_start3A_51 = tpu.memref_slice %arg7[%mul3A_2, %dma_start3A_50] : memref<10240x32xf32, #tpu.memory_space<hbm>> -> memref<640x32xf32, #tpu.memory_space<hbm>>
      tpu.enqueue_dma source(%dma_start3A_51 : memref<640x32xf32, #tpu.memory_space<hbm>>) target(%dma_start3A_49 : memref<640x32xf32, #tpu.memory_space<vmem_shared>>) target_semaphore(%run_scoped3A : memref<!tpu.dma_semaphore, #tpu.memory_space<semaphore_mem>>)
      %dma_wait3A_52 = arith.constant 0 : i32
      %dma_wait3A_53 = tpu.memref_slice %arg9[%mul3A_2, %dma_wait3A_52] : memref<10240x32xf32, #tpu.memory_space<vmem_shared>> -> memref<640x32xf32, #tpu.memory_space<vmem_shared>>
      %dma_wait3A_54 = arith.constant 0 : i32
      %dma_wait3A_55 = tpu.memref_slice %arg7[%mul3A_2, %dma_wait3A_54] : memref<10240x32xf32, #tpu.memory_space<hbm>> -> memref<640x32xf32, #tpu.memory_space<hbm>>
      tpu.wait_dma2 semaphore(%run_scoped3A : memref<!tpu.dma_semaphore, #tpu.memory_space<semaphore_mem>>) src(%dma_wait3A_55 : memref<640x32xf32, #tpu.memory_space<hbm>>) dst(%dma_wait3A_53 : memref<640x32xf32, #tpu.memory_space<vmem_shared>>)
      tpu.yield
    }) : () -> ()
    "tpu.region"() ({
      %run_scoped3A = tpu.sem_alloc : memref<!tpu.dma_semaphore, #tpu.memory_space<semaphore_mem>>
      tpu.enqueue_dma source(%arg6 : memref<1x16xf32, #tpu.memory_space<hbm>>) target(%arg25 : memref<1x16xf32, #tpu.memory_space<vmem>>) target_semaphore(%run_scoped3A : memref<!tpu.dma_semaphore, #tpu.memory_space<semaphore_mem>>)
      tpu.wait_dma2 semaphore(%run_scoped3A : memref<!tpu.dma_semaphore, #tpu.memory_space<semaphore_mem>>) src(%arg6 : memref<1x16xf32, #tpu.memory_space<hbm>>) dst(%arg25 : memref<1x16xf32, #tpu.memory_space<vmem>>)
      tpu.yield
    }) : () -> ()
    %mul3A_3 = arith.constant 5376 : i32
    %mul3A_4 = arith.muli %add3A, %mul3A_3 : i32
    "tpu.region"() ({
      %run_scoped3A = tpu.sem_alloc : memref<!tpu.dma_semaphore, #tpu.memory_space<semaphore_mem>>
      %dma_start3A_48 = tpu.memref_slice %arg2[%mul3A_4] : memref<172032xi32, #tpu.memory_space<hbm>> -> memref<5376xi32, #tpu.memory_space<hbm>>
      %dma_start3A_49 = tpu.memref_slice %arg2[%mul3A_4] : memref<172032xi32, #tpu.memory_space<hbm>> -> memref<5376xi32, #tpu.memory_space<hbm>>
      tpu.enqueue_dma source(%dma_start3A_49 : memref<5376xi32, #tpu.memory_space<hbm>>) target(%arg10 : memref<5376xi32, #tpu.memory_space<vmem>>) target_semaphore(%run_scoped3A : memref<!tpu.dma_semaphore, #tpu.memory_space<semaphore_mem>>)
      %dma_wait3A_50 = tpu.memref_slice %arg2[%mul3A_4] : memref<172032xi32, #tpu.memory_space<hbm>> -> memref<5376xi32, #tpu.memory_space<hbm>>
      %dma_wait3A_51 = tpu.memref_slice %arg2[%mul3A_4] : memref<172032xi32, #tpu.memory_space<hbm>> -> memref<5376xi32, #tpu.memory_space<hbm>>
      tpu.wait_dma2 semaphore(%run_scoped3A : memref<!tpu.dma_semaphore, #tpu.memory_space<semaphore_mem>>) src(%dma_wait3A_51 : memref<5376xi32, #tpu.memory_space<hbm>>) dst(%arg10 : memref<5376xi32, #tpu.memory_space<vmem>>)
      tpu.yield
    }) : () -> ()
    "tpu.region"() ({
      %run_scoped3A = tpu.sem_alloc : memref<!tpu.dma_semaphore, #tpu.memory_space<semaphore_mem>>
      %dma_start3A_48 = tpu.memref_slice %arg3[%mul3A_4] : memref<172032xi32, #tpu.memory_space<hbm>> -> memref<5376xi32, #tpu.memory_space<hbm>>
      %dma_start3A_49 = tpu.memref_slice %arg3[%mul3A_4] : memref<172032xi32, #tpu.memory_space<hbm>> -> memref<5376xi32, #tpu.memory_space<hbm>>
      tpu.enqueue_dma source(%dma_start3A_49 : memref<5376xi32, #tpu.memory_space<hbm>>) target(%arg11 : memref<5376xi32, #tpu.memory_space<vmem>>) target_semaphore(%run_scoped3A : memref<!tpu.dma_semaphore, #tpu.memory_space<semaphore_mem>>)
      %dma_wait3A_50 = tpu.memref_slice %arg3[%mul3A_4] : memref<172032xi32, #tpu.memory_space<hbm>> -> memref<5376xi32, #tpu.memory_space<hbm>>
      %dma_wait3A_51 = tpu.memref_slice %arg3[%mul3A_4] : memref<172032xi32, #tpu.memory_space<hbm>> -> memref<5376xi32, #tpu.memory_space<hbm>>
      tpu.wait_dma2 semaphore(%run_scoped3A : memref<!tpu.dma_semaphore, #tpu.memory_space<semaphore_mem>>) src(%dma_wait3A_51 : memref<5376xi32, #tpu.memory_space<hbm>>) dst(%arg11 : memref<5376xi32, #tpu.memory_space<vmem>>)
      tpu.yield
    }) : () -> ()
    %barrier3A = arith.constant 0 : index
    tpu.barrier barrier_id(%barrier3A)
    %iota3A = tpu.iota {dimensions = array<i32: 0>} : vector<16xi32>
    %mul3A_5 = arith.constant 0 : i32
    %mul3A_6 = vector.broadcast %mul3A_5 : i32 to vector<16xi32>
    %mul3A_7 = arith.muli %iota3A, %mul3A_6 : vector<16xi32>
    %get3A = arith.constant 0 : i32
    %get3A_8 = arith.index_cast %get3A : i32 to index
    %get3A_9 = arith.constant 0 : index
    %get3A_10 = tpu.vector_load %arg25[%get3A_8, %get3A_9] {strides = array<i32>} : memref<1x16xf32, #tpu.memory_space<vmem>>, vector<16xf32>,
    %shift_right_logical3A = arith.constant 3 : i32
    %shift_right_logical3A_11 = vector.broadcast %shift_right_logical3A : i32 to vector<16xi32>
    %shift_right_logical3A_12 = arith.shrui %iota3A, %shift_right_logical3A_11 : vector<16xi32>
    %and3A = arith.constant 7 : i32
    %and3A_13 = vector.broadcast %and3A : i32 to vector<16xi32>
    %and3A_14 = arith.andi %iota3A, %and3A_13 : vector<16xi32>
    %broadcast_in_dim3A = arith.constant 0.000000e+00 : f32
    %broadcast_in_dim3A_15 = vector.broadcast %broadcast_in_dim3A : f32 to vector<16xf32>
    %swap3A = arith.constant 128 : index
    %swap3A_16 = tpu.vector_load %arg24[%swap3A] {strides = array<i32>} : memref<144xf32, #tpu.memory_space<vmem>>, vector<16xf32>,
    tpu.vector_store %arg24[%swap3A], %broadcast_in_dim3A_15 {strides = array<i32>} : memref<144xf32, #tpu.memory_space<vmem>>, vector<16xf32>,
    %scan3A = arith.constant 0 : i32
    %scan3A_17 = arith.constant 8 : i32
    %scan3A_18 = arith.addi %scan3A, %scan3A_17 : i32
    %scan3A_19 = arith.constant 1 : i32
    scf.for %scan3A_48 = %scan3A to %scan3A_18 step %scan3A_19  : i32 {
      %mul3A_49 = arith.constant 16 : i32
      %mul3A_50 = arith.muli %scan3A_48, %mul3A_49 : i32
      %add3A_51 = arith.constant 0 : i32
      %add3A_52 = arith.addi %add3A_51, %mul3A_50 : i32
      %add3A_53 = arith.constant 0 : i32
      %add3A_54 = arith.addi %add3A_53, %add3A_52 : i32
      %get3A_55 = arith.index_cast %add3A_54 : i32 to index
      %get3A_56 = tpu.vector_load %arg10[%get3A_55] {strides = array<i32>} : memref<5376xi32, #tpu.memory_space<vmem>>, vector<16xi32>,
      %swap3A_57 = arith.index_cast %add3A_52 : i32 to index
      %swap3A_58 = tpu.vector_load %arg12[%swap3A_57] {strides = array<i32>} : memref<128xi32, #tpu.memory_space<vmem>>, vector<16xi32>,
      tpu.vector_store %arg12[%swap3A_57], %get3A_56 {strides = array<i32>} : memref<128xi32, #tpu.memory_space<vmem>>, vector<16xi32>,
      %add3A_59 = arith.constant 0 : i32
      %add3A_60 = arith.addi %add3A_59, %add3A_52 : i32
      %get3A_61 = arith.index_cast %add3A_60 : i32 to index
      %get3A_62 = tpu.vector_load %arg11[%get3A_61] {strides = array<i32>} : memref<5376xi32, #tpu.memory_space<vmem>>, vector<16xi32>,
      %swap3A_63 = arith.index_cast %add3A_52 : i32 to index
      %swap3A_64 = tpu.vector_load %arg14[%swap3A_63] {strides = array<i32>} : memref<128xi32, #tpu.memory_space<vmem>>, vector<16xi32>,
      tpu.vector_store %arg14[%swap3A_63], %get3A_62 {strides = array<i32>} : memref<128xi32, #tpu.memory_space<vmem>>, vector<16xi32>,
    }
    %scan3A_20 = arith.constant 8 : i32
    %dma_start3A = arith.constant 0 : i32
    %dma_start3A_21 = arith.constant 0 : i32
    %dma_start3A_22 = tpu.memref_slice %arg4[%dma_start3A, %dma_start3A_21] : memref<10240x16xf32, #tpu.memory_space<hbm>> -> memref<10240x16xf32, #tpu.memory_space<hbm>>
    tpu.enqueue_indirect_dma source(%dma_start3A_22 : memref<10240x16xf32, #tpu.memory_space<hbm>>) target(%arg16 : memref<128x16xf32, #tpu.memory_space<vmem>>) offsets(%arg14 : memref<128xi32, #tpu.memory_space<vmem>>) semaphore(%arg26 : memref<!tpu.dma_semaphore, #tpu.memory_space<semaphore_mem>>)
    %dma_start3A_23 = arith.constant 0 : i32
    %dma_start3A_24 = arith.constant 0 : i32
    %dma_start3A_25 = tpu.memref_slice %arg5[%dma_start3A_23, %dma_start3A_24] : memref<10240x32xf32, #tpu.memory_space<hbm>> -> memref<10240x32xf32, #tpu.memory_space<hbm>>
    tpu.enqueue_indirect_dma source(%dma_start3A_25 : memref<10240x32xf32, #tpu.memory_space<hbm>>) target(%arg18 : memref<128x32xf32, #tpu.memory_space<vmem>>) offsets(%arg12 : memref<128xi32, #tpu.memory_space<vmem>>) semaphore(%arg26 : memref<!tpu.dma_semaphore, #tpu.memory_space<semaphore_mem>>)
    %scan3A_26 = arith.constant 0 : i32
    %scan3A_27 = arith.constant 8 : i32
    %scan3A_28 = arith.addi %scan3A_26, %scan3A_27 : i32
    %scan3A_29 = arith.constant 1 : i32
    scf.for %scan3A_48 = %scan3A_26 to %scan3A_28 step %scan3A_29  : i32 {
      %mul3A_49 = arith.constant 16 : i32
      %mul3A_50 = arith.muli %scan3A_48, %mul3A_49 : i32
      %add3A_51 = arith.constant 0 : i32
      %add3A_52 = arith.addi %add3A_51, %mul3A_50 : i32
      %add3A_53 = arith.constant 128 : i32
      %add3A_54 = arith.addi %add3A_53, %add3A_52 : i32
      %get3A_55 = arith.index_cast %add3A_54 : i32 to index
      %get3A_56 = tpu.vector_load %arg10[%get3A_55] {strides = array<i32>} : memref<5376xi32, #tpu.memory_space<vmem>>, vector<16xi32>,
      %swap3A_57 = arith.index_cast %add3A_52 : i32 to index
      %swap3A_58 = tpu.vector_load %arg13[%swap3A_57] {strides = array<i32>} : memref<128xi32, #tpu.memory_space<vmem>>, vector<16xi32>,
      tpu.vector_store %arg13[%swap3A_57], %get3A_56 {strides = array<i32>} : memref<128xi32, #tpu.memory_space<vmem>>, vector<16xi32>,
      %add3A_59 = arith.constant 128 : i32
      %add3A_60 = arith.addi %add3A_59, %add3A_52 : i32
      %get3A_61 = arith.index_cast %add3A_60 : i32 to index
      %get3A_62 = tpu.vector_load %arg11[%get3A_61] {strides = array<i32>} : memref<5376xi32, #tpu.memory_space<vmem>>, vector<16xi32>,
      %swap3A_63 = arith.index_cast %add3A_52 : i32 to index
      %swap3A_64 = tpu.vector_load %arg15[%swap3A_63] {strides = array<i32>} : memref<128xi32, #tpu.memory_space<vmem>>, vector<16xi32>,
      tpu.vector_store %arg15[%swap3A_63], %get3A_62 {strides = array<i32>} : memref<128xi32, #tpu.memory_space<vmem>>, vector<16xi32>,
    }
    %scan3A_30 = arith.constant 8 : i32
    %dma_start3A_31 = arith.constant 0 : i32
    %dma_start3A_32 = arith.constant 0 : i32
    %dma_start3A_33 = tpu.memref_slice %arg4[%dma_start3A_31, %dma_start3A_32] : memref<10240x16xf32, #tpu.memory_space<hbm>> -> memref<10240x16xf32, #tpu.memory_space<hbm>>
    tpu.enqueue_indirect_dma source(%dma_start3A_33 : memref<10240x16xf32, #tpu.memory_space<hbm>>) target(%arg17 : memref<128x16xf32, #tpu.memory_space<vmem>>) offsets(%arg15 : memref<128xi32, #tpu.memory_space<vmem>>) semaphore(%arg27 : memref<!tpu.dma_semaphore, #tpu.memory_space<semaphore_mem>>)
    %dma_start3A_34 = arith.constant 0 : i32
    %dma_start3A_35 = arith.constant 0 : i32
    %dma_start3A_36 = tpu.memref_slice %arg5[%dma_start3A_34, %dma_start3A_35] : memref<10240x32xf32, #tpu.memory_space<hbm>> -> memref<10240x32xf32, #tpu.memory_space<hbm>>
    tpu.enqueue_indirect_dma source(%dma_start3A_36 : memref<10240x32xf32, #tpu.memory_space<hbm>>) target(%arg19 : memref<128x32xf32, #tpu.memory_space<vmem>>) offsets(%arg13 : memref<128xi32, #tpu.memory_space<vmem>>) semaphore(%arg27 : memref<!tpu.dma_semaphore, #tpu.memory_space<semaphore_mem>>)
    %scan3A_37 = arith.constant 0 : i32
    %scan3A_38 = arith.constant 21 : i32
    %scan3A_39 = arith.addi %scan3A_37, %scan3A_38 : i32
    %scan3A_40 = arith.constant 1 : i32
    scf.for %scan3A_48 = %scan3A_37 to %scan3A_39 step %scan3A_40  : i32 {
      %mul3A_49 = arith.constant 2 : i32
      %mul3A_50 = arith.muli %scan3A_48, %mul3A_49 : i32
      %add3A_51 = arith.constant 0 : i32
      %add3A_52 = arith.addi %add3A_51, %mul3A_50 : i32
      %dma_wait3A_53 = arith.constant 0 : i32
      %dma_wait3A_54 = arith.constant 0 : i32
      %dma_wait3A_55 = tpu.memref_slice %arg4[%dma_wait3A_53, %dma_wait3A_54] : memref<10240x16xf32, #tpu.memory_space<hbm>> -> memref<10240x16xf32, #tpu.memory_space<hbm>>
      tpu.wait_indirect_dma semaphore(%arg26 : memref<!tpu.dma_semaphore, #tpu.memory_space<semaphore_mem>>) src(%dma_wait3A_55 : memref<10240x16xf32, #tpu.memory_space<hbm>>) dst(%arg16 : memref<128x16xf32, #tpu.memory_space<vmem>>)
      %dma_wait3A_56 = arith.constant 0 : i32
      %dma_wait3A_57 = arith.constant 0 : i32
      %dma_wait3A_58 = tpu.memref_slice %arg5[%dma_wait3A_56, %dma_wait3A_57] : memref<10240x32xf32, #tpu.memory_space<hbm>> -> memref<10240x32xf32, #tpu.memory_space<hbm>>
      tpu.wait_indirect_dma semaphore(%arg26 : memref<!tpu.dma_semaphore, #tpu.memory_space<semaphore_mem>>) src(%dma_wait3A_58 : memref<10240x32xf32, #tpu.memory_space<hbm>>) dst(%arg18 : memref<128x32xf32, #tpu.memory_space<vmem>>)
      %ge3A = arith.constant 2 : i32
      %ge3A_59 = arith.cmpi sge, %add3A_52, %ge3A : i32
      %convert_element_type3A = arith.extui %ge3A_59 : i1 to i32
      %cond3A = arith.constant 0 : i32
      %cond3A_60 = arith.cmpi ne, %convert_element_type3A, %cond3A : i32
      scf.if %cond3A_60 {
        %dma_wait3A_114 = arith.constant 0 : i32
        %dma_wait3A_115 = arith.constant 0 : i32
        %dma_wait3A_116 = tpu.memref_slice %arg9[%dma_wait3A_114, %dma_wait3A_115] : memref<10240x32xf32, #tpu.memory_space<vmem_shared>> -> memref<10240x32xf32, #tpu.memory_space<vmem_shared>>
        tpu.wait_indirect_dma semaphore(%arg28 : memref<!tpu.dma_semaphore, #tpu.memory_space<semaphore_mem>>) src(%arg20 : memref<128x32xf32, #tpu.memory_space<vmem>>) dst(%dma_wait3A_116 : memref<10240x32xf32, #tpu.memory_space<vmem_shared>>)
      } else {
      }
      %parallel_loop3A = arith.constant 0 : i32
      %parallel_loop3A_61 = arith.constant 128 : i32
      %parallel_loop3A_62 = arith.constant 16 : i32
      scf.for %parallel_loop3A_114 = %parallel_loop3A to %parallel_loop3A_61 step %parallel_loop3A_62  : i32 {
        %parallel_loop3A_115 = vector.broadcast %parallel_loop3A_114 : i32 to vector<16xi32>
        %parallel_loop3A_116 = arith.addi %parallel_loop3A_115, %iota3A : vector<16xi32>
        %parallel_loop3A_117 = arith.constant 16 : i32
        %parallel_loop3A_118 = vector.broadcast %parallel_loop3A_117 : i32 to vector<16xi32>
        %parallel_loop3A_119 = arith.addi %mul3A_7, %parallel_loop3A_118 : vector<16xi32>
        %parallel_loop3A_120 = tpu.vector_load_idx %arg18[%parallel_loop3A_116, %parallel_loop3A_119] : memref<128x32xf32, #tpu.memory_space<vmem>>[vector<16xi32>, vector<16xi32>], vector<16xf32>,
        %parallel_loop3A_121 = vector.broadcast %parallel_loop3A_114 : i32 to vector<16xi32>
        %parallel_loop3A_122 = arith.addi %parallel_loop3A_121, %iota3A : vector<16xi32>
        %parallel_loop3A_123 = arith.constant 1 : i32
        %parallel_loop3A_124 = vector.broadcast %parallel_loop3A_123 : i32 to vector<16xi32>
        %parallel_loop3A_125 = arith.addi %mul3A_7, %parallel_loop3A_124 : vector<16xi32>
        %parallel_loop3A_126 = tpu.vector_load_idx %arg16[%parallel_loop3A_122, %parallel_loop3A_125] : memref<128x16xf32, #tpu.memory_space<vmem>>[vector<16xi32>, vector<16xi32>], vector<16xf32>,
        %parallel_loop3A_127 = arith.addf %parallel_loop3A_120, %parallel_loop3A_126 : vector<16xf32>
        %parallel_loop3A_128 = arith.constant 2.000000e-01 : f32
        %parallel_loop3A_129 = vector.broadcast %parallel_loop3A_128 : f32 to vector<16xf32>
        %parallel_loop3A_130 = arith.mulf %parallel_loop3A_129, %parallel_loop3A_127 : vector<16xf32>
        %parallel_loop3A_131 = arith.maximumf %parallel_loop3A_127, %parallel_loop3A_130 : vector<16xf32>
        %parallel_loop3A_132 = arith.subf %parallel_loop3A_131, %get3A_10 : vector<16xf32>
        %parallel_loop3A_133 = math.exp %parallel_loop3A_132 : vector<16xf32>
        %parallel_loop3A_134 = arith.index_cast %parallel_loop3A_114 : i32 to index
        %parallel_loop3A_135 = tpu.vector_load %arg24[%parallel_loop3A_134] {strides = array<i32>} : memref<144xf32, #tpu.memory_space<vmem>>, vector<16xf32>,
        tpu.vector_store %arg24[%parallel_loop3A_134], %parallel_loop3A_133 {strides = array<i32>} : memref<144xf32, #tpu.memory_space<vmem>>, vector<16xf32>,
      } {sc.loop_unroll_factor = 2 : i64, sc.parallel_access}
      %parallel_loop3A_63 = arith.constant 0 : i32
      %parallel_loop3A_64 = arith.constant 128 : i32
      %parallel_loop3A_65 = arith.constant 1 : i32
      scf.for %parallel_loop3A_114 = %parallel_loop3A_63 to %parallel_loop3A_64 step %parallel_loop3A_65  : i32 {
        %parallel_loop3A_115 = vector.broadcast %parallel_loop3A_114 : i32 to vector<16xi32>
        %parallel_loop3A_116 = arith.addi %parallel_loop3A_115, %mul3A_7 : vector<16xi32>
        %parallel_loop3A_117 = tpu.vector_load_idx %arg24[%parallel_loop3A_116] : memref<144xf32, #tpu.memory_space<vmem>>[vector<16xi32>], vector<16xf32>,
        %parallel_loop3A_118 = arith.index_cast %parallel_loop3A_114 : i32 to index
        %parallel_loop3A_119 = arith.constant 0 : index
        %parallel_loop3A_120 = tpu.vector_load %arg18[%parallel_loop3A_118, %parallel_loop3A_119] {strides = array<i32>} : memref<128x32xf32, #tpu.memory_space<vmem>>, vector<16xf32>,
        %parallel_loop3A_121 = arith.mulf %parallel_loop3A_120, %parallel_loop3A_117 : vector<16xf32>
        %parallel_loop3A_122 = arith.index_cast %parallel_loop3A_114 : i32 to index
        %parallel_loop3A_123 = arith.constant 0 : index
        %parallel_loop3A_124 = tpu.vector_load %arg20[%parallel_loop3A_122, %parallel_loop3A_123] {strides = array<i32>} : memref<128x32xf32, #tpu.memory_space<vmem>>, vector<16xf32>,
        tpu.vector_store %arg20[%parallel_loop3A_122, %parallel_loop3A_123], %parallel_loop3A_121 {strides = array<i32>} : memref<128x32xf32, #tpu.memory_space<vmem>>, vector<16xf32>,
        %parallel_loop3A_125 = arith.index_cast %parallel_loop3A_114 : i32 to index
        %parallel_loop3A_126 = arith.constant 16 : index
        %parallel_loop3A_127 = tpu.vector_load %arg20[%parallel_loop3A_125, %parallel_loop3A_126] {strides = array<i32>} : memref<128x32xf32, #tpu.memory_space<vmem>>, vector<16xf32>,
        tpu.vector_store %arg20[%parallel_loop3A_125, %parallel_loop3A_126], %parallel_loop3A_117 {strides = array<i32>} : memref<128x32xf32, #tpu.memory_space<vmem>>, vector<16xf32>,
      } {sc.loop_unroll_factor = 2 : i64, sc.parallel_access}
      %scan3A_66 = arith.constant 0 : i32
      %scan3A_67 = arith.constant 8 : i32
      %scan3A_68 = arith.addi %scan3A_66, %scan3A_67 : i32
      %scan3A_69 = arith.constant 1 : i32
      scf.for %scan3A_114 = %scan3A_66 to %scan3A_68 step %scan3A_69  : i32 {
        %mul3A_115 = arith.constant 16 : i32
        %mul3A_116 = arith.muli %scan3A_114, %mul3A_115 : i32
        %add3A_117 = arith.constant 0 : i32
        %add3A_118 = arith.addi %add3A_117, %mul3A_116 : i32
        %get3A_119 = arith.index_cast %add3A_118 : i32 to index
        %get3A_120 = tpu.vector_load %arg14[%get3A_119] {strides = array<i32>} : memref<128xi32, #tpu.memory_space<vmem>>, vector<16xi32>,
        %swap3A_121 = arith.index_cast %add3A_118 : i32 to index
        %swap3A_122 = tpu.vector_load %arg22[%swap3A_121] {strides = array<i32>} : memref<128xi32, #tpu.memory_space<vmem>>, vector<16xi32>,
        tpu.vector_store %arg22[%swap3A_121], %get3A_120 {strides = array<i32>} : memref<128xi32, #tpu.memory_space<vmem>>, vector<16xi32>,
      }
      %scan3A_70 = arith.constant 8 : i32
      %dma_start3A_71 = arith.constant 0 : i32
      %dma_start3A_72 = arith.constant 0 : i32
      %dma_start3A_73 = tpu.memref_slice %arg9[%dma_start3A_71, %dma_start3A_72] : memref<10240x32xf32, #tpu.memory_space<vmem_shared>> -> memref<10240x32xf32, #tpu.memory_space<vmem_shared>>
      tpu.enqueue_indirect_dma source(%arg20 : memref<128x32xf32, #tpu.memory_space<vmem>>) target(%dma_start3A_73 : memref<10240x32xf32, #tpu.memory_space<vmem_shared>>) offsets(%arg22 : memref<128xi32, #tpu.memory_space<vmem>>) semaphore(%arg28 : memref<!tpu.dma_semaphore, #tpu.memory_space<semaphore_mem>>) {add = true}
      %add3A_74 = arith.constant 2 : i32
      %add3A_75 = arith.addi %add3A_52, %add3A_74 : i32
      %lt3A = arith.constant 42 : i32
      %lt3A_76 = arith.cmpi slt, %add3A_75, %lt3A : i32
      %convert_element_type3A_77 = arith.extui %lt3A_76 : i1 to i32
      %cond3A_78 = arith.constant 0 : i32
      %cond3A_79 = arith.cmpi ne, %convert_element_type3A_77, %cond3A_78 : i32
      scf.if %cond3A_79 {
        %add3A_114 = arith.constant 2 : i32
        %add3A_115 = arith.addi %add3A_52, %add3A_114 : i32
        %mul3A_116 = arith.constant 128 : i32
        %mul3A_117 = arith.muli %add3A_115, %mul3A_116 : i32
        %scan3A_118 = arith.constant 0 : i32
        %scan3A_119 = arith.constant 8 : i32
        %scan3A_120 = arith.addi %scan3A_118, %scan3A_119 : i32
        %scan3A_121 = arith.constant 1 : i32
        scf.for %scan3A_129 = %scan3A_118 to %scan3A_120 step %scan3A_121  : i32 {
          %mul3A_130 = arith.constant 16 : i32
          %mul3A_131 = arith.muli %scan3A_129, %mul3A_130 : i32
          %add3A_132 = arith.constant 0 : i32
          %add3A_133 = arith.addi %add3A_132, %mul3A_131 : i32
          %add3A_134 = arith.addi %mul3A_117, %add3A_133 : i32
          %get3A_135 = arith.index_cast %add3A_134 : i32 to index
          %get3A_136 = tpu.vector_load %arg10[%get3A_135] {strides = array<i32>} : memref<5376xi32, #tpu.memory_space<vmem>>, vector<16xi32>,
          %swap3A_137 = arith.index_cast %add3A_133 : i32 to index
          %swap3A_138 = tpu.vector_load %arg12[%swap3A_137] {strides = array<i32>} : memref<128xi32, #tpu.memory_space<vmem>>, vector<16xi32>,
          tpu.vector_store %arg12[%swap3A_137], %get3A_136 {strides = array<i32>} : memref<128xi32, #tpu.memory_space<vmem>>, vector<16xi32>,
          %add3A_139 = arith.addi %mul3A_117, %add3A_133 : i32
          %get3A_140 = arith.index_cast %add3A_139 : i32 to index
          %get3A_141 = tpu.vector_load %arg11[%get3A_140] {strides = array<i32>} : memref<5376xi32, #tpu.memory_space<vmem>>, vector<16xi32>,
          %swap3A_142 = arith.index_cast %add3A_133 : i32 to index
          %swap3A_143 = tpu.vector_load %arg14[%swap3A_142] {strides = array<i32>} : memref<128xi32, #tpu.memory_space<vmem>>, vector<16xi32>,
          tpu.vector_store %arg14[%swap3A_142], %get3A_141 {strides = array<i32>} : memref<128xi32, #tpu.memory_space<vmem>>, vector<16xi32>,
        }
        %scan3A_122 = arith.constant 8 : i32
        %dma_start3A_123 = arith.constant 0 : i32
        %dma_start3A_124 = arith.constant 0 : i32
        %dma_start3A_125 = tpu.memref_slice %arg4[%dma_start3A_123, %dma_start3A_124] : memref<10240x16xf32, #tpu.memory_space<hbm>> -> memref<10240x16xf32, #tpu.memory_space<hbm>>
        tpu.enqueue_indirect_dma source(%dma_start3A_125 : memref<10240x16xf32, #tpu.memory_space<hbm>>) target(%arg16 : memref<128x16xf32, #tpu.memory_space<vmem>>) offsets(%arg14 : memref<128xi32, #tpu.memory_space<vmem>>) semaphore(%arg26 : memref<!tpu.dma_semaphore, #tpu.memory_space<semaphore_mem>>)
        %dma_start3A_126 = arith.constant 0 : i32
        %dma_start3A_127 = arith.constant 0 : i32
        %dma_start3A_128 = tpu.memref_slice %arg5[%dma_start3A_126, %dma_start3A_127] : memref<10240x32xf32, #tpu.memory_space<hbm>> -> memref<10240x32xf32, #tpu.memory_space<hbm>>
        tpu.enqueue_indirect_dma source(%dma_start3A_128 : memref<10240x32xf32, #tpu.memory_space<hbm>>) target(%arg18 : memref<128x32xf32, #tpu.memory_space<vmem>>) offsets(%arg12 : memref<128xi32, #tpu.memory_space<vmem>>) semaphore(%arg26 : memref<!tpu.dma_semaphore, #tpu.memory_space<semaphore_mem>>)
      } else {
      }
      %add3A_80 = arith.constant 1 : i32
      %add3A_81 = arith.addi %add3A_52, %add3A_80 : i32
      %dma_wait3A_82 = arith.constant 0 : i32
      %dma_wait3A_83 = arith.constant 0 : i32
      %dma_wait3A_84 = tpu.memref_slice %arg4[%dma_wait3A_82, %dma_wait3A_83] : memref<10240x16xf32, #tpu.memory_space<hbm>> -> memref<10240x16xf32, #tpu.memory_space<hbm>>
      tpu.wait_indirect_dma semaphore(%arg27 : memref<!tpu.dma_semaphore, #tpu.memory_space<semaphore_mem>>) src(%dma_wait3A_84 : memref<10240x16xf32, #tpu.memory_space<hbm>>) dst(%arg17 : memref<128x16xf32, #tpu.memory_space<vmem>>)
      %dma_wait3A_85 = arith.constant 0 : i32
      %dma_wait3A_86 = arith.constant 0 : i32
      %dma_wait3A_87 = tpu.memref_slice %arg5[%dma_wait3A_85, %dma_wait3A_86] : memref<10240x32xf32, #tpu.memory_space<hbm>> -> memref<10240x32xf32, #tpu.memory_space<hbm>>
      tpu.wait_indirect_dma semaphore(%arg27 : memref<!tpu.dma_semaphore, #tpu.memory_space<semaphore_mem>>) src(%dma_wait3A_87 : memref<10240x32xf32, #tpu.memory_space<hbm>>) dst(%arg19 : memref<128x32xf32, #tpu.memory_space<vmem>>)
      %ge3A_88 = arith.constant 2 : i32
      %ge3A_89 = arith.cmpi sge, %add3A_81, %ge3A_88 : i32
      %convert_element_type3A_90 = arith.extui %ge3A_89 : i1 to i32
      %cond3A_91 = arith.constant 0 : i32
      %cond3A_92 = arith.cmpi ne, %convert_element_type3A_90, %cond3A_91 : i32
      scf.if %cond3A_92 {
        %dma_wait3A_114 = arith.constant 0 : i32
        %dma_wait3A_115 = arith.constant 0 : i32
        %dma_wait3A_116 = tpu.memref_slice %arg9[%dma_wait3A_114, %dma_wait3A_115] : memref<10240x32xf32, #tpu.memory_space<vmem_shared>> -> memref<10240x32xf32, #tpu.memory_space<vmem_shared>>
        tpu.wait_indirect_dma semaphore(%arg29 : memref<!tpu.dma_semaphore, #tpu.memory_space<semaphore_mem>>) src(%arg21 : memref<128x32xf32, #tpu.memory_space<vmem>>) dst(%dma_wait3A_116 : memref<10240x32xf32, #tpu.memory_space<vmem_shared>>)
      } else {
      }
      %parallel_loop3A_93 = arith.constant 0 : i32
      %parallel_loop3A_94 = arith.constant 128 : i32
      %parallel_loop3A_95 = arith.constant 16 : i32
      scf.for %parallel_loop3A_114 = %parallel_loop3A_93 to %parallel_loop3A_94 step %parallel_loop3A_95  : i32 {
        %parallel_loop3A_115 = vector.broadcast %parallel_loop3A_114 : i32 to vector<16xi32>
        %parallel_loop3A_116 = arith.addi %parallel_loop3A_115, %iota3A : vector<16xi32>
        %parallel_loop3A_117 = arith.constant 16 : i32
        %parallel_loop3A_118 = vector.broadcast %parallel_loop3A_117 : i32 to vector<16xi32>
        %parallel_loop3A_119 = arith.addi %mul3A_7, %parallel_loop3A_118 : vector<16xi32>
        %parallel_loop3A_120 = tpu.vector_load_idx %arg19[%parallel_loop3A_116, %parallel_loop3A_119] : memref<128x32xf32, #tpu.memory_space<vmem>>[vector<16xi32>, vector<16xi32>], vector<16xf32>,
        %parallel_loop3A_121 = vector.broadcast %parallel_loop3A_114 : i32 to vector<16xi32>
        %parallel_loop3A_122 = arith.addi %parallel_loop3A_121, %iota3A : vector<16xi32>
        %parallel_loop3A_123 = arith.constant 1 : i32
        %parallel_loop3A_124 = vector.broadcast %parallel_loop3A_123 : i32 to vector<16xi32>
        %parallel_loop3A_125 = arith.addi %mul3A_7, %parallel_loop3A_124 : vector<16xi32>
        %parallel_loop3A_126 = tpu.vector_load_idx %arg17[%parallel_loop3A_122, %parallel_loop3A_125] : memref<128x16xf32, #tpu.memory_space<vmem>>[vector<16xi32>, vector<16xi32>], vector<16xf32>,
        %parallel_loop3A_127 = arith.addf %parallel_loop3A_120, %parallel_loop3A_126 : vector<16xf32>
        %parallel_loop3A_128 = arith.constant 2.000000e-01 : f32
        %parallel_loop3A_129 = vector.broadcast %parallel_loop3A_128 : f32 to vector<16xf32>
        %parallel_loop3A_130 = arith.mulf %parallel_loop3A_129, %parallel_loop3A_127 : vector<16xf32>
        %parallel_loop3A_131 = arith.maximumf %parallel_loop3A_127, %parallel_loop3A_130 : vector<16xf32>
        %parallel_loop3A_132 = arith.subf %parallel_loop3A_131, %get3A_10 : vector<16xf32>
        %parallel_loop3A_133 = math.exp %parallel_loop3A_132 : vector<16xf32>
        %parallel_loop3A_134 = arith.index_cast %parallel_loop3A_114 : i32 to index
        %parallel_loop3A_135 = tpu.vector_load %arg24[%parallel_loop3A_134] {strides = array<i32>} : memref<144xf32, #tpu.memory_space<vmem>>, vector<16xf32>,
        tpu.vector_store %arg24[%parallel_loop3A_134], %parallel_loop3A_133 {strides = array<i32>} : memref<144xf32, #tpu.memory_space<vmem>>, vector<16xf32>,
      } {sc.loop_unroll_factor = 2 : i64, sc.parallel_access}
      %parallel_loop3A_96 = arith.constant 0 : i32
      %parallel_loop3A_97 = arith.constant 128 : i32
      %parallel_loop3A_98 = arith.constant 1 : i32
      scf.for %parallel_loop3A_114 = %parallel_loop3A_96 to %parallel_loop3A_97 step %parallel_loop3A_98  : i32 {
        %parallel_loop3A_115 = vector.broadcast %parallel_loop3A_114 : i32 to vector<16xi32>
        %parallel_loop3A_116 = arith.addi %parallel_loop3A_115, %mul3A_7 : vector<16xi32>
        %parallel_loop3A_117 = tpu.vector_load_idx %arg24[%parallel_loop3A_116] : memref<144xf32, #tpu.memory_space<vmem>>[vector<16xi32>], vector<16xf32>,
        %parallel_loop3A_118 = arith.index_cast %parallel_loop3A_114 : i32 to index
        %parallel_loop3A_119 = arith.constant 0 : index
        %parallel_loop3A_120 = tpu.vector_load %arg19[%parallel_loop3A_118, %parallel_loop3A_119] {strides = array<i32>} : memref<128x32xf32, #tpu.memory_space<vmem>>, vector<16xf32>,
        %parallel_loop3A_121 = arith.mulf %parallel_loop3A_120, %parallel_loop3A_117 : vector<16xf32>
        %parallel_loop3A_122 = arith.index_cast %parallel_loop3A_114 : i32 to index
        %parallel_loop3A_123 = arith.constant 0 : index
        %parallel_loop3A_124 = tpu.vector_load %arg21[%parallel_loop3A_122, %parallel_loop3A_123] {strides = array<i32>} : memref<128x32xf32, #tpu.memory_space<vmem>>, vector<16xf32>,
        tpu.vector_store %arg21[%parallel_loop3A_122, %parallel_loop3A_123], %parallel_loop3A_121 {strides = array<i32>} : memref<128x32xf32, #tpu.memory_space<vmem>>, vector<16xf32>,
        %parallel_loop3A_125 = arith.index_cast %parallel_loop3A_114 : i32 to index
        %parallel_loop3A_126 = arith.constant 16 : index
        %parallel_loop3A_127 = tpu.vector_load %arg21[%parallel_loop3A_125, %parallel_loop3A_126] {strides = array<i32>} : memref<128x32xf32, #tpu.memory_space<vmem>>, vector<16xf32>,
        tpu.vector_store %arg21[%parallel_loop3A_125, %parallel_loop3A_126], %parallel_loop3A_117 {strides = array<i32>} : memref<128x32xf32, #tpu.memory_space<vmem>>, vector<16xf32>,
      } {sc.loop_unroll_factor = 2 : i64, sc.parallel_access}
      %scan3A_99 = arith.constant 0 : i32
      %scan3A_100 = arith.constant 8 : i32
      %scan3A_101 = arith.addi %scan3A_99, %scan3A_100 : i32
      %scan3A_102 = arith.constant 1 : i32
      scf.for %scan3A_114 = %scan3A_99 to %scan3A_101 step %scan3A_102  : i32 {
        %mul3A_115 = arith.constant 16 : i32
        %mul3A_116 = arith.muli %scan3A_114, %mul3A_115 : i32
        %add3A_117 = arith.constant 0 : i32
        %add3A_118 = arith.addi %add3A_117, %mul3A_116 : i32
        %get3A_119 = arith.index_cast %add3A_118 : i32 to index
        %get3A_120 = tpu.vector_load %arg15[%get3A_119] {strides = array<i32>} : memref<128xi32, #tpu.memory_space<vmem>>, vector<16xi32>,
        %swap3A_121 = arith.index_cast %add3A_118 : i32 to index
        %swap3A_122 = tpu.vector_load %arg23[%swap3A_121] {strides = array<i32>} : memref<128xi32, #tpu.memory_space<vmem>>, vector<16xi32>,
        tpu.vector_store %arg23[%swap3A_121], %get3A_120 {strides = array<i32>} : memref<128xi32, #tpu.memory_space<vmem>>, vector<16xi32>,
      }
      %scan3A_103 = arith.constant 8 : i32
      %dma_start3A_104 = arith.constant 0 : i32
      %dma_start3A_105 = arith.constant 0 : i32
      %dma_start3A_106 = tpu.memref_slice %arg9[%dma_start3A_104, %dma_start3A_105] : memref<10240x32xf32, #tpu.memory_space<vmem_shared>> -> memref<10240x32xf32, #tpu.memory_space<vmem_shared>>
      tpu.enqueue_indirect_dma source(%arg21 : memref<128x32xf32, #tpu.memory_space<vmem>>) target(%dma_start3A_106 : memref<10240x32xf32, #tpu.memory_space<vmem_shared>>) offsets(%arg23 : memref<128xi32, #tpu.memory_space<vmem>>) semaphore(%arg29 : memref<!tpu.dma_semaphore, #tpu.memory_space<semaphore_mem>>) {add = true}
      %add3A_107 = arith.constant 2 : i32
      %add3A_108 = arith.addi %add3A_81, %add3A_107 : i32
      %lt3A_109 = arith.constant 42 : i32
      %lt3A_110 = arith.cmpi slt, %add3A_108, %lt3A_109 : i32
      %convert_element_type3A_111 = arith.extui %lt3A_110 : i1 to i32
      %cond3A_112 = arith.constant 0 : i32
      %cond3A_113 = arith.cmpi ne, %convert_element_type3A_111, %cond3A_112 : i32
      scf.if %cond3A_113 {
        %add3A_114 = arith.constant 2 : i32
        %add3A_115 = arith.addi %add3A_81, %add3A_114 : i32
        %mul3A_116 = arith.constant 128 : i32
        %mul3A_117 = arith.muli %add3A_115, %mul3A_116 : i32
        %scan3A_118 = arith.constant 0 : i32
        %scan3A_119 = arith.constant 8 : i32
        %scan3A_120 = arith.addi %scan3A_118, %scan3A_119 : i32
        %scan3A_121 = arith.constant 1 : i32
        scf.for %scan3A_129 = %scan3A_118 to %scan3A_120 step %scan3A_121  : i32 {
          %mul3A_130 = arith.constant 16 : i32
          %mul3A_131 = arith.muli %scan3A_129, %mul3A_130 : i32
          %add3A_132 = arith.constant 0 : i32
          %add3A_133 = arith.addi %add3A_132, %mul3A_131 : i32
          %add3A_134 = arith.addi %mul3A_117, %add3A_133 : i32
          %get3A_135 = arith.index_cast %add3A_134 : i32 to index
          %get3A_136 = tpu.vector_load %arg10[%get3A_135] {strides = array<i32>} : memref<5376xi32, #tpu.memory_space<vmem>>, vector<16xi32>,
          %swap3A_137 = arith.index_cast %add3A_133 : i32 to index
          %swap3A_138 = tpu.vector_load %arg13[%swap3A_137] {strides = array<i32>} : memref<128xi32, #tpu.memory_space<vmem>>, vector<16xi32>,
          tpu.vector_store %arg13[%swap3A_137], %get3A_136 {strides = array<i32>} : memref<128xi32, #tpu.memory_space<vmem>>, vector<16xi32>,
          %add3A_139 = arith.addi %mul3A_117, %add3A_133 : i32
          %get3A_140 = arith.index_cast %add3A_139 : i32 to index
          %get3A_141 = tpu.vector_load %arg11[%get3A_140] {strides = array<i32>} : memref<5376xi32, #tpu.memory_space<vmem>>, vector<16xi32>,
          %swap3A_142 = arith.index_cast %add3A_133 : i32 to index
          %swap3A_143 = tpu.vector_load %arg15[%swap3A_142] {strides = array<i32>} : memref<128xi32, #tpu.memory_space<vmem>>, vector<16xi32>,
          tpu.vector_store %arg15[%swap3A_142], %get3A_141 {strides = array<i32>} : memref<128xi32, #tpu.memory_space<vmem>>, vector<16xi32>,
        }
        %scan3A_122 = arith.constant 8 : i32
        %dma_start3A_123 = arith.constant 0 : i32
        %dma_start3A_124 = arith.constant 0 : i32
        %dma_start3A_125 = tpu.memref_slice %arg4[%dma_start3A_123, %dma_start3A_124] : memref<10240x16xf32, #tpu.memory_space<hbm>> -> memref<10240x16xf32, #tpu.memory_space<hbm>>
        tpu.enqueue_indirect_dma source(%dma_start3A_125 : memref<10240x16xf32, #tpu.memory_space<hbm>>) target(%arg17 : memref<128x16xf32, #tpu.memory_space<vmem>>) offsets(%arg15 : memref<128xi32, #tpu.memory_space<vmem>>) semaphore(%arg27 : memref<!tpu.dma_semaphore, #tpu.memory_space<semaphore_mem>>)
        %dma_start3A_126 = arith.constant 0 : i32
        %dma_start3A_127 = arith.constant 0 : i32
        %dma_start3A_128 = tpu.memref_slice %arg5[%dma_start3A_126, %dma_start3A_127] : memref<10240x32xf32, #tpu.memory_space<hbm>> -> memref<10240x32xf32, #tpu.memory_space<hbm>>
        tpu.enqueue_indirect_dma source(%dma_start3A_128 : memref<10240x32xf32, #tpu.memory_space<hbm>>) target(%arg19 : memref<128x32xf32, #tpu.memory_space<vmem>>) offsets(%arg13 : memref<128xi32, #tpu.memory_space<vmem>>) semaphore(%arg27 : memref<!tpu.dma_semaphore, #tpu.memory_space<semaphore_mem>>)
      } else {
      }
    }
    %scan3A_41 = arith.constant 21 : i32
    %dma_wait3A = arith.constant 0 : i32
    %dma_wait3A_42 = arith.constant 0 : i32
    %dma_wait3A_43 = tpu.memref_slice %arg9[%dma_wait3A, %dma_wait3A_42] : memref<10240x32xf32, #tpu.memory_space<vmem_shared>> -> memref<10240x32xf32, #tpu.memory_space<vmem_shared>>
    tpu.wait_indirect_dma semaphore(%arg28 : memref<!tpu.dma_semaphore, #tpu.memory_space<semaphore_mem>>) src(%arg20 : memref<128x32xf32, #tpu.memory_space<vmem>>) dst(%dma_wait3A_43 : memref<10240x32xf32, #tpu.memory_space<vmem_shared>>)
    %dma_wait3A_44 = arith.constant 0 : i32
    %dma_wait3A_45 = arith.constant 0 : i32
    %dma_wait3A_46 = tpu.memref_slice %arg9[%dma_wait3A_44, %dma_wait3A_45] : memref<10240x32xf32, #tpu.memory_space<vmem_shared>> -> memref<10240x32xf32, #tpu.memory_space<vmem_shared>>
    tpu.wait_indirect_dma semaphore(%arg29 : memref<!tpu.dma_semaphore, #tpu.memory_space<semaphore_mem>>) src(%arg21 : memref<128x32xf32, #tpu.memory_space<vmem>>) dst(%dma_wait3A_46 : memref<10240x32xf32, #tpu.memory_space<vmem_shared>>)
    %barrier3A_47 = arith.constant 0 : index
    tpu.barrier barrier_id(%barrier3A_47)
    "tpu.region"() ({
      %run_scoped3A = tpu.sem_alloc : memref<!tpu.dma_semaphore, #tpu.memory_space<semaphore_mem>>
      %dma_start3A_48 = arith.constant 0 : i32
      %dma_start3A_49 = tpu.memref_slice %arg8[%arg0, %mul3A_2, %dma_start3A_48] : memref<2x10240x32xf32, #tpu.memory_space<hbm>> -> memref<1x640x32xf32, #tpu.memory_space<hbm>>
      %dma_start3A_50 = tpu.memref_squeeze %dma_start3A_49 : memref<1x640x32xf32, #tpu.memory_space<hbm>> -> memref<640x32xf32, #tpu.memory_space<hbm>>
      %dma_start3A_51 = arith.constant 0 : i32
      %dma_start3A_52 = tpu.memref_slice %arg9[%mul3A_2, %dma_start3A_51] : memref<10240x32xf32, #tpu.memory_space<vmem_shared>> -> memref<640x32xf32, #tpu.memory_space<vmem_shared>>
      tpu.enqueue_dma source(%dma_start3A_52 : memref<640x32xf32, #tpu.memory_space<vmem_shared>>) target(%dma_start3A_50 : memref<640x32xf32, #tpu.memory_space<hbm>>) target_semaphore(%run_scoped3A : memref<!tpu.dma_semaphore, #tpu.memory_space<semaphore_mem>>)
      %dma_wait3A_53 = arith.constant 0 : i32
      %dma_wait3A_54 = tpu.memref_slice %arg8[%arg0, %mul3A_2, %dma_wait3A_53] : memref<2x10240x32xf32, #tpu.memory_space<hbm>> -> memref<1x640x32xf32, #tpu.memory_space<hbm>>
      %dma_wait3A_55 = tpu.memref_squeeze %dma_wait3A_54 : memref<1x640x32xf32, #tpu.memory_space<hbm>> -> memref<640x32xf32, #tpu.memory_space<hbm>>
      %dma_wait3A_56 = arith.constant 0 : i32
      %dma_wait3A_57 = tpu.memref_slice %arg9[%mul3A_2, %dma_wait3A_56] : memref<10240x32xf32, #tpu.memory_space<vmem_shared>> -> memref<640x32xf32, #tpu.memory_space<vmem_shared>>
      tpu.wait_dma2 semaphore(%run_scoped3A : memref<!tpu.dma_semaphore, #tpu.memory_space<semaphore_mem>>) src(%dma_wait3A_57 : memref<640x32xf32, #tpu.memory_space<vmem_shared>>) dst(%dma_wait3A_55 : memref<640x32xf32, #tpu.memory_space<hbm>>)
      tpu.yield
    }) : () -> ()
    return
  }
}

#map = affine_map<(d0, d1) -> (0)>
#map1 = affine_map<(d0, d1) -> (0, 0)>
#map2 = affine_map<(d0, d1) -> (0, 0, 0)>
module attributes {stable_mosaic.version = 14 : i64} {
  func.func @sc_edge(%arg0: i32, %arg1: i32, %arg2: memref<172032xi32, #tpu.memory_space<hbm>>, %arg3: memref<172032xi32, #tpu.memory_space<hbm>>, %arg4: memref<10240x16xf32, #tpu.memory_space<hbm>>, %arg5: memref<10240x80xf32, #tpu.memory_space<hbm>>, %arg6: memref<1x16xf32, #tpu.memory_space<hbm>>, %arg7: memref<10240x80xf32, #tpu.memory_space<hbm>>, %arg8: memref<2x10240x80xf32, #tpu.memory_space<hbm>>, %arg9: memref<10240x80xf32, #tpu.memory_space<vmem_shared>>, %arg10: memref<5376xi32, #tpu.memory_space<vmem>>, %arg11: memref<5376xi32, #tpu.memory_space<vmem>>, %arg12: memref<128xi32, #tpu.memory_space<vmem>>, %arg13: memref<128xi32, #tpu.memory_space<vmem>>, %arg14: memref<128xi32, #tpu.memory_space<vmem>>, %arg15: memref<128xi32, #tpu.memory_space<vmem>>, %arg16: memref<128x16xf32, #tpu.memory_space<vmem>>, %arg17: memref<128x16xf32, #tpu.memory_space<vmem>>, %arg18: memref<128x80xf32, #tpu.memory_space<vmem>>, %arg19: memref<128x80xf32, #tpu.memory_space<vmem>>, %arg20: memref<128x80xf32, #tpu.memory_space<vmem>>, %arg21: memref<128x80xf32, #tpu.memory_space<vmem>>, %arg22: memref<128xi32, #tpu.memory_space<vmem>>, %arg23: memref<128xi32, #tpu.memory_space<vmem>>, %arg24: memref<1040xf32, #tpu.memory_space<vmem>>, %arg25: memref<1x16xf32, #tpu.memory_space<vmem>>, %arg26: memref<!tpu.dma_semaphore, #tpu.memory_space<semaphore_mem>>, %arg27: memref<!tpu.dma_semaphore, #tpu.memory_space<semaphore_mem>>, %arg28: memref<!tpu.dma_semaphore, #tpu.memory_space<semaphore_mem>>, %arg29: memref<!tpu.dma_semaphore, #tpu.memory_space<semaphore_mem>>) attributes {dimension_semantics = [#tpu.dimension_semantics<core_parallel>, #tpu.dimension_semantics<subcore_parallel>], iteration_bounds = array<i64: 2, 16>, scalar_prefetch = 0 : i64, scratch_operands = 21 : i64, tpu.core_type = #tpu.core_type<sc_vector_subcore>, window_params = [{transform_indices = #map}, {transform_indices = #map}, {transform_indices = #map1}, {transform_indices = #map1}, {transform_indices = #map1}, {transform_indices = #map1}, {transform_indices = #map2}]} {
    %mul3A = arith.constant 16 : i32
    %mul3A_0 = arith.muli %arg0, %mul3A : i32
    %add3A = arith.addi %mul3A_0, %arg1 : i32
    %mul3A_1 = arith.constant 640 : i32
    %mul3A_2 = arith.muli %arg1, %mul3A_1 : i32
    "tpu.region"() ({
      %run_scoped3A = tpu.sem_alloc : memref<!tpu.dma_semaphore, #tpu.memory_space<semaphore_mem>>
      %dma_start3A_48 = arith.constant 0 : i32
      %dma_start3A_49 = tpu.memref_slice %arg9[%mul3A_2, %dma_start3A_48] : memref<10240x80xf32, #tpu.memory_space<vmem_shared>> -> memref<640x80xf32, #tpu.memory_space<vmem_shared>>
      %dma_start3A_50 = arith.constant 0 : i32
      %dma_start3A_51 = tpu.memref_slice %arg7[%mul3A_2, %dma_start3A_50] : memref<10240x80xf32, #tpu.memory_space<hbm>> -> memref<640x80xf32, #tpu.memory_space<hbm>>
      tpu.enqueue_dma source(%dma_start3A_51 : memref<640x80xf32, #tpu.memory_space<hbm>>) target(%dma_start3A_49 : memref<640x80xf32, #tpu.memory_space<vmem_shared>>) target_semaphore(%run_scoped3A : memref<!tpu.dma_semaphore, #tpu.memory_space<semaphore_mem>>)
      %dma_wait3A_52 = arith.constant 0 : i32
      %dma_wait3A_53 = tpu.memref_slice %arg9[%mul3A_2, %dma_wait3A_52] : memref<10240x80xf32, #tpu.memory_space<vmem_shared>> -> memref<640x80xf32, #tpu.memory_space<vmem_shared>>
      %dma_wait3A_54 = arith.constant 0 : i32
      %dma_wait3A_55 = tpu.memref_slice %arg7[%mul3A_2, %dma_wait3A_54] : memref<10240x80xf32, #tpu.memory_space<hbm>> -> memref<640x80xf32, #tpu.memory_space<hbm>>
      tpu.wait_dma2 semaphore(%run_scoped3A : memref<!tpu.dma_semaphore, #tpu.memory_space<semaphore_mem>>) src(%dma_wait3A_55 : memref<640x80xf32, #tpu.memory_space<hbm>>) dst(%dma_wait3A_53 : memref<640x80xf32, #tpu.memory_space<vmem_shared>>)
      tpu.yield
    }) : () -> ()
    "tpu.region"() ({
      %run_scoped3A = tpu.sem_alloc : memref<!tpu.dma_semaphore, #tpu.memory_space<semaphore_mem>>
      tpu.enqueue_dma source(%arg6 : memref<1x16xf32, #tpu.memory_space<hbm>>) target(%arg25 : memref<1x16xf32, #tpu.memory_space<vmem>>) target_semaphore(%run_scoped3A : memref<!tpu.dma_semaphore, #tpu.memory_space<semaphore_mem>>)
      tpu.wait_dma2 semaphore(%run_scoped3A : memref<!tpu.dma_semaphore, #tpu.memory_space<semaphore_mem>>) src(%arg6 : memref<1x16xf32, #tpu.memory_space<hbm>>) dst(%arg25 : memref<1x16xf32, #tpu.memory_space<vmem>>)
      tpu.yield
    }) : () -> ()
    %mul3A_3 = arith.constant 5376 : i32
    %mul3A_4 = arith.muli %add3A, %mul3A_3 : i32
    "tpu.region"() ({
      %run_scoped3A = tpu.sem_alloc : memref<!tpu.dma_semaphore, #tpu.memory_space<semaphore_mem>>
      %dma_start3A_48 = tpu.memref_slice %arg2[%mul3A_4] : memref<172032xi32, #tpu.memory_space<hbm>> -> memref<5376xi32, #tpu.memory_space<hbm>>
      %dma_start3A_49 = tpu.memref_slice %arg2[%mul3A_4] : memref<172032xi32, #tpu.memory_space<hbm>> -> memref<5376xi32, #tpu.memory_space<hbm>>
      tpu.enqueue_dma source(%dma_start3A_49 : memref<5376xi32, #tpu.memory_space<hbm>>) target(%arg10 : memref<5376xi32, #tpu.memory_space<vmem>>) target_semaphore(%run_scoped3A : memref<!tpu.dma_semaphore, #tpu.memory_space<semaphore_mem>>)
      %dma_wait3A_50 = tpu.memref_slice %arg2[%mul3A_4] : memref<172032xi32, #tpu.memory_space<hbm>> -> memref<5376xi32, #tpu.memory_space<hbm>>
      %dma_wait3A_51 = tpu.memref_slice %arg2[%mul3A_4] : memref<172032xi32, #tpu.memory_space<hbm>> -> memref<5376xi32, #tpu.memory_space<hbm>>
      tpu.wait_dma2 semaphore(%run_scoped3A : memref<!tpu.dma_semaphore, #tpu.memory_space<semaphore_mem>>) src(%dma_wait3A_51 : memref<5376xi32, #tpu.memory_space<hbm>>) dst(%arg10 : memref<5376xi32, #tpu.memory_space<vmem>>)
      tpu.yield
    }) : () -> ()
    "tpu.region"() ({
      %run_scoped3A = tpu.sem_alloc : memref<!tpu.dma_semaphore, #tpu.memory_space<semaphore_mem>>
      %dma_start3A_48 = tpu.memref_slice %arg3[%mul3A_4] : memref<172032xi32, #tpu.memory_space<hbm>> -> memref<5376xi32, #tpu.memory_space<hbm>>
      %dma_start3A_49 = tpu.memref_slice %arg3[%mul3A_4] : memref<172032xi32, #tpu.memory_space<hbm>> -> memref<5376xi32, #tpu.memory_space<hbm>>
      tpu.enqueue_dma source(%dma_start3A_49 : memref<5376xi32, #tpu.memory_space<hbm>>) target(%arg11 : memref<5376xi32, #tpu.memory_space<vmem>>) target_semaphore(%run_scoped3A : memref<!tpu.dma_semaphore, #tpu.memory_space<semaphore_mem>>)
      %dma_wait3A_50 = tpu.memref_slice %arg3[%mul3A_4] : memref<172032xi32, #tpu.memory_space<hbm>> -> memref<5376xi32, #tpu.memory_space<hbm>>
      %dma_wait3A_51 = tpu.memref_slice %arg3[%mul3A_4] : memref<172032xi32, #tpu.memory_space<hbm>> -> memref<5376xi32, #tpu.memory_space<hbm>>
      tpu.wait_dma2 semaphore(%run_scoped3A : memref<!tpu.dma_semaphore, #tpu.memory_space<semaphore_mem>>) src(%dma_wait3A_51 : memref<5376xi32, #tpu.memory_space<hbm>>) dst(%arg11 : memref<5376xi32, #tpu.memory_space<vmem>>)
      tpu.yield
    }) : () -> ()
    %barrier3A = arith.constant 0 : index
    tpu.barrier barrier_id(%barrier3A)
    %iota3A = tpu.iota {dimensions = array<i32: 0>} : vector<16xi32>
    %mul3A_5 = arith.constant 0 : i32
    %mul3A_6 = vector.broadcast %mul3A_5 : i32 to vector<16xi32>
    %mul3A_7 = arith.muli %iota3A, %mul3A_6 : vector<16xi32>
    %get3A = arith.constant 0 : i32
    %get3A_8 = arith.index_cast %get3A : i32 to index
    %get3A_9 = arith.constant 0 : index
    %get3A_10 = tpu.vector_load %arg25[%get3A_8, %get3A_9] {strides = array<i32>} : memref<1x16xf32, #tpu.memory_space<vmem>>, vector<16xf32>,
    %shift_right_logical3A = arith.constant 3 : i32
    %shift_right_logical3A_11 = vector.broadcast %shift_right_logical3A : i32 to vector<16xi32>
    %shift_right_logical3A_12 = arith.shrui %iota3A, %shift_right_logical3A_11 : vector<16xi32>
    %and3A = arith.constant 7 : i32
    %and3A_13 = vector.broadcast %and3A : i32 to vector<16xi32>
    %and3A_14 = arith.andi %iota3A, %and3A_13 : vector<16xi32>
    %broadcast_in_dim3A = arith.constant 0.000000e+00 : f32
    %broadcast_in_dim3A_15 = vector.broadcast %broadcast_in_dim3A : f32 to vector<16xf32>
    %swap3A = arith.constant 1024 : index
    %swap3A_16 = tpu.vector_load %arg24[%swap3A] {strides = array<i32>} : memref<1040xf32, #tpu.memory_space<vmem>>, vector<16xf32>,
    tpu.vector_store %arg24[%swap3A], %broadcast_in_dim3A_15 {strides = array<i32>} : memref<1040xf32, #tpu.memory_space<vmem>>, vector<16xf32>,
    %scan3A = arith.constant 0 : i32
    %scan3A_17 = arith.constant 8 : i32
    %scan3A_18 = arith.addi %scan3A, %scan3A_17 : i32
    %scan3A_19 = arith.constant 1 : i32
    scf.for %scan3A_48 = %scan3A to %scan3A_18 step %scan3A_19  : i32 {
      %mul3A_49 = arith.constant 16 : i32
      %mul3A_50 = arith.muli %scan3A_48, %mul3A_49 : i32
      %add3A_51 = arith.constant 0 : i32
      %add3A_52 = arith.addi %add3A_51, %mul3A_50 : i32
      %add3A_53 = arith.constant 0 : i32
      %add3A_54 = arith.addi %add3A_53, %add3A_52 : i32
      %get3A_55 = arith.index_cast %add3A_54 : i32 to index
      %get3A_56 = tpu.vector_load %arg10[%get3A_55] {strides = array<i32>} : memref<5376xi32, #tpu.memory_space<vmem>>, vector<16xi32>,
      %swap3A_57 = arith.index_cast %add3A_52 : i32 to index
      %swap3A_58 = tpu.vector_load %arg12[%swap3A_57] {strides = array<i32>} : memref<128xi32, #tpu.memory_space<vmem>>, vector<16xi32>,
      tpu.vector_store %arg12[%swap3A_57], %get3A_56 {strides = array<i32>} : memref<128xi32, #tpu.memory_space<vmem>>, vector<16xi32>,
      %add3A_59 = arith.constant 0 : i32
      %add3A_60 = arith.addi %add3A_59, %add3A_52 : i32
      %get3A_61 = arith.index_cast %add3A_60 : i32 to index
      %get3A_62 = tpu.vector_load %arg11[%get3A_61] {strides = array<i32>} : memref<5376xi32, #tpu.memory_space<vmem>>, vector<16xi32>,
      %swap3A_63 = arith.index_cast %add3A_52 : i32 to index
      %swap3A_64 = tpu.vector_load %arg14[%swap3A_63] {strides = array<i32>} : memref<128xi32, #tpu.memory_space<vmem>>, vector<16xi32>,
      tpu.vector_store %arg14[%swap3A_63], %get3A_62 {strides = array<i32>} : memref<128xi32, #tpu.memory_space<vmem>>, vector<16xi32>,
    }
    %scan3A_20 = arith.constant 8 : i32
    %dma_start3A = arith.constant 0 : i32
    %dma_start3A_21 = arith.constant 0 : i32
    %dma_start3A_22 = tpu.memref_slice %arg4[%dma_start3A, %dma_start3A_21] : memref<10240x16xf32, #tpu.memory_space<hbm>> -> memref<10240x16xf32, #tpu.memory_space<hbm>>
    tpu.enqueue_indirect_dma source(%dma_start3A_22 : memref<10240x16xf32, #tpu.memory_space<hbm>>) target(%arg16 : memref<128x16xf32, #tpu.memory_space<vmem>>) offsets(%arg14 : memref<128xi32, #tpu.memory_space<vmem>>) semaphore(%arg26 : memref<!tpu.dma_semaphore, #tpu.memory_space<semaphore_mem>>)
    %dma_start3A_23 = arith.constant 0 : i32
    %dma_start3A_24 = arith.constant 0 : i32
    %dma_start3A_25 = tpu.memref_slice %arg5[%dma_start3A_23, %dma_start3A_24] : memref<10240x80xf32, #tpu.memory_space<hbm>> -> memref<10240x80xf32, #tpu.memory_space<hbm>>
    tpu.enqueue_indirect_dma source(%dma_start3A_25 : memref<10240x80xf32, #tpu.memory_space<hbm>>) target(%arg18 : memref<128x80xf32, #tpu.memory_space<vmem>>) offsets(%arg12 : memref<128xi32, #tpu.memory_space<vmem>>) semaphore(%arg26 : memref<!tpu.dma_semaphore, #tpu.memory_space<semaphore_mem>>)
    %scan3A_26 = arith.constant 0 : i32
    %scan3A_27 = arith.constant 8 : i32
    %scan3A_28 = arith.addi %scan3A_26, %scan3A_27 : i32
    %scan3A_29 = arith.constant 1 : i32
    scf.for %scan3A_48 = %scan3A_26 to %scan3A_28 step %scan3A_29  : i32 {
      %mul3A_49 = arith.constant 16 : i32
      %mul3A_50 = arith.muli %scan3A_48, %mul3A_49 : i32
      %add3A_51 = arith.constant 0 : i32
      %add3A_52 = arith.addi %add3A_51, %mul3A_50 : i32
      %add3A_53 = arith.constant 128 : i32
      %add3A_54 = arith.addi %add3A_53, %add3A_52 : i32
      %get3A_55 = arith.index_cast %add3A_54 : i32 to index
      %get3A_56 = tpu.vector_load %arg10[%get3A_55] {strides = array<i32>} : memref<5376xi32, #tpu.memory_space<vmem>>, vector<16xi32>,
      %swap3A_57 = arith.index_cast %add3A_52 : i32 to index
      %swap3A_58 = tpu.vector_load %arg13[%swap3A_57] {strides = array<i32>} : memref<128xi32, #tpu.memory_space<vmem>>, vector<16xi32>,
      tpu.vector_store %arg13[%swap3A_57], %get3A_56 {strides = array<i32>} : memref<128xi32, #tpu.memory_space<vmem>>, vector<16xi32>,
      %add3A_59 = arith.constant 128 : i32
      %add3A_60 = arith.addi %add3A_59, %add3A_52 : i32
      %get3A_61 = arith.index_cast %add3A_60 : i32 to index
      %get3A_62 = tpu.vector_load %arg11[%get3A_61] {strides = array<i32>} : memref<5376xi32, #tpu.memory_space<vmem>>, vector<16xi32>,
      %swap3A_63 = arith.index_cast %add3A_52 : i32 to index
      %swap3A_64 = tpu.vector_load %arg15[%swap3A_63] {strides = array<i32>} : memref<128xi32, #tpu.memory_space<vmem>>, vector<16xi32>,
      tpu.vector_store %arg15[%swap3A_63], %get3A_62 {strides = array<i32>} : memref<128xi32, #tpu.memory_space<vmem>>, vector<16xi32>,
    }
    %scan3A_30 = arith.constant 8 : i32
    %dma_start3A_31 = arith.constant 0 : i32
    %dma_start3A_32 = arith.constant 0 : i32
    %dma_start3A_33 = tpu.memref_slice %arg4[%dma_start3A_31, %dma_start3A_32] : memref<10240x16xf32, #tpu.memory_space<hbm>> -> memref<10240x16xf32, #tpu.memory_space<hbm>>
    tpu.enqueue_indirect_dma source(%dma_start3A_33 : memref<10240x16xf32, #tpu.memory_space<hbm>>) target(%arg17 : memref<128x16xf32, #tpu.memory_space<vmem>>) offsets(%arg15 : memref<128xi32, #tpu.memory_space<vmem>>) semaphore(%arg27 : memref<!tpu.dma_semaphore, #tpu.memory_space<semaphore_mem>>)
    %dma_start3A_34 = arith.constant 0 : i32
    %dma_start3A_35 = arith.constant 0 : i32
    %dma_start3A_36 = tpu.memref_slice %arg5[%dma_start3A_34, %dma_start3A_35] : memref<10240x80xf32, #tpu.memory_space<hbm>> -> memref<10240x80xf32, #tpu.memory_space<hbm>>
    tpu.enqueue_indirect_dma source(%dma_start3A_36 : memref<10240x80xf32, #tpu.memory_space<hbm>>) target(%arg19 : memref<128x80xf32, #tpu.memory_space<vmem>>) offsets(%arg13 : memref<128xi32, #tpu.memory_space<vmem>>) semaphore(%arg27 : memref<!tpu.dma_semaphore, #tpu.memory_space<semaphore_mem>>)
    %scan3A_37 = arith.constant 0 : i32
    %scan3A_38 = arith.constant 21 : i32
    %scan3A_39 = arith.addi %scan3A_37, %scan3A_38 : i32
    %scan3A_40 = arith.constant 1 : i32
    scf.for %scan3A_48 = %scan3A_37 to %scan3A_39 step %scan3A_40  : i32 {
      %mul3A_49 = arith.constant 2 : i32
      %mul3A_50 = arith.muli %scan3A_48, %mul3A_49 : i32
      %add3A_51 = arith.constant 0 : i32
      %add3A_52 = arith.addi %add3A_51, %mul3A_50 : i32
      %dma_wait3A_53 = arith.constant 0 : i32
      %dma_wait3A_54 = arith.constant 0 : i32
      %dma_wait3A_55 = tpu.memref_slice %arg4[%dma_wait3A_53, %dma_wait3A_54] : memref<10240x16xf32, #tpu.memory_space<hbm>> -> memref<10240x16xf32, #tpu.memory_space<hbm>>
      tpu.wait_indirect_dma semaphore(%arg26 : memref<!tpu.dma_semaphore, #tpu.memory_space<semaphore_mem>>) src(%dma_wait3A_55 : memref<10240x16xf32, #tpu.memory_space<hbm>>) dst(%arg16 : memref<128x16xf32, #tpu.memory_space<vmem>>)
      %dma_wait3A_56 = arith.constant 0 : i32
      %dma_wait3A_57 = arith.constant 0 : i32
      %dma_wait3A_58 = tpu.memref_slice %arg5[%dma_wait3A_56, %dma_wait3A_57] : memref<10240x80xf32, #tpu.memory_space<hbm>> -> memref<10240x80xf32, #tpu.memory_space<hbm>>
      tpu.wait_indirect_dma semaphore(%arg26 : memref<!tpu.dma_semaphore, #tpu.memory_space<semaphore_mem>>) src(%dma_wait3A_58 : memref<10240x80xf32, #tpu.memory_space<hbm>>) dst(%arg18 : memref<128x80xf32, #tpu.memory_space<vmem>>)
      %ge3A = arith.constant 2 : i32
      %ge3A_59 = arith.cmpi sge, %add3A_52, %ge3A : i32
      %convert_element_type3A = arith.extui %ge3A_59 : i1 to i32
      %cond3A = arith.constant 0 : i32
      %cond3A_60 = arith.cmpi ne, %convert_element_type3A, %cond3A : i32
      scf.if %cond3A_60 {
        %dma_wait3A_114 = arith.constant 0 : i32
        %dma_wait3A_115 = arith.constant 0 : i32
        %dma_wait3A_116 = tpu.memref_slice %arg9[%dma_wait3A_114, %dma_wait3A_115] : memref<10240x80xf32, #tpu.memory_space<vmem_shared>> -> memref<10240x80xf32, #tpu.memory_space<vmem_shared>>
        tpu.wait_indirect_dma semaphore(%arg28 : memref<!tpu.dma_semaphore, #tpu.memory_space<semaphore_mem>>) src(%arg20 : memref<128x80xf32, #tpu.memory_space<vmem>>) dst(%dma_wait3A_116 : memref<10240x80xf32, #tpu.memory_space<vmem_shared>>)
      } else {
      }
      %parallel_loop3A = arith.constant 0 : i32
      %parallel_loop3A_61 = arith.constant 128 : i32
      %parallel_loop3A_62 = arith.constant 2 : i32
      scf.for %parallel_loop3A_114 = %parallel_loop3A to %parallel_loop3A_61 step %parallel_loop3A_62  : i32 {
        %parallel_loop3A_115 = vector.broadcast %parallel_loop3A_114 : i32 to vector<16xi32>
        %parallel_loop3A_116 = arith.addi %parallel_loop3A_115, %shift_right_logical3A_12 : vector<16xi32>
        %parallel_loop3A_117 = arith.constant 64 : i32
        %parallel_loop3A_118 = vector.broadcast %parallel_loop3A_117 : i32 to vector<16xi32>
        %parallel_loop3A_119 = arith.addi %and3A_14, %parallel_loop3A_118 : vector<16xi32>
        %parallel_loop3A_120 = tpu.vector_load_idx %arg18[%parallel_loop3A_116, %parallel_loop3A_119] : memref<128x80xf32, #tpu.memory_space<vmem>>[vector<16xi32>, vector<16xi32>], vector<16xf32>,
        %parallel_loop3A_121 = vector.broadcast %parallel_loop3A_114 : i32 to vector<16xi32>
        %parallel_loop3A_122 = arith.addi %parallel_loop3A_121, %shift_right_logical3A_12 : vector<16xi32>
        %parallel_loop3A_123 = arith.constant 8 : i32
        %parallel_loop3A_124 = vector.broadcast %parallel_loop3A_123 : i32 to vector<16xi32>
        %parallel_loop3A_125 = arith.addi %and3A_14, %parallel_loop3A_124 : vector<16xi32>
        %parallel_loop3A_126 = tpu.vector_load_idx %arg16[%parallel_loop3A_122, %parallel_loop3A_125] : memref<128x16xf32, #tpu.memory_space<vmem>>[vector<16xi32>, vector<16xi32>], vector<16xf32>,
        %parallel_loop3A_127 = arith.addf %parallel_loop3A_120, %parallel_loop3A_126 : vector<16xf32>
        %parallel_loop3A_128 = arith.constant 2.000000e-01 : f32
        %parallel_loop3A_129 = vector.broadcast %parallel_loop3A_128 : f32 to vector<16xf32>
        %parallel_loop3A_130 = arith.mulf %parallel_loop3A_129, %parallel_loop3A_127 : vector<16xf32>
        %parallel_loop3A_131 = arith.maximumf %parallel_loop3A_127, %parallel_loop3A_130 : vector<16xf32>
        %parallel_loop3A_132 = arith.subf %parallel_loop3A_131, %get3A_10 : vector<16xf32>
        %parallel_loop3A_133 = math.exp %parallel_loop3A_132 : vector<16xf32>
        %parallel_loop3A_134 = arith.constant 8 : i32
        %parallel_loop3A_135 = arith.muli %parallel_loop3A_114, %parallel_loop3A_134 : i32
        %parallel_loop3A_136 = arith.index_cast %parallel_loop3A_135 : i32 to index
        %parallel_loop3A_137 = tpu.vector_load %arg24[%parallel_loop3A_136] {strides = array<i32>} : memref<1040xf32, #tpu.memory_space<vmem>>, vector<16xf32>,
        tpu.vector_store %arg24[%parallel_loop3A_136], %parallel_loop3A_133 {strides = array<i32>} : memref<1040xf32, #tpu.memory_space<vmem>>, vector<16xf32>,
      } {sc.loop_unroll_factor = 2 : i64, sc.parallel_access}
      %parallel_loop3A_63 = arith.constant 0 : i32
      %parallel_loop3A_64 = arith.constant 128 : i32
      %parallel_loop3A_65 = arith.constant 1 : i32
      scf.for %parallel_loop3A_114 = %parallel_loop3A_63 to %parallel_loop3A_64 step %parallel_loop3A_65  : i32 {
        %parallel_loop3A_115 = arith.constant 8 : i32
        %parallel_loop3A_116 = arith.muli %parallel_loop3A_114, %parallel_loop3A_115 : i32
        %parallel_loop3A_117 = vector.broadcast %parallel_loop3A_116 : i32 to vector<16xi32>
        %parallel_loop3A_118 = arith.addi %parallel_loop3A_117, %and3A_14 : vector<16xi32>
        %parallel_loop3A_119 = tpu.vector_load_idx %arg24[%parallel_loop3A_118] : memref<1040xf32, #tpu.memory_space<vmem>>[vector<16xi32>], vector<16xf32>,
        %parallel_loop3A_120 = arith.index_cast %parallel_loop3A_114 : i32 to index
        %parallel_loop3A_121 = arith.constant 0 : index
        %parallel_loop3A_122 = tpu.vector_load %arg18[%parallel_loop3A_120, %parallel_loop3A_121] {strides = array<i32>} : memref<128x80xf32, #tpu.memory_space<vmem>>, vector<16xf32>,
        %parallel_loop3A_123 = arith.mulf %parallel_loop3A_122, %parallel_loop3A_119 : vector<16xf32>
        %parallel_loop3A_124 = arith.index_cast %parallel_loop3A_114 : i32 to index
        %parallel_loop3A_125 = arith.constant 0 : index
        %parallel_loop3A_126 = tpu.vector_load %arg20[%parallel_loop3A_124, %parallel_loop3A_125] {strides = array<i32>} : memref<128x80xf32, #tpu.memory_space<vmem>>, vector<16xf32>,
        tpu.vector_store %arg20[%parallel_loop3A_124, %parallel_loop3A_125], %parallel_loop3A_123 {strides = array<i32>} : memref<128x80xf32, #tpu.memory_space<vmem>>, vector<16xf32>,
        %parallel_loop3A_127 = arith.index_cast %parallel_loop3A_114 : i32 to index
        %parallel_loop3A_128 = arith.constant 16 : index
        %parallel_loop3A_129 = tpu.vector_load %arg18[%parallel_loop3A_127, %parallel_loop3A_128] {strides = array<i32>} : memref<128x80xf32, #tpu.memory_space<vmem>>, vector<16xf32>,
        %parallel_loop3A_130 = arith.mulf %parallel_loop3A_129, %parallel_loop3A_119 : vector<16xf32>
        %parallel_loop3A_131 = arith.index_cast %parallel_loop3A_114 : i32 to index
        %parallel_loop3A_132 = arith.constant 16 : index
        %parallel_loop3A_133 = tpu.vector_load %arg20[%parallel_loop3A_131, %parallel_loop3A_132] {strides = array<i32>} : memref<128x80xf32, #tpu.memory_space<vmem>>, vector<16xf32>,
        tpu.vector_store %arg20[%parallel_loop3A_131, %parallel_loop3A_132], %parallel_loop3A_130 {strides = array<i32>} : memref<128x80xf32, #tpu.memory_space<vmem>>, vector<16xf32>,
        %parallel_loop3A_134 = arith.index_cast %parallel_loop3A_114 : i32 to index
        %parallel_loop3A_135 = arith.constant 32 : index
        %parallel_loop3A_136 = tpu.vector_load %arg18[%parallel_loop3A_134, %parallel_loop3A_135] {strides = array<i32>} : memref<128x80xf32, #tpu.memory_space<vmem>>, vector<16xf32>,
        %parallel_loop3A_137 = arith.mulf %parallel_loop3A_136, %parallel_loop3A_119 : vector<16xf32>
        %parallel_loop3A_138 = arith.index_cast %parallel_loop3A_114 : i32 to index
        %parallel_loop3A_139 = arith.constant 32 : index
        %parallel_loop3A_140 = tpu.vector_load %arg20[%parallel_loop3A_138, %parallel_loop3A_139] {strides = array<i32>} : memref<128x80xf32, #tpu.memory_space<vmem>>, vector<16xf32>,
        tpu.vector_store %arg20[%parallel_loop3A_138, %parallel_loop3A_139], %parallel_loop3A_137 {strides = array<i32>} : memref<128x80xf32, #tpu.memory_space<vmem>>, vector<16xf32>,
        %parallel_loop3A_141 = arith.index_cast %parallel_loop3A_114 : i32 to index
        %parallel_loop3A_142 = arith.constant 48 : index
        %parallel_loop3A_143 = tpu.vector_load %arg18[%parallel_loop3A_141, %parallel_loop3A_142] {strides = array<i32>} : memref<128x80xf32, #tpu.memory_space<vmem>>, vector<16xf32>,
        %parallel_loop3A_144 = arith.mulf %parallel_loop3A_143, %parallel_loop3A_119 : vector<16xf32>
        %parallel_loop3A_145 = arith.index_cast %parallel_loop3A_114 : i32 to index
        %parallel_loop3A_146 = arith.constant 48 : index
        %parallel_loop3A_147 = tpu.vector_load %arg20[%parallel_loop3A_145, %parallel_loop3A_146] {strides = array<i32>} : memref<128x80xf32, #tpu.memory_space<vmem>>, vector<16xf32>,
        tpu.vector_store %arg20[%parallel_loop3A_145, %parallel_loop3A_146], %parallel_loop3A_144 {strides = array<i32>} : memref<128x80xf32, #tpu.memory_space<vmem>>, vector<16xf32>,
        %parallel_loop3A_148 = arith.index_cast %parallel_loop3A_114 : i32 to index
        %parallel_loop3A_149 = arith.constant 64 : index
        %parallel_loop3A_150 = tpu.vector_load %arg20[%parallel_loop3A_148, %parallel_loop3A_149] {strides = array<i32>} : memref<128x80xf32, #tpu.memory_space<vmem>>, vector<16xf32>,
        tpu.vector_store %arg20[%parallel_loop3A_148, %parallel_loop3A_149], %parallel_loop3A_119 {strides = array<i32>} : memref<128x80xf32, #tpu.memory_space<vmem>>, vector<16xf32>,
      } {sc.loop_unroll_factor = 2 : i64, sc.parallel_access}
      %scan3A_66 = arith.constant 0 : i32
      %scan3A_67 = arith.constant 8 : i32
      %scan3A_68 = arith.addi %scan3A_66, %scan3A_67 : i32
      %scan3A_69 = arith.constant 1 : i32
      scf.for %scan3A_114 = %scan3A_66 to %scan3A_68 step %scan3A_69  : i32 {
        %mul3A_115 = arith.constant 16 : i32
        %mul3A_116 = arith.muli %scan3A_114, %mul3A_115 : i32
        %add3A_117 = arith.constant 0 : i32
        %add3A_118 = arith.addi %add3A_117, %mul3A_116 : i32
        %get3A_119 = arith.index_cast %add3A_118 : i32 to index
        %get3A_120 = tpu.vector_load %arg14[%get3A_119] {strides = array<i32>} : memref<128xi32, #tpu.memory_space<vmem>>, vector<16xi32>,
        %swap3A_121 = arith.index_cast %add3A_118 : i32 to index
        %swap3A_122 = tpu.vector_load %arg22[%swap3A_121] {strides = array<i32>} : memref<128xi32, #tpu.memory_space<vmem>>, vector<16xi32>,
        tpu.vector_store %arg22[%swap3A_121], %get3A_120 {strides = array<i32>} : memref<128xi32, #tpu.memory_space<vmem>>, vector<16xi32>,
      }
      %scan3A_70 = arith.constant 8 : i32
      %dma_start3A_71 = arith.constant 0 : i32
      %dma_start3A_72 = arith.constant 0 : i32
      %dma_start3A_73 = tpu.memref_slice %arg9[%dma_start3A_71, %dma_start3A_72] : memref<10240x80xf32, #tpu.memory_space<vmem_shared>> -> memref<10240x80xf32, #tpu.memory_space<vmem_shared>>
      tpu.enqueue_indirect_dma source(%arg20 : memref<128x80xf32, #tpu.memory_space<vmem>>) target(%dma_start3A_73 : memref<10240x80xf32, #tpu.memory_space<vmem_shared>>) offsets(%arg22 : memref<128xi32, #tpu.memory_space<vmem>>) semaphore(%arg28 : memref<!tpu.dma_semaphore, #tpu.memory_space<semaphore_mem>>) {add = true}
      %add3A_74 = arith.constant 2 : i32
      %add3A_75 = arith.addi %add3A_52, %add3A_74 : i32
      %lt3A = arith.constant 42 : i32
      %lt3A_76 = arith.cmpi slt, %add3A_75, %lt3A : i32
      %convert_element_type3A_77 = arith.extui %lt3A_76 : i1 to i32
      %cond3A_78 = arith.constant 0 : i32
      %cond3A_79 = arith.cmpi ne, %convert_element_type3A_77, %cond3A_78 : i32
      scf.if %cond3A_79 {
        %add3A_114 = arith.constant 2 : i32
        %add3A_115 = arith.addi %add3A_52, %add3A_114 : i32
        %mul3A_116 = arith.constant 128 : i32
        %mul3A_117 = arith.muli %add3A_115, %mul3A_116 : i32
        %scan3A_118 = arith.constant 0 : i32
        %scan3A_119 = arith.constant 8 : i32
        %scan3A_120 = arith.addi %scan3A_118, %scan3A_119 : i32
        %scan3A_121 = arith.constant 1 : i32
        scf.for %scan3A_129 = %scan3A_118 to %scan3A_120 step %scan3A_121  : i32 {
          %mul3A_130 = arith.constant 16 : i32
          %mul3A_131 = arith.muli %scan3A_129, %mul3A_130 : i32
          %add3A_132 = arith.constant 0 : i32
          %add3A_133 = arith.addi %add3A_132, %mul3A_131 : i32
          %add3A_134 = arith.addi %mul3A_117, %add3A_133 : i32
          %get3A_135 = arith.index_cast %add3A_134 : i32 to index
          %get3A_136 = tpu.vector_load %arg10[%get3A_135] {strides = array<i32>} : memref<5376xi32, #tpu.memory_space<vmem>>, vector<16xi32>,
          %swap3A_137 = arith.index_cast %add3A_133 : i32 to index
          %swap3A_138 = tpu.vector_load %arg12[%swap3A_137] {strides = array<i32>} : memref<128xi32, #tpu.memory_space<vmem>>, vector<16xi32>,
          tpu.vector_store %arg12[%swap3A_137], %get3A_136 {strides = array<i32>} : memref<128xi32, #tpu.memory_space<vmem>>, vector<16xi32>,
          %add3A_139 = arith.addi %mul3A_117, %add3A_133 : i32
          %get3A_140 = arith.index_cast %add3A_139 : i32 to index
          %get3A_141 = tpu.vector_load %arg11[%get3A_140] {strides = array<i32>} : memref<5376xi32, #tpu.memory_space<vmem>>, vector<16xi32>,
          %swap3A_142 = arith.index_cast %add3A_133 : i32 to index
          %swap3A_143 = tpu.vector_load %arg14[%swap3A_142] {strides = array<i32>} : memref<128xi32, #tpu.memory_space<vmem>>, vector<16xi32>,
          tpu.vector_store %arg14[%swap3A_142], %get3A_141 {strides = array<i32>} : memref<128xi32, #tpu.memory_space<vmem>>, vector<16xi32>,
        }
        %scan3A_122 = arith.constant 8 : i32
        %dma_start3A_123 = arith.constant 0 : i32
        %dma_start3A_124 = arith.constant 0 : i32
        %dma_start3A_125 = tpu.memref_slice %arg4[%dma_start3A_123, %dma_start3A_124] : memref<10240x16xf32, #tpu.memory_space<hbm>> -> memref<10240x16xf32, #tpu.memory_space<hbm>>
        tpu.enqueue_indirect_dma source(%dma_start3A_125 : memref<10240x16xf32, #tpu.memory_space<hbm>>) target(%arg16 : memref<128x16xf32, #tpu.memory_space<vmem>>) offsets(%arg14 : memref<128xi32, #tpu.memory_space<vmem>>) semaphore(%arg26 : memref<!tpu.dma_semaphore, #tpu.memory_space<semaphore_mem>>)
        %dma_start3A_126 = arith.constant 0 : i32
        %dma_start3A_127 = arith.constant 0 : i32
        %dma_start3A_128 = tpu.memref_slice %arg5[%dma_start3A_126, %dma_start3A_127] : memref<10240x80xf32, #tpu.memory_space<hbm>> -> memref<10240x80xf32, #tpu.memory_space<hbm>>
        tpu.enqueue_indirect_dma source(%dma_start3A_128 : memref<10240x80xf32, #tpu.memory_space<hbm>>) target(%arg18 : memref<128x80xf32, #tpu.memory_space<vmem>>) offsets(%arg12 : memref<128xi32, #tpu.memory_space<vmem>>) semaphore(%arg26 : memref<!tpu.dma_semaphore, #tpu.memory_space<semaphore_mem>>)
      } else {
      }
      %add3A_80 = arith.constant 1 : i32
      %add3A_81 = arith.addi %add3A_52, %add3A_80 : i32
      %dma_wait3A_82 = arith.constant 0 : i32
      %dma_wait3A_83 = arith.constant 0 : i32
      %dma_wait3A_84 = tpu.memref_slice %arg4[%dma_wait3A_82, %dma_wait3A_83] : memref<10240x16xf32, #tpu.memory_space<hbm>> -> memref<10240x16xf32, #tpu.memory_space<hbm>>
      tpu.wait_indirect_dma semaphore(%arg27 : memref<!tpu.dma_semaphore, #tpu.memory_space<semaphore_mem>>) src(%dma_wait3A_84 : memref<10240x16xf32, #tpu.memory_space<hbm>>) dst(%arg17 : memref<128x16xf32, #tpu.memory_space<vmem>>)
      %dma_wait3A_85 = arith.constant 0 : i32
      %dma_wait3A_86 = arith.constant 0 : i32
      %dma_wait3A_87 = tpu.memref_slice %arg5[%dma_wait3A_85, %dma_wait3A_86] : memref<10240x80xf32, #tpu.memory_space<hbm>> -> memref<10240x80xf32, #tpu.memory_space<hbm>>
      tpu.wait_indirect_dma semaphore(%arg27 : memref<!tpu.dma_semaphore, #tpu.memory_space<semaphore_mem>>) src(%dma_wait3A_87 : memref<10240x80xf32, #tpu.memory_space<hbm>>) dst(%arg19 : memref<128x80xf32, #tpu.memory_space<vmem>>)
      %ge3A_88 = arith.constant 2 : i32
      %ge3A_89 = arith.cmpi sge, %add3A_81, %ge3A_88 : i32
      %convert_element_type3A_90 = arith.extui %ge3A_89 : i1 to i32
      %cond3A_91 = arith.constant 0 : i32
      %cond3A_92 = arith.cmpi ne, %convert_element_type3A_90, %cond3A_91 : i32
      scf.if %cond3A_92 {
        %dma_wait3A_114 = arith.constant 0 : i32
        %dma_wait3A_115 = arith.constant 0 : i32
        %dma_wait3A_116 = tpu.memref_slice %arg9[%dma_wait3A_114, %dma_wait3A_115] : memref<10240x80xf32, #tpu.memory_space<vmem_shared>> -> memref<10240x80xf32, #tpu.memory_space<vmem_shared>>
        tpu.wait_indirect_dma semaphore(%arg29 : memref<!tpu.dma_semaphore, #tpu.memory_space<semaphore_mem>>) src(%arg21 : memref<128x80xf32, #tpu.memory_space<vmem>>) dst(%dma_wait3A_116 : memref<10240x80xf32, #tpu.memory_space<vmem_shared>>)
      } else {
      }
      %parallel_loop3A_93 = arith.constant 0 : i32
      %parallel_loop3A_94 = arith.constant 128 : i32
      %parallel_loop3A_95 = arith.constant 2 : i32
      scf.for %parallel_loop3A_114 = %parallel_loop3A_93 to %parallel_loop3A_94 step %parallel_loop3A_95  : i32 {
        %parallel_loop3A_115 = vector.broadcast %parallel_loop3A_114 : i32 to vector<16xi32>
        %parallel_loop3A_116 = arith.addi %parallel_loop3A_115, %shift_right_logical3A_12 : vector<16xi32>
        %parallel_loop3A_117 = arith.constant 64 : i32
        %parallel_loop3A_118 = vector.broadcast %parallel_loop3A_117 : i32 to vector<16xi32>
        %parallel_loop3A_119 = arith.addi %and3A_14, %parallel_loop3A_118 : vector<16xi32>
        %parallel_loop3A_120 = tpu.vector_load_idx %arg19[%parallel_loop3A_116, %parallel_loop3A_119] : memref<128x80xf32, #tpu.memory_space<vmem>>[vector<16xi32>, vector<16xi32>], vector<16xf32>,
        %parallel_loop3A_121 = vector.broadcast %parallel_loop3A_114 : i32 to vector<16xi32>
        %parallel_loop3A_122 = arith.addi %parallel_loop3A_121, %shift_right_logical3A_12 : vector<16xi32>
        %parallel_loop3A_123 = arith.constant 8 : i32
        %parallel_loop3A_124 = vector.broadcast %parallel_loop3A_123 : i32 to vector<16xi32>
        %parallel_loop3A_125 = arith.addi %and3A_14, %parallel_loop3A_124 : vector<16xi32>
        %parallel_loop3A_126 = tpu.vector_load_idx %arg17[%parallel_loop3A_122, %parallel_loop3A_125] : memref<128x16xf32, #tpu.memory_space<vmem>>[vector<16xi32>, vector<16xi32>], vector<16xf32>,
        %parallel_loop3A_127 = arith.addf %parallel_loop3A_120, %parallel_loop3A_126 : vector<16xf32>
        %parallel_loop3A_128 = arith.constant 2.000000e-01 : f32
        %parallel_loop3A_129 = vector.broadcast %parallel_loop3A_128 : f32 to vector<16xf32>
        %parallel_loop3A_130 = arith.mulf %parallel_loop3A_129, %parallel_loop3A_127 : vector<16xf32>
        %parallel_loop3A_131 = arith.maximumf %parallel_loop3A_127, %parallel_loop3A_130 : vector<16xf32>
        %parallel_loop3A_132 = arith.subf %parallel_loop3A_131, %get3A_10 : vector<16xf32>
        %parallel_loop3A_133 = math.exp %parallel_loop3A_132 : vector<16xf32>
        %parallel_loop3A_134 = arith.constant 8 : i32
        %parallel_loop3A_135 = arith.muli %parallel_loop3A_114, %parallel_loop3A_134 : i32
        %parallel_loop3A_136 = arith.index_cast %parallel_loop3A_135 : i32 to index
        %parallel_loop3A_137 = tpu.vector_load %arg24[%parallel_loop3A_136] {strides = array<i32>} : memref<1040xf32, #tpu.memory_space<vmem>>, vector<16xf32>,
        tpu.vector_store %arg24[%parallel_loop3A_136], %parallel_loop3A_133 {strides = array<i32>} : memref<1040xf32, #tpu.memory_space<vmem>>, vector<16xf32>,
      } {sc.loop_unroll_factor = 2 : i64, sc.parallel_access}
      %parallel_loop3A_96 = arith.constant 0 : i32
      %parallel_loop3A_97 = arith.constant 128 : i32
      %parallel_loop3A_98 = arith.constant 1 : i32
      scf.for %parallel_loop3A_114 = %parallel_loop3A_96 to %parallel_loop3A_97 step %parallel_loop3A_98  : i32 {
        %parallel_loop3A_115 = arith.constant 8 : i32
        %parallel_loop3A_116 = arith.muli %parallel_loop3A_114, %parallel_loop3A_115 : i32
        %parallel_loop3A_117 = vector.broadcast %parallel_loop3A_116 : i32 to vector<16xi32>
        %parallel_loop3A_118 = arith.addi %parallel_loop3A_117, %and3A_14 : vector<16xi32>
        %parallel_loop3A_119 = tpu.vector_load_idx %arg24[%parallel_loop3A_118] : memref<1040xf32, #tpu.memory_space<vmem>>[vector<16xi32>], vector<16xf32>,
        %parallel_loop3A_120 = arith.index_cast %parallel_loop3A_114 : i32 to index
        %parallel_loop3A_121 = arith.constant 0 : index
        %parallel_loop3A_122 = tpu.vector_load %arg19[%parallel_loop3A_120, %parallel_loop3A_121] {strides = array<i32>} : memref<128x80xf32, #tpu.memory_space<vmem>>, vector<16xf32>,
        %parallel_loop3A_123 = arith.mulf %parallel_loop3A_122, %parallel_loop3A_119 : vector<16xf32>
        %parallel_loop3A_124 = arith.index_cast %parallel_loop3A_114 : i32 to index
        %parallel_loop3A_125 = arith.constant 0 : index
        %parallel_loop3A_126 = tpu.vector_load %arg21[%parallel_loop3A_124, %parallel_loop3A_125] {strides = array<i32>} : memref<128x80xf32, #tpu.memory_space<vmem>>, vector<16xf32>,
        tpu.vector_store %arg21[%parallel_loop3A_124, %parallel_loop3A_125], %parallel_loop3A_123 {strides = array<i32>} : memref<128x80xf32, #tpu.memory_space<vmem>>, vector<16xf32>,
        %parallel_loop3A_127 = arith.index_cast %parallel_loop3A_114 : i32 to index
        %parallel_loop3A_128 = arith.constant 16 : index
        %parallel_loop3A_129 = tpu.vector_load %arg19[%parallel_loop3A_127, %parallel_loop3A_128] {strides = array<i32>} : memref<128x80xf32, #tpu.memory_space<vmem>>, vector<16xf32>,
        %parallel_loop3A_130 = arith.mulf %parallel_loop3A_129, %parallel_loop3A_119 : vector<16xf32>
        %parallel_loop3A_131 = arith.index_cast %parallel_loop3A_114 : i32 to index
        %parallel_loop3A_132 = arith.constant 16 : index
        %parallel_loop3A_133 = tpu.vector_load %arg21[%parallel_loop3A_131, %parallel_loop3A_132] {strides = array<i32>} : memref<128x80xf32, #tpu.memory_space<vmem>>, vector<16xf32>,
        tpu.vector_store %arg21[%parallel_loop3A_131, %parallel_loop3A_132], %parallel_loop3A_130 {strides = array<i32>} : memref<128x80xf32, #tpu.memory_space<vmem>>, vector<16xf32>,
        %parallel_loop3A_134 = arith.index_cast %parallel_loop3A_114 : i32 to index
        %parallel_loop3A_135 = arith.constant 32 : index
        %parallel_loop3A_136 = tpu.vector_load %arg19[%parallel_loop3A_134, %parallel_loop3A_135] {strides = array<i32>} : memref<128x80xf32, #tpu.memory_space<vmem>>, vector<16xf32>,
        %parallel_loop3A_137 = arith.mulf %parallel_loop3A_136, %parallel_loop3A_119 : vector<16xf32>
        %parallel_loop3A_138 = arith.index_cast %parallel_loop3A_114 : i32 to index
        %parallel_loop3A_139 = arith.constant 32 : index
        %parallel_loop3A_140 = tpu.vector_load %arg21[%parallel_loop3A_138, %parallel_loop3A_139] {strides = array<i32>} : memref<128x80xf32, #tpu.memory_space<vmem>>, vector<16xf32>,
        tpu.vector_store %arg21[%parallel_loop3A_138, %parallel_loop3A_139], %parallel_loop3A_137 {strides = array<i32>} : memref<128x80xf32, #tpu.memory_space<vmem>>, vector<16xf32>,
        %parallel_loop3A_141 = arith.index_cast %parallel_loop3A_114 : i32 to index
        %parallel_loop3A_142 = arith.constant 48 : index
        %parallel_loop3A_143 = tpu.vector_load %arg19[%parallel_loop3A_141, %parallel_loop3A_142] {strides = array<i32>} : memref<128x80xf32, #tpu.memory_space<vmem>>, vector<16xf32>,
        %parallel_loop3A_144 = arith.mulf %parallel_loop3A_143, %parallel_loop3A_119 : vector<16xf32>
        %parallel_loop3A_145 = arith.index_cast %parallel_loop3A_114 : i32 to index
        %parallel_loop3A_146 = arith.constant 48 : index
        %parallel_loop3A_147 = tpu.vector_load %arg21[%parallel_loop3A_145, %parallel_loop3A_146] {strides = array<i32>} : memref<128x80xf32, #tpu.memory_space<vmem>>, vector<16xf32>,
        tpu.vector_store %arg21[%parallel_loop3A_145, %parallel_loop3A_146], %parallel_loop3A_144 {strides = array<i32>} : memref<128x80xf32, #tpu.memory_space<vmem>>, vector<16xf32>,
        %parallel_loop3A_148 = arith.index_cast %parallel_loop3A_114 : i32 to index
        %parallel_loop3A_149 = arith.constant 64 : index
        %parallel_loop3A_150 = tpu.vector_load %arg21[%parallel_loop3A_148, %parallel_loop3A_149] {strides = array<i32>} : memref<128x80xf32, #tpu.memory_space<vmem>>, vector<16xf32>,
        tpu.vector_store %arg21[%parallel_loop3A_148, %parallel_loop3A_149], %parallel_loop3A_119 {strides = array<i32>} : memref<128x80xf32, #tpu.memory_space<vmem>>, vector<16xf32>,
      } {sc.loop_unroll_factor = 2 : i64, sc.parallel_access}
      %scan3A_99 = arith.constant 0 : i32
      %scan3A_100 = arith.constant 8 : i32
      %scan3A_101 = arith.addi %scan3A_99, %scan3A_100 : i32
      %scan3A_102 = arith.constant 1 : i32
      scf.for %scan3A_114 = %scan3A_99 to %scan3A_101 step %scan3A_102  : i32 {
        %mul3A_115 = arith.constant 16 : i32
        %mul3A_116 = arith.muli %scan3A_114, %mul3A_115 : i32
        %add3A_117 = arith.constant 0 : i32
        %add3A_118 = arith.addi %add3A_117, %mul3A_116 : i32
        %get3A_119 = arith.index_cast %add3A_118 : i32 to index
        %get3A_120 = tpu.vector_load %arg15[%get3A_119] {strides = array<i32>} : memref<128xi32, #tpu.memory_space<vmem>>, vector<16xi32>,
        %swap3A_121 = arith.index_cast %add3A_118 : i32 to index
        %swap3A_122 = tpu.vector_load %arg23[%swap3A_121] {strides = array<i32>} : memref<128xi32, #tpu.memory_space<vmem>>, vector<16xi32>,
        tpu.vector_store %arg23[%swap3A_121], %get3A_120 {strides = array<i32>} : memref<128xi32, #tpu.memory_space<vmem>>, vector<16xi32>,
      }
      %scan3A_103 = arith.constant 8 : i32
      %dma_start3A_104 = arith.constant 0 : i32
      %dma_start3A_105 = arith.constant 0 : i32
      %dma_start3A_106 = tpu.memref_slice %arg9[%dma_start3A_104, %dma_start3A_105] : memref<10240x80xf32, #tpu.memory_space<vmem_shared>> -> memref<10240x80xf32, #tpu.memory_space<vmem_shared>>
      tpu.enqueue_indirect_dma source(%arg21 : memref<128x80xf32, #tpu.memory_space<vmem>>) target(%dma_start3A_106 : memref<10240x80xf32, #tpu.memory_space<vmem_shared>>) offsets(%arg23 : memref<128xi32, #tpu.memory_space<vmem>>) semaphore(%arg29 : memref<!tpu.dma_semaphore, #tpu.memory_space<semaphore_mem>>) {add = true}
      %add3A_107 = arith.constant 2 : i32
      %add3A_108 = arith.addi %add3A_81, %add3A_107 : i32
      %lt3A_109 = arith.constant 42 : i32
      %lt3A_110 = arith.cmpi slt, %add3A_108, %lt3A_109 : i32
      %convert_element_type3A_111 = arith.extui %lt3A_110 : i1 to i32
      %cond3A_112 = arith.constant 0 : i32
      %cond3A_113 = arith.cmpi ne, %convert_element_type3A_111, %cond3A_112 : i32
      scf.if %cond3A_113 {
        %add3A_114 = arith.constant 2 : i32
        %add3A_115 = arith.addi %add3A_81, %add3A_114 : i32
        %mul3A_116 = arith.constant 128 : i32
        %mul3A_117 = arith.muli %add3A_115, %mul3A_116 : i32
        %scan3A_118 = arith.constant 0 : i32
        %scan3A_119 = arith.constant 8 : i32
        %scan3A_120 = arith.addi %scan3A_118, %scan3A_119 : i32
        %scan3A_121 = arith.constant 1 : i32
        scf.for %scan3A_129 = %scan3A_118 to %scan3A_120 step %scan3A_121  : i32 {
          %mul3A_130 = arith.constant 16 : i32
          %mul3A_131 = arith.muli %scan3A_129, %mul3A_130 : i32
          %add3A_132 = arith.constant 0 : i32
          %add3A_133 = arith.addi %add3A_132, %mul3A_131 : i32
          %add3A_134 = arith.addi %mul3A_117, %add3A_133 : i32
          %get3A_135 = arith.index_cast %add3A_134 : i32 to index
          %get3A_136 = tpu.vector_load %arg10[%get3A_135] {strides = array<i32>} : memref<5376xi32, #tpu.memory_space<vmem>>, vector<16xi32>,
          %swap3A_137 = arith.index_cast %add3A_133 : i32 to index
          %swap3A_138 = tpu.vector_load %arg13[%swap3A_137] {strides = array<i32>} : memref<128xi32, #tpu.memory_space<vmem>>, vector<16xi32>,
          tpu.vector_store %arg13[%swap3A_137], %get3A_136 {strides = array<i32>} : memref<128xi32, #tpu.memory_space<vmem>>, vector<16xi32>,
          %add3A_139 = arith.addi %mul3A_117, %add3A_133 : i32
          %get3A_140 = arith.index_cast %add3A_139 : i32 to index
          %get3A_141 = tpu.vector_load %arg11[%get3A_140] {strides = array<i32>} : memref<5376xi32, #tpu.memory_space<vmem>>, vector<16xi32>,
          %swap3A_142 = arith.index_cast %add3A_133 : i32 to index
          %swap3A_143 = tpu.vector_load %arg15[%swap3A_142] {strides = array<i32>} : memref<128xi32, #tpu.memory_space<vmem>>, vector<16xi32>,
          tpu.vector_store %arg15[%swap3A_142], %get3A_141 {strides = array<i32>} : memref<128xi32, #tpu.memory_space<vmem>>, vector<16xi32>,
        }
        %scan3A_122 = arith.constant 8 : i32
        %dma_start3A_123 = arith.constant 0 : i32
        %dma_start3A_124 = arith.constant 0 : i32
        %dma_start3A_125 = tpu.memref_slice %arg4[%dma_start3A_123, %dma_start3A_124] : memref<10240x16xf32, #tpu.memory_space<hbm>> -> memref<10240x16xf32, #tpu.memory_space<hbm>>
        tpu.enqueue_indirect_dma source(%dma_start3A_125 : memref<10240x16xf32, #tpu.memory_space<hbm>>) target(%arg17 : memref<128x16xf32, #tpu.memory_space<vmem>>) offsets(%arg15 : memref<128xi32, #tpu.memory_space<vmem>>) semaphore(%arg27 : memref<!tpu.dma_semaphore, #tpu.memory_space<semaphore_mem>>)
        %dma_start3A_126 = arith.constant 0 : i32
        %dma_start3A_127 = arith.constant 0 : i32
        %dma_start3A_128 = tpu.memref_slice %arg5[%dma_start3A_126, %dma_start3A_127] : memref<10240x80xf32, #tpu.memory_space<hbm>> -> memref<10240x80xf32, #tpu.memory_space<hbm>>
        tpu.enqueue_indirect_dma source(%dma_start3A_128 : memref<10240x80xf32, #tpu.memory_space<hbm>>) target(%arg19 : memref<128x80xf32, #tpu.memory_space<vmem>>) offsets(%arg13 : memref<128xi32, #tpu.memory_space<vmem>>) semaphore(%arg27 : memref<!tpu.dma_semaphore, #tpu.memory_space<semaphore_mem>>)
      } else {
      }
    }
    %scan3A_41 = arith.constant 21 : i32
    %dma_wait3A = arith.constant 0 : i32
    %dma_wait3A_42 = arith.constant 0 : i32
    %dma_wait3A_43 = tpu.memref_slice %arg9[%dma_wait3A, %dma_wait3A_42] : memref<10240x80xf32, #tpu.memory_space<vmem_shared>> -> memref<10240x80xf32, #tpu.memory_space<vmem_shared>>
    tpu.wait_indirect_dma semaphore(%arg28 : memref<!tpu.dma_semaphore, #tpu.memory_space<semaphore_mem>>) src(%arg20 : memref<128x80xf32, #tpu.memory_space<vmem>>) dst(%dma_wait3A_43 : memref<10240x80xf32, #tpu.memory_space<vmem_shared>>)
    %dma_wait3A_44 = arith.constant 0 : i32
    %dma_wait3A_45 = arith.constant 0 : i32
    %dma_wait3A_46 = tpu.memref_slice %arg9[%dma_wait3A_44, %dma_wait3A_45] : memref<10240x80xf32, #tpu.memory_space<vmem_shared>> -> memref<10240x80xf32, #tpu.memory_space<vmem_shared>>
    tpu.wait_indirect_dma semaphore(%arg29 : memref<!tpu.dma_semaphore, #tpu.memory_space<semaphore_mem>>) src(%arg21 : memref<128x80xf32, #tpu.memory_space<vmem>>) dst(%dma_wait3A_46 : memref<10240x80xf32, #tpu.memory_space<vmem_shared>>)
    %barrier3A_47 = arith.constant 0 : index
    tpu.barrier barrier_id(%barrier3A_47)
    "tpu.region"() ({
      %run_scoped3A = tpu.sem_alloc : memref<!tpu.dma_semaphore, #tpu.memory_space<semaphore_mem>>
      %dma_start3A_48 = arith.constant 0 : i32
      %dma_start3A_49 = tpu.memref_slice %arg8[%arg0, %mul3A_2, %dma_start3A_48] : memref<2x10240x80xf32, #tpu.memory_space<hbm>> -> memref<1x640x80xf32, #tpu.memory_space<hbm>>
      %dma_start3A_50 = tpu.memref_squeeze %dma_start3A_49 : memref<1x640x80xf32, #tpu.memory_space<hbm>> -> memref<640x80xf32, #tpu.memory_space<hbm>>
      %dma_start3A_51 = arith.constant 0 : i32
      %dma_start3A_52 = tpu.memref_slice %arg9[%mul3A_2, %dma_start3A_51] : memref<10240x80xf32, #tpu.memory_space<vmem_shared>> -> memref<640x80xf32, #tpu.memory_space<vmem_shared>>
      tpu.enqueue_dma source(%dma_start3A_52 : memref<640x80xf32, #tpu.memory_space<vmem_shared>>) target(%dma_start3A_50 : memref<640x80xf32, #tpu.memory_space<hbm>>) target_semaphore(%run_scoped3A : memref<!tpu.dma_semaphore, #tpu.memory_space<semaphore_mem>>)
      %dma_wait3A_53 = arith.constant 0 : i32
      %dma_wait3A_54 = tpu.memref_slice %arg8[%arg0, %mul3A_2, %dma_wait3A_53] : memref<2x10240x80xf32, #tpu.memory_space<hbm>> -> memref<1x640x80xf32, #tpu.memory_space<hbm>>
      %dma_wait3A_55 = tpu.memref_squeeze %dma_wait3A_54 : memref<1x640x80xf32, #tpu.memory_space<hbm>> -> memref<640x80xf32, #tpu.memory_space<hbm>>
      %dma_wait3A_56 = arith.constant 0 : i32
      %dma_wait3A_57 = tpu.memref_slice %arg9[%mul3A_2, %dma_wait3A_56] : memref<10240x80xf32, #tpu.memory_space<vmem_shared>> -> memref<640x80xf32, #tpu.memory_space<vmem_shared>>
      tpu.wait_dma2 semaphore(%run_scoped3A : memref<!tpu.dma_semaphore, #tpu.memory_space<semaphore_mem>>) src(%dma_wait3A_57 : memref<640x80xf32, #tpu.memory_space<vmem_shared>>) dst(%dma_wait3A_55 : memref<640x80xf32, #tpu.memory_space<hbm>>)
      tpu.yield
    }) : () -> ()
    return
  }
}

module attributes {stable_mosaic.version = 14 : i64} {
  func.func @_prep1_body(%arg0: i32, %arg1: memref<512x256xf32, #tpu.memory_space<vmem>>, %arg2: memref<256x64xf32, #tpu.memory_space<vmem>>, %arg3: memref<64x16xf32, #tpu.memory_space<vmem>>, %arg4: memref<512x64xf32, #tpu.memory_space<vmem>>, %arg5: memref<512x16xf32, #tpu.memory_space<vmem>>, %arg6: memref<512x80xf32, #tpu.memory_space<vmem>>, %arg7: memref<1x16xf32, #tpu.memory_space<vmem>>) attributes {dimension_semantics = [#tpu.dimension_semantics<arbitrary>], iteration_bounds = array<i64: 20>, scalar_prefetch = 0 : i64, scratch_operands = 0 : i64, tpu.core_type = #tpu.core_type<tc>, window_params = [{transform_indices = @transform_0, window_bounds = array<i64: 512, 256>}, {pipeline_mode = #tpu.pipeline_mode<synchronous>, transform_indices = @transform_1, window_bounds = array<i64: 256, 64>}, {pipeline_mode = #tpu.pipeline_mode<synchronous>, transform_indices = @transform_2, window_bounds = array<i64: 64, 16>}, {transform_indices = @transform_3, window_bounds = array<i64: 512, 64>}, {transform_indices = @transform_4, window_bounds = array<i64: 512, 16>}, {transform_indices = @transform_5, window_bounds = array<i64: 512, 80>}, {pipeline_mode = #tpu.pipeline_mode<synchronous>, transform_indices = @transform_6, window_bounds = array<i64: 1, 16>}]} {
    %get3A = arith.constant 0 : index
    %get3A_0 = arith.constant 0 : index
    %get3A_1 = vector.load %arg1[%get3A, %get3A_0] : memref<512x256xf32, #tpu.memory_space<vmem>>, vector<512x256xf32>
    %get3A_2 = arith.constant 0 : index
    %get3A_3 = arith.constant 0 : index
    %get3A_4 = vector.load %arg2[%get3A_2, %get3A_3] : memref<256x64xf32, #tpu.memory_space<vmem>>, vector<256x64xf32>
    %dot_general3A = arith.constant dense<0.000000e+00> : vector<512x64xf32>
    %dot_general3A_5 = tpu.matmul %get3A_1, %get3A_4, %dot_general3A {dimension_numbers = #tpu.dot_dimension_numbers<[1], [0], [0], [1], [0, 0, 1, 1], [], []>, transpose_lhs_hint = false} : vector<512x256xf32>, vector<256x64xf32>, vector<512x64xf32> -> vector<512x64xf32>
    %swap3A = arith.constant 0 : index
    %swap3A_6 = arith.constant 0 : index
    %swap3A_7 = vector.load %arg4[%swap3A, %swap3A_6] : memref<512x64xf32, #tpu.memory_space<vmem>>, vector<512x64xf32>
    tpu.vector_store %arg4[%swap3A, %swap3A_6], %dot_general3A_5 {strides = array<i32>} : memref<512x64xf32, #tpu.memory_space<vmem>>, vector<512x64xf32>,
    %get3A_8 = arith.constant 0 : index
    %get3A_9 = arith.constant 0 : index
    %get3A_10 = vector.load %arg3[%get3A_8, %get3A_9] : memref<64x16xf32, #tpu.memory_space<vmem>>, vector<64x16xf32>
    %dot_general3A_11 = arith.constant dense<0.000000e+00> : vector<512x16xf32>
    %dot_general3A_12 = tpu.matmul %dot_general3A_5, %get3A_10, %dot_general3A_11 {dimension_numbers = #tpu.dot_dimension_numbers<[1], [0], [0], [1], [0, 0, 1, 1], [], []>, transpose_lhs_hint = false} : vector<512x64xf32>, vector<64x16xf32>, vector<512x16xf32> -> vector<512x16xf32>
    %swap3A_13 = arith.constant 0 : index
    %swap3A_14 = arith.constant 0 : index
    %swap3A_15 = vector.load %arg5[%swap3A_13, %swap3A_14] : memref<512x16xf32, #tpu.memory_space<vmem>>, vector<512x16xf32>
    tpu.vector_store %arg5[%swap3A_13, %swap3A_14], %dot_general3A_12 {strides = array<i32>} : memref<512x16xf32, #tpu.memory_space<vmem>>, vector<512x16xf32>,
    %concatenate3A = tpu.concatenate %dot_general3A_5, %dot_general3A_12 in 1 : vector<512x64xf32>, vector<512x16xf32> -> vector<512x80xf32>
    %swap3A_16 = arith.constant 0 : index
    %swap3A_17 = arith.constant 0 : index
    %swap3A_18 = vector.load %arg6[%swap3A_16, %swap3A_17] : memref<512x80xf32, #tpu.memory_space<vmem>>, vector<512x80xf32>
    tpu.vector_store %arg6[%swap3A_16, %swap3A_17], %concatenate3A {strides = array<i32>} : memref<512x80xf32, #tpu.memory_space<vmem>>, vector<512x80xf32>,
    %reduce_max3A = arith.constant dense<0xFF800000> : vector<16xf32>
    %reduce_max3A_19 = vector.multi_reduction <maximumf>, %dot_general3A_12, %reduce_max3A [0] : vector<512x16xf32> to vector<16xf32>
    %broadcast_in_dim3A = vector.shape_cast %reduce_max3A_19 : vector<16xf32> to vector<1x16xf32>
    %eq3A = arith.constant 0 : i32
    %eq3A_20 = arith.cmpi eq, %arg0, %eq3A : i32
    %convert_element_type3A = arith.extui %eq3A_20 : i1 to i32
    %cond3A = arith.constant 0 : i32
    %cond3A_21 = arith.cmpi ne, %convert_element_type3A, %cond3A : i32
    scf.if %cond3A_21 {
      %swap3A_31 = arith.constant 0 : index
      %swap3A_32 = arith.constant 0 : index
      %swap3A_33 = vector.load %arg7[%swap3A_31, %swap3A_32] : memref<1x16xf32, #tpu.memory_space<vmem>>, vector<1x16xf32>
      tpu.vector_store %arg7[%swap3A_31, %swap3A_32], %broadcast_in_dim3A {strides = array<i32>} : memref<1x16xf32, #tpu.memory_space<vmem>>, vector<1x16xf32>,
    } else {
    }
    %gt3A = arith.constant 0 : i32
    %gt3A_22 = arith.cmpi sgt, %arg0, %gt3A : i32
    %convert_element_type3A_23 = arith.extui %gt3A_22 : i1 to i32
    %cond3A_24 = arith.constant 0 : i32
    %cond3A_25 = arith.cmpi ne, %convert_element_type3A_23, %cond3A_24 : i32
    scf.if %cond3A_25 {
      %get3A_31 = arith.constant 0 : index
      %get3A_32 = arith.constant 0 : index
      %get3A_33 = vector.load %arg7[%get3A_31, %get3A_32] : memref<1x16xf32, #tpu.memory_space<vmem>>, vector<1x16xf32>
      %max3A = arith.maximumf %get3A_33, %broadcast_in_dim3A : vector<1x16xf32>
      %swap3A_34 = arith.constant 0 : index
      %swap3A_35 = arith.constant 0 : index
      %swap3A_36 = vector.load %arg7[%swap3A_34, %swap3A_35] : memref<1x16xf32, #tpu.memory_space<vmem>>, vector<1x16xf32>
      tpu.vector_store %arg7[%swap3A_34, %swap3A_35], %max3A {strides = array<i32>} : memref<1x16xf32, #tpu.memory_space<vmem>>, vector<1x16xf32>,
    } else {
    }
    %eq3A_26 = arith.constant 19 : i32
    %eq3A_27 = arith.cmpi eq, %arg0, %eq3A_26 : i32
    %convert_element_type3A_28 = arith.extui %eq3A_27 : i1 to i32
    %cond3A_29 = arith.constant 0 : i32
    %cond3A_30 = arith.cmpi ne, %convert_element_type3A_28, %cond3A_29 : i32
    scf.if %cond3A_30 {
      %get3A_31 = arith.constant 0 : index
      %get3A_32 = arith.constant 0 : index
      %get3A_33 = vector.load %arg7[%get3A_31, %get3A_32] : memref<1x16xf32, #tpu.memory_space<vmem>>, vector<1x16xf32>
      %slice3A = vector.extract_strided_slice %get3A_33 {offsets = [0, 0], sizes = [1, 8], strides = [1, 1]} : vector<1x16xf32> to vector<1x8xf32>
      %slice3A_34 = vector.extract_strided_slice %get3A_33 {offsets = [0, 8], sizes = [1, 8], strides = [1, 1]} : vector<1x16xf32> to vector<1x8xf32>
      %add3A = arith.addf %slice3A, %slice3A_34 : vector<1x8xf32>
      %mul3A = arith.constant 2.000000e-01 : f32
      %mul3A_35 = vector.broadcast %mul3A : f32 to vector<1x8xf32>
      %mul3A_36 = arith.mulf %mul3A_35, %add3A : vector<1x8xf32>
      %max3A = arith.maximumf %add3A, %mul3A_36 : vector<1x8xf32>
      %concatenate3A_37 = tpu.concatenate %max3A, %max3A in 1 : vector<1x8xf32>, vector<1x8xf32> -> vector<1x16xf32>
      %swap3A_38 = arith.constant 0 : index
      %swap3A_39 = arith.constant 0 : index
      %swap3A_40 = vector.load %arg7[%swap3A_38, %swap3A_39] : memref<1x16xf32, #tpu.memory_space<vmem>>, vector<1x16xf32>
      tpu.vector_store %arg7[%swap3A_38, %swap3A_39], %concatenate3A_37 {strides = array<i32>} : memref<1x16xf32, #tpu.memory_space<vmem>>, vector<1x16xf32>,
    } else {
    }
    return
  }
  func.func @transform_0(%arg0: i32) -> (i32, i32) {
    %c0_i32 = arith.constant 0 : i32
    %c0_i32_0 = arith.constant 0 : i32
    return %arg0, %c0_i32 : i32, i32
  }
  func.func @transform_1(%arg0: i32) -> (i32, i32) {
    %c0_i32 = arith.constant 0 : i32
    %c0_i32_0 = arith.constant 0 : i32
    %c0_i32_1 = arith.constant 0 : i32
    return %c0_i32, %c0_i32_0 : i32, i32
  }
  func.func @transform_2(%arg0: i32) -> (i32, i32) {
    %c0_i32 = arith.constant 0 : i32
    %c0_i32_0 = arith.constant 0 : i32
    %c0_i32_1 = arith.constant 0 : i32
    return %c0_i32, %c0_i32_0 : i32, i32
  }
  func.func @transform_3(%arg0: i32) -> (i32, i32) {
    %c0_i32 = arith.constant 0 : i32
    %c0_i32_0 = arith.constant 0 : i32
    return %arg0, %c0_i32 : i32, i32
  }
  func.func @transform_4(%arg0: i32) -> (i32, i32) {
    %c0_i32 = arith.constant 0 : i32
    %c0_i32_0 = arith.constant 0 : i32
    return %arg0, %c0_i32 : i32, i32
  }
  func.func @transform_5(%arg0: i32) -> (i32, i32) {
    %c0_i32 = arith.constant 0 : i32
    %c0_i32_0 = arith.constant 0 : i32
    return %arg0, %c0_i32 : i32, i32
  }
  func.func @transform_6(%arg0: i32) -> (i32, i32) {
    %c0_i32 = arith.constant 0 : i32
    %c0_i32_0 = arith.constant 0 : i32
    %c0_i32_1 = arith.constant 0 : i32
    return %c0_i32, %c0_i32_0 : i32, i32
  }
}

module attributes {stable_mosaic.version = 14 : i64} {
  func.func @_mid_body(%arg0: i32, %arg1: memref<2x512x80xf32, #tpu.memory_space<vmem>>, %arg2: memref<1x64xf32, #tpu.memory_space<vmem>>, %arg3: memref<64x16xf32, #tpu.memory_space<vmem>>, %arg4: memref<16x16xf32, #tpu.memory_space<vmem>>, %arg5: memref<8x64xf32, #tpu.memory_space<vmem>>, %arg6: memref<512x16xf32, #tpu.memory_space<vmem>>, %arg7: memref<512x16xf32, #tpu.memory_space<vmem>>, %arg8: memref<512x32xf32, #tpu.memory_space<vmem>>, %arg9: memref<1x16xf32, #tpu.memory_space<vmem>>) attributes {dimension_semantics = [#tpu.dimension_semantics<arbitrary>], iteration_bounds = array<i64: 20>, scalar_prefetch = 0 : i64, scratch_operands = 0 : i64, tpu.core_type = #tpu.core_type<tc>, window_params = [{transform_indices = @transform_0, window_bounds = array<i64: 2, 512, 80>}, {pipeline_mode = #tpu.pipeline_mode<synchronous>, transform_indices = @transform_1, window_bounds = array<i64: 1, 64>}, {pipeline_mode = #tpu.pipeline_mode<synchronous>, transform_indices = @transform_2, window_bounds = array<i64: 64, 16>}, {pipeline_mode = #tpu.pipeline_mode<synchronous>, transform_indices = @transform_3, window_bounds = array<i64: 16, 16>}, {pipeline_mode = #tpu.pipeline_mode<synchronous>, transform_indices = @transform_4, window_bounds = array<i64: 8, 64>}, {transform_indices = @transform_5, window_bounds = array<i64: 512, 16>}, {transform_indices = @transform_6, window_bounds = array<i64: 512, 16>}, {transform_indices = @transform_7, window_bounds = array<i64: 512, 32>}, {pipeline_mode = #tpu.pipeline_mode<synchronous>, transform_indices = @transform_8, window_bounds = array<i64: 1, 16>}]} {
    %get3A = arith.constant 0 : index
    %get3A_0 = arith.constant 0 : index
    %get3A_1 = arith.constant 0 : index
    %get3A_2 = vector.load %arg1[%get3A, %get3A_0, %get3A_1] : memref<2x512x80xf32, #tpu.memory_space<vmem>>, vector<1x512x80xf32>
    %get3A_3 = vector.shape_cast %get3A_2 : vector<1x512x80xf32> to vector<512x80xf32>
    %get3A_4 = arith.constant 1 : index
    %get3A_5 = arith.constant 0 : index
    %get3A_6 = arith.constant 0 : index
    %get3A_7 = vector.load %arg1[%get3A_4, %get3A_5, %get3A_6] : memref<2x512x80xf32, #tpu.memory_space<vmem>>, vector<1x512x80xf32>
    %get3A_8 = vector.shape_cast %get3A_7 : vector<1x512x80xf32> to vector<512x80xf32>
    %add3A = arith.addf %get3A_3, %get3A_8 : vector<512x80xf32>
    %slice3A = vector.extract_strided_slice %add3A {offsets = [0, 0], sizes = [512, 64], strides = [1, 1]} : vector<512x80xf32> to vector<512x64xf32>
    %slice3A_9 = vector.extract_strided_slice %add3A {offsets = [0, 64], sizes = [512, 8], strides = [1, 1]} : vector<512x80xf32> to vector<512x8xf32>
    %get3A_10 = arith.constant 0 : index
    %get3A_11 = arith.constant 0 : index
    %get3A_12 = vector.load %arg5[%get3A_10, %get3A_11] : memref<8x64xf32, #tpu.memory_space<vmem>>, vector<8x64xf32>
    %dot_general3A = arith.constant dense<0.000000e+00> : vector<512x64xf32>
    %dot_general3A_13 = tpu.matmul %slice3A_9, %get3A_12, %dot_general3A {dimension_numbers = #tpu.dot_dimension_numbers<[1], [0], [0], [1], [0, 0, 1, 1], [], []>, transpose_lhs_hint = false} : vector<512x8xf32>, vector<8x64xf32>, vector<512x64xf32> -> vector<512x64xf32>
    %add3A_14 = arith.constant 1.000000e-16 : f32
    %add3A_15 = vector.broadcast %add3A_14 : f32 to vector<512x64xf32>
    %add3A_16 = arith.addf %dot_general3A_13, %add3A_15 : vector<512x64xf32>
    %div3A = arith.divf %slice3A, %add3A_16 : vector<512x64xf32>
    %get3A_17 = arith.constant 0 : index
    %get3A_18 = arith.constant 0 : index
    %get3A_19 = vector.load %arg2[%get3A_17, %get3A_18] : memref<1x64xf32, #tpu.memory_space<vmem>>, vector<1x64xf32>
    %add3A_20 = vector.broadcast %get3A_19 : vector<1x64xf32> to vector<512x64xf32>
    %add3A_21 = arith.addf %div3A, %add3A_20 : vector<512x64xf32>
    %gt3A = arith.constant 0.000000e+00 : f32
    %gt3A_22 = vector.broadcast %gt3A : f32 to vector<512x64xf32>
    %gt3A_23 = arith.cmpf ogt, %add3A_21, %gt3A_22 : vector<512x64xf32>
    %exp3A = math.exp %add3A_21 : vector<512x64xf32>
    %sub3A = arith.constant 1.000000e+00 : f32
    %sub3A_24 = vector.broadcast %sub3A : f32 to vector<512x64xf32>
    %sub3A_25 = arith.subf %exp3A, %sub3A_24 : vector<512x64xf32>
    %select_n3A = arith.select %gt3A_23, %add3A_21, %sub3A_25 : vector<512x64xi1>, vector<512x64xf32>
    %get3A_26 = arith.constant 0 : index
    %get3A_27 = arith.constant 0 : index
    %get3A_28 = vector.load %arg3[%get3A_26, %get3A_27] : memref<64x16xf32, #tpu.memory_space<vmem>>, vector<64x16xf32>
    %dot_general3A_29 = arith.constant dense<0.000000e+00> : vector<512x16xf32>
    %dot_general3A_30 = tpu.matmul %select_n3A, %get3A_28, %dot_general3A_29 {dimension_numbers = #tpu.dot_dimension_numbers<[1], [0], [0], [1], [0, 0, 1, 1], [], []>, transpose_lhs_hint = false} : vector<512x64xf32>, vector<64x16xf32>, vector<512x16xf32> -> vector<512x16xf32>
    %swap3A = arith.constant 0 : index
    %swap3A_31 = arith.constant 0 : index
    %swap3A_32 = vector.load %arg6[%swap3A, %swap3A_31] : memref<512x16xf32, #tpu.memory_space<vmem>>, vector<512x16xf32>
    tpu.vector_store %arg6[%swap3A, %swap3A_31], %dot_general3A_30 {strides = array<i32>} : memref<512x16xf32, #tpu.memory_space<vmem>>, vector<512x16xf32>,
    %get3A_33 = arith.constant 0 : index
    %get3A_34 = arith.constant 0 : index
    %get3A_35 = vector.load %arg4[%get3A_33, %get3A_34] : memref<16x16xf32, #tpu.memory_space<vmem>>, vector<16x16xf32>
    %dot_general3A_36 = arith.constant dense<0.000000e+00> : vector<512x16xf32>
    %dot_general3A_37 = tpu.matmul %dot_general3A_30, %get3A_35, %dot_general3A_36 {dimension_numbers = #tpu.dot_dimension_numbers<[1], [0], [0], [1], [0, 0, 1, 1], [], []>, transpose_lhs_hint = false} : vector<512x16xf32>, vector<16x16xf32>, vector<512x16xf32> -> vector<512x16xf32>
    %swap3A_38 = arith.constant 0 : index
    %swap3A_39 = arith.constant 0 : index
    %swap3A_40 = vector.load %arg7[%swap3A_38, %swap3A_39] : memref<512x16xf32, #tpu.memory_space<vmem>>, vector<512x16xf32>
    tpu.vector_store %arg7[%swap3A_38, %swap3A_39], %dot_general3A_37 {strides = array<i32>} : memref<512x16xf32, #tpu.memory_space<vmem>>, vector<512x16xf32>,
    %concatenate3A = tpu.concatenate %dot_general3A_30, %dot_general3A_37 in 1 : vector<512x16xf32>, vector<512x16xf32> -> vector<512x32xf32>
    %swap3A_41 = arith.constant 0 : index
    %swap3A_42 = arith.constant 0 : index
    %swap3A_43 = vector.load %arg8[%swap3A_41, %swap3A_42] : memref<512x32xf32, #tpu.memory_space<vmem>>, vector<512x32xf32>
    tpu.vector_store %arg8[%swap3A_41, %swap3A_42], %concatenate3A {strides = array<i32>} : memref<512x32xf32, #tpu.memory_space<vmem>>, vector<512x32xf32>,
    %reduce_max3A = arith.constant dense<0xFF800000> : vector<16xf32>
    %reduce_max3A_44 = vector.multi_reduction <maximumf>, %dot_general3A_37, %reduce_max3A [0] : vector<512x16xf32> to vector<16xf32>
    %broadcast_in_dim3A = vector.shape_cast %reduce_max3A_44 : vector<16xf32> to vector<1x16xf32>
    %eq3A = arith.constant 0 : i32
    %eq3A_45 = arith.cmpi eq, %arg0, %eq3A : i32
    %convert_element_type3A = arith.extui %eq3A_45 : i1 to i32
    %cond3A = arith.constant 0 : i32
    %cond3A_46 = arith.cmpi ne, %convert_element_type3A, %cond3A : i32
    scf.if %cond3A_46 {
      %swap3A_57 = arith.constant 0 : index
      %swap3A_58 = arith.constant 0 : index
      %swap3A_59 = vector.load %arg9[%swap3A_57, %swap3A_58] : memref<1x16xf32, #tpu.memory_space<vmem>>, vector<1x16xf32>
      tpu.vector_store %arg9[%swap3A_57, %swap3A_58], %broadcast_in_dim3A {strides = array<i32>} : memref<1x16xf32, #tpu.memory_space<vmem>>, vector<1x16xf32>,
    } else {
    }
    %gt3A_47 = arith.constant 0 : i32
    %gt3A_48 = arith.cmpi sgt, %arg0, %gt3A_47 : i32
    %convert_element_type3A_49 = arith.extui %gt3A_48 : i1 to i32
    %cond3A_50 = arith.constant 0 : i32
    %cond3A_51 = arith.cmpi ne, %convert_element_type3A_49, %cond3A_50 : i32
    scf.if %cond3A_51 {
      %get3A_57 = arith.constant 0 : index
      %get3A_58 = arith.constant 0 : index
      %get3A_59 = vector.load %arg9[%get3A_57, %get3A_58] : memref<1x16xf32, #tpu.memory_space<vmem>>, vector<1x16xf32>
      %max3A = arith.maximumf %get3A_59, %broadcast_in_dim3A : vector<1x16xf32>
      %swap3A_60 = arith.constant 0 : index
      %swap3A_61 = arith.constant 0 : index
      %swap3A_62 = vector.load %arg9[%swap3A_60, %swap3A_61] : memref<1x16xf32, #tpu.memory_space<vmem>>, vector<1x16xf32>
      tpu.vector_store %arg9[%swap3A_60, %swap3A_61], %max3A {strides = array<i32>} : memref<1x16xf32, #tpu.memory_space<vmem>>, vector<1x16xf32>,
    } else {
    }
    %eq3A_52 = arith.constant 19 : i32
    %eq3A_53 = arith.cmpi eq, %arg0, %eq3A_52 : i32
    %convert_element_type3A_54 = arith.extui %eq3A_53 : i1 to i32
    %cond3A_55 = arith.constant 0 : i32
    %cond3A_56 = arith.cmpi ne, %convert_element_type3A_54, %cond3A_55 : i32
    scf.if %cond3A_56 {
      %get3A_57 = arith.constant 0 : index
      %get3A_58 = arith.constant 0 : index
      %get3A_59 = vector.load %arg9[%get3A_57, %get3A_58] : memref<1x16xf32, #tpu.memory_space<vmem>>, vector<1x16xf32>
      %slice3A_60 = vector.extract_strided_slice %get3A_59 {offsets = [0, 0], sizes = [1, 1], strides = [1, 1]} : vector<1x16xf32> to vector<1x1xf32>
      %squeeze3A = vector.extract %slice3A_60[0, 0] : f32 from vector<1x1xf32>
      %slice3A_61 = vector.extract_strided_slice %get3A_59 {offsets = [0, 1], sizes = [1, 1], strides = [1, 1]} : vector<1x16xf32> to vector<1x1xf32>
      %squeeze3A_62 = vector.extract %slice3A_61[0, 0] : f32 from vector<1x1xf32>
      %add3A_63 = arith.addf %squeeze3A, %squeeze3A_62 : f32
      %mul3A = arith.constant 2.000000e-01 : f32
      %mul3A_64 = arith.mulf %mul3A, %add3A_63 : f32
      %max3A = arith.maximumf %add3A_63, %mul3A_64 : f32
      %broadcast_in_dim3A_65 = vector.broadcast %max3A : f32 to vector<1x16xf32>
      %swap3A_66 = arith.constant 0 : index
      %swap3A_67 = arith.constant 0 : index
      %swap3A_68 = vector.load %arg9[%swap3A_66, %swap3A_67] : memref<1x16xf32, #tpu.memory_space<vmem>>, vector<1x16xf32>
      tpu.vector_store %arg9[%swap3A_66, %swap3A_67], %broadcast_in_dim3A_65 {strides = array<i32>} : memref<1x16xf32, #tpu.memory_space<vmem>>, vector<1x16xf32>,
    } else {
    }
    return
  }
  func.func @transform_0(%arg0: i32) -> (i32, i32, i32) {
    %c0_i32 = arith.constant 0 : i32
    %c0_i32_0 = arith.constant 0 : i32
    %c0_i32_1 = arith.constant 0 : i32
    return %c0_i32, %arg0, %c0_i32_0 : i32, i32, i32
  }
  func.func @transform_1(%arg0: i32) -> (i32, i32) {
    %c0_i32 = arith.constant 0 : i32
    %c0_i32_0 = arith.constant 0 : i32
    %c0_i32_1 = arith.constant 0 : i32
    return %c0_i32, %c0_i32_0 : i32, i32
  }
  func.func @transform_2(%arg0: i32) -> (i32, i32) {
    %c0_i32 = arith.constant 0 : i32
    %c0_i32_0 = arith.constant 0 : i32
    %c0_i32_1 = arith.constant 0 : i32
    return %c0_i32, %c0_i32_0 : i32, i32
  }
  func.func @transform_3(%arg0: i32) -> (i32, i32) {
    %c0_i32 = arith.constant 0 : i32
    %c0_i32_0 = arith.constant 0 : i32
    %c0_i32_1 = arith.constant 0 : i32
    return %c0_i32, %c0_i32_0 : i32, i32
  }
  func.func @transform_4(%arg0: i32) -> (i32, i32) {
    %c0_i32 = arith.constant 0 : i32
    %c0_i32_0 = arith.constant 0 : i32
    %c0_i32_1 = arith.constant 0 : i32
    return %c0_i32, %c0_i32_0 : i32, i32
  }
  func.func @transform_5(%arg0: i32) -> (i32, i32) {
    %c0_i32 = arith.constant 0 : i32
    %c0_i32_0 = arith.constant 0 : i32
    return %arg0, %c0_i32 : i32, i32
  }
  func.func @transform_6(%arg0: i32) -> (i32, i32) {
    %c0_i32 = arith.constant 0 : i32
    %c0_i32_0 = arith.constant 0 : i32
    return %arg0, %c0_i32 : i32, i32
  }
  func.func @transform_7(%arg0: i32) -> (i32, i32) {
    %c0_i32 = arith.constant 0 : i32
    %c0_i32_0 = arith.constant 0 : i32
    return %arg0, %c0_i32 : i32, i32
  }
  func.func @transform_8(%arg0: i32) -> (i32, i32) {
    %c0_i32 = arith.constant 0 : i32
    %c0_i32_0 = arith.constant 0 : i32
    %c0_i32_1 = arith.constant 0 : i32
    return %c0_i32, %c0_i32_0 : i32, i32
  }
}

module attributes {stable_mosaic.version = 14 : i64} {
  func.func @_fin_body(%arg0: i32, %arg1: memref<2x512x32xf32, #tpu.memory_space<vmem>>, %arg2: memref<1x16xf32, #tpu.memory_space<vmem>>, %arg3: memref<512x16xf32, #tpu.memory_space<vmem>>) attributes {dimension_semantics = [#tpu.dimension_semantics<arbitrary>], iteration_bounds = array<i64: 20>, scalar_prefetch = 0 : i64, scratch_operands = 0 : i64, tpu.core_type = #tpu.core_type<tc>, window_params = [{transform_indices = @transform_0, window_bounds = array<i64: 2, 512, 32>}, {pipeline_mode = #tpu.pipeline_mode<synchronous>, transform_indices = @transform_1, window_bounds = array<i64: 1, 16>}, {transform_indices = @transform_2, window_bounds = array<i64: 512, 16>}]} {
    %get3A = arith.constant 0 : index
    %get3A_0 = arith.constant 0 : index
    %get3A_1 = arith.constant 0 : index
    %get3A_2 = vector.load %arg1[%get3A, %get3A_0, %get3A_1] : memref<2x512x32xf32, #tpu.memory_space<vmem>>, vector<1x512x32xf32>
    %get3A_3 = vector.shape_cast %get3A_2 : vector<1x512x32xf32> to vector<512x32xf32>
    %get3A_4 = arith.constant 1 : index
    %get3A_5 = arith.constant 0 : index
    %get3A_6 = arith.constant 0 : index
    %get3A_7 = vector.load %arg1[%get3A_4, %get3A_5, %get3A_6] : memref<2x512x32xf32, #tpu.memory_space<vmem>>, vector<1x512x32xf32>
    %get3A_8 = vector.shape_cast %get3A_7 : vector<1x512x32xf32> to vector<512x32xf32>
    %add3A = arith.addf %get3A_3, %get3A_8 : vector<512x32xf32>
    %slice3A = vector.extract_strided_slice %add3A {offsets = [0, 0], sizes = [512, 16], strides = [1, 1]} : vector<512x32xf32> to vector<512x16xf32>
    %slice3A_9 = vector.extract_strided_slice %add3A {offsets = [0, 16], sizes = [512, 1], strides = [1, 1]} : vector<512x32xf32> to vector<512x1xf32>
    %add3A_10 = arith.constant 1.000000e-16 : f32
    %add3A_11 = vector.broadcast %add3A_10 : f32 to vector<512x1xf32>
    %add3A_12 = arith.addf %slice3A_9, %add3A_11 : vector<512x1xf32>
    %div3A = vector.broadcast %add3A_12 : vector<512x1xf32> to vector<512x16xf32>
    %div3A_13 = arith.divf %slice3A, %div3A : vector<512x16xf32>
    %get3A_14 = arith.constant 0 : index
    %get3A_15 = arith.constant 0 : index
    %get3A_16 = vector.load %arg2[%get3A_14, %get3A_15] : memref<1x16xf32, #tpu.memory_space<vmem>>, vector<1x16xf32>
    %add3A_17 = vector.broadcast %get3A_16 : vector<1x16xf32> to vector<512x16xf32>
    %add3A_18 = arith.addf %div3A_13, %add3A_17 : vector<512x16xf32>
    %reduce_max3A = arith.constant dense<0xFF800000> : vector<512xf32>
    %reduce_max3A_19 = vector.multi_reduction <maximumf>, %add3A_18, %reduce_max3A [1] : vector<512x16xf32> to vector<512xf32>
    %broadcast_in_dim3A = vector.shape_cast %reduce_max3A_19 : vector<512xf32> to vector<512x1xf32>
    %sub3A = vector.broadcast %broadcast_in_dim3A : vector<512x1xf32> to vector<512x16xf32>
    %sub3A_20 = arith.subf %add3A_18, %sub3A : vector<512x16xf32>
    %exp3A = math.exp %sub3A_20 : vector<512x16xf32>
    %sub3A_21 = vector.broadcast %broadcast_in_dim3A : vector<512x1xf32> to vector<512x16xf32>
    %sub3A_22 = arith.subf %add3A_18, %sub3A_21 : vector<512x16xf32>
    %reduce_sum3A = arith.constant dense<0.000000e+00> : vector<512xf32>
    %reduce_sum3A_23 = vector.multi_reduction <add>, %exp3A, %reduce_sum3A [1] : vector<512x16xf32> to vector<512xf32>
    %broadcast_in_dim3A_24 = vector.shape_cast %reduce_sum3A_23 : vector<512xf32> to vector<512x1xf32>
    %log3A = math.log %broadcast_in_dim3A_24 : vector<512x1xf32>
    %sub3A_25 = vector.broadcast %log3A : vector<512x1xf32> to vector<512x16xf32>
    %sub3A_26 = arith.subf %sub3A_22, %sub3A_25 : vector<512x16xf32>
    %swap3A = arith.constant 0 : index
    %swap3A_27 = arith.constant 0 : index
    %swap3A_28 = vector.load %arg3[%swap3A, %swap3A_27] : memref<512x16xf32, #tpu.memory_space<vmem>>, vector<512x16xf32>
    tpu.vector_store %arg3[%swap3A, %swap3A_27], %sub3A_26 {strides = array<i32>} : memref<512x16xf32, #tpu.memory_space<vmem>>, vector<512x16xf32>,
    return
  }
  func.func @transform_0(%arg0: i32) -> (i32, i32, i32) {
    %c0_i32 = arith.constant 0 : i32
    %c0_i32_0 = arith.constant 0 : i32
    %c0_i32_1 = arith.constant 0 : i32
    return %c0_i32, %arg0, %c0_i32_0 : i32, i32, i32
  }
  func.func @transform_1(%arg0: i32) -> (i32, i32) {
    %c0_i32 = arith.constant 0 : i32
    %c0_i32_0 = arith.constant 0 : i32
    %c0_i32_1 = arith.constant 0 : i32
    return %c0_i32, %c0_i32_0 : i32, i32
  }
  func.func @transform_2(%arg0: i32) -> (i32, i32) {
    %c0_i32 = arith.constant 0 : i32
    %c0_i32_0 = arith.constant 0 : i32
    return %arg0, %c0_i32 : i32, i32
  }
}

</mosaic_0001>

<sc_bundles>
// kernel: kernel.10.cloned.1.call-start
scs
__scs_entry_jumppad:
0x0: {  	(pc) =	sbr.rel $0x88, $3  }
0x1: {  	(tag) =	ssettag $0x0;
	lr =	simm.s32 $0x1  }
0x2: {  	[smem:$0x3F97] =	sst lr;
	_ =	strace $0xD0000000  }
0x3: {  	_ = 	snop  }
0x4: {  	_ = 	snop  }
0x5: {  	_ = 	snop  }
0x6: {  	_ = 	snop  }
0x7: {  	_ = 	snop  }
__scs_overlays_trampoline_lowered:
0x8: {  	[smem:$0x3FA6] =	sst s0  }
0x9: {  	[smem:$0x3FA7] =	sst s1  }
0xa: {  	[smem:$0x3FA8] =	sst s2  }
0xb: {  	[smem:$0x3FA9] =	sst s3  }
0xc: {  	[smem:$0x3FAA] =	sst s4  }
0xd: {  	[smem:$0x3FAB] =	sst s5  }
0xe: {  	[smem:$0x3FAC] =	sst s6  }
0xf: {  	[smem:$0x3FAD] =	sst s7  }
0x10: {  	[smem:$0x3FAE] =	sst s8  }
0x11: {  	[smem:$0x3FAF] =	sst s9;
	s0 =	simm.s32 @!p0 $0x0  }
0x12: {  	s1 =	sld [smem:$0x3F95];
	s0 =	simm.s32 @p0 $0x1  }
0x13: {  	[smem:$0x3FB0] =	sst s0;
	s0 =	simm.s32 @!p1 $0x0  }
0x14: {  	s2 =	sld [smem:$0x3F94];
	s0 =	simm.s32 @p1 $0x1  }
0x15: {  	[smem:$0x3FB1] =	sst s0;
	s0 =	simm.s32 @!p2 $0x0  }
0x16: {  	s3 =	sld [smem:$0x3FDB];
	s0 =	simm.s32 @p2 $0x1  }
0x17: {  	s4 =	simm.s32 $0x1BF5;
	[smem:$0x3FB3] =	sst s0  }
0x18: {  	s0 =	sld [smem:$0x3F96];
	_ =	swait.ge [sflag:s4], $0x0  }
0x19: {  	s7 =	sld [smem:$0x3F97]  }
0x1a: {  	s8 =	sadd.s32 $0xFFFFE003, lr  }
0x1b: {  	s9 =	sadd.s32 $0xFFFFFEF7, lr;
	s5 =	simm.s32 $0xFFFFFFFF;
	p2 =	slt.u32 s8, $0xFFFFF086  }
0x1c: {  	p1 =	slt.u32 s9, $0xF7A;
	s5 =	simm.s32 @!p2 $0x0  }
0x1d: {  	s5 =	simm.s32 @p1 $0x1;
	p0 =	seq.s32 s7, s2  }
0x1e: {  	s7 =	smul.u32 @!p0 $0xF7A, s2;
	p2 =	seq.s32 @!p0 s5, $0x0  }
0x1f: {  	s9 =	smul.u32 $0xF7A, s1;
	s8 =	simm.s32 @!p0 $0x1BF5;
	p2 =	por !p2, p0  }
0x20: {  	[sflag:s8] =	ssyncset.s32 @!p0 $0xFFFFF086;
	s6 =	sadd.s32 @!p0 s3, s7;
	s7 =	simm.s32 @!p0 $0x108  }
0x21: {  	s3 =	sadd.s32 s3, s9;
	s6 =	sadd.s32 @!p0 $0x88, s6;
	s7 =	simm.s32 @p2 $0x1082  }
0x22: {  	[simem:s7], [sflag:s8] =	dma.local @!p0 [hbm:s6], $0xF7A  }
0x23: {  	s9 =	sor.u32 $0xD0000000, s2;
	s6 =	simm.s32 $0x108;
	_ =	swait.ge @!p0 [sflag:s8], $0x0  }
0x24: {  	s3 =	sadd.s32 $0x88, s3;
	s6 =	simm.s32 @!p1 $0x1082;
	[sflag:s4] =	ssyncset.s32 $0xFFFFF086  }
0x25: {  	[simem:s6], [sflag:s4] =	dma.local [hbm:s3], $0xF7A  }
0x26: {  	[smem:$0x3F97] =	sst s1;
	(tag) =	ssettag s2;
	_ =	strace s9  }
0x27: {  	s1 =	sld [smem:$0x3FA7]  }
0x28: {  	s2 =	sld [smem:$0x3FA8]  }
0x29: {  	s4 =	sld [smem:$0x3FAA]  }
0x2a: {  	p0 =	seq.s32 s5, $0x0;
	s5 =	sld [smem:$0x3FAB]  }
0x2b: {  	s6 =	sld [smem:$0x3FAC]  }
0x2c: {  	s7 =	sld [smem:$0x3FAD]  }
0x2d: {  	s3 =	simm.s32 $0x108;
	s8 =	sld [smem:$0x3FAE]  }
0x2e: {  	s3 =	simm.s32 @!p0 $0x1082;
	s9 =	sld [smem:$0x3FAF]  }
0x2f: {  	lr =	sadd.s32 s0, s3;
	s0 =	sld [smem:$0x3FA6]  }
0x30: {  	s3 =	sld [smem:$0x3FA9]  }
0x31: {  	[smem:$0x3FB2] =	sst s10  }
0x32: {  	s10 =	sld [smem:$0x3FB0];
	_ =	sdelay $0x3  }
0x33: {  	p0 =	seq.s32 s10, $0x1;
	s10 =	sld [smem:$0x3FB2];
	_ =	sdelay $0x3  }
0x34: {  	[smem:$0x3FB2] =	sst s10  }
0x35: {  	s10 =	sld [smem:$0x3FB1];
	_ =	sdelay $0x3  }
0x36: {  	p1 =	seq.s32 s10, $0x1;
	s10 =	sld [smem:$0x3FB2];
	_ =	sdelay $0x3  }
0x37: {  	[smem:$0x3FB2] =	sst s10  }
0x38: {  	s10 =	sld [smem:$0x3FB3]  }
0x39: {  	_ = 	snop;
	(pc) =	sbr.ind lr, $3  }
0x3a: {  	_ = 	snop  }
0x3b: {  	_ = 	snop  }
0x3c: {  	p2 =	seq.s32 s10, $0x1;
	s10 =	sld [smem:$0x3FB2]  }
0x3d: {  	_ =	shalt  }
0x3e: {  	_ =	shalt  }
0x3f: {  	_ =	shalt  }
0x40: {  	_ =	shalt  }
0x41: {  	_ =	shalt  }
0x42: {  	_ =	shalt  }
0x43: {  	_ =	shalt  }
0x44: {  	_ =	shalt  }
0x45: {  	_ =	shalt  }
0x46: {  	_ =	shalt  }
0x47: {  	_ =	shalt  }
0x48: {  	_ =	shalt  }
0x49: {  	_ =	shalt  }
0x4a: {  	_ =	shalt  }
0x4b: {  	_ =	shalt  }
0x4c: {  	_ =	shalt  }
0x4d: {  	_ =	shalt  }
0x4e: {  	_ =	shalt  }
0x4f: {  	_ =	shalt  }
0x50: {  	_ =	shalt  }
0x51: {  	_ =	shalt  }
0x52: {  	_ =	shalt  }
0x53: {  	_ =	shalt  }
0x54: {  	_ =	shalt  }
0x55: {  	_ =	shalt  }
0x56: {  	_ =	shalt  }
0x57: {  	_ =	shalt  }
0x58: {  	_ =	shalt  }
0x59: {  	_ =	shalt  }
0x5a: {  	_ =	shalt  }
0x5b: {  	_ =	shalt  }
0x5c: {  	_ =	shalt  }
0x5d: {  	_ =	shalt  }
0x5e: {  	_ =	shalt  }
0x5f: {  	_ =	shalt  }
0x60: {  	_ =	shalt  }
0x61: {  	_ =	shalt  }
0x62: {  	_ =	shalt  }
0x63: {  	_ =	shalt  }
0x64: {  	_ =	shalt  }
0x65: {  	_ =	shalt  }
0x66: {  	_ =	shalt  }
0x67: {  	_ =	shalt  }
0x68: {  	_ =	shalt  }
0x69: {  	_ =	shalt  }
0x6a: {  	_ =	shalt  }
0x6b: {  	_ =	shalt  }
0x6c: {  	_ =	shalt  }
0x6d: {  	_ =	shalt  }
0x6e: {  	_ =	shalt  }
0x6f: {  	_ =	shalt  }
0x70: {  	_ =	shalt  }
0x71: {  	_ =	shalt  }
0x72: {  	_ =	shalt  }
0x73: {  	_ =	shalt  }
0x74: {  	_ =	shalt  }
0x75: {  	_ =	shalt  }
0x76: {  	_ =	shalt  }
0x77: {  	_ =	shalt  }
0x78: {  	_ =	shalt  }
0x79: {  	_ =	shalt  }
0x7a: {  	_ =	shalt  }
0x7b: {  	_ =	shalt  }
0x7c: {  	_ =	shalt  }
0x7d: {  	_ =	shalt  }
0x7e: {  	_ =	shalt  }
0x7f: {  	_ =	shalt  }
0x80: {  	_ =	shalt  }
0x81: {  	_ =	shalt  }
0x82: {  	_ =	shalt  }
0x83: {  	_ =	shalt  }
0x84: {  	_ =	shalt  }
0x85: {  	_ =	shalt  }
0x86: {  	_ =	shalt  }
0x87: {  	_ =	shalt  }
.Lfunc_end0:
.L_simem_size_0:
called_computation.1_lowered:
.L_overlay_start_0:
0x88: {  	s2 =	sld [smem:$0x3FD9]  }
0x89: {  	s3 =	sld [smem:$0x3FFE];
	_ =	sdelay $0x1  }
0x8a: {  	s1 =	srdreg.scid  }
0x8b: {  	s0 =	sand.u32 $0x1, s1  }
0x8c: {  	s17 =	sshll.u32 s0, $0xA;
	s2 =	sadd.s32 s3, s2  }
0x8d: {  	s2 =	sadd.s32 s2, s17  }
0x8e: {  	[smem:$0x3FBE] =	sst s2  }
0x8f: {  	_ = 	snop  }
0x90: {  	s2 =	sld [smem:$0x3FD0];
	(tm) =	ssettm $0x1  }
0x91: {  	s18 =	sld [smem:$0x3FFB];
	_ =	sdelay $0x3  }
0x92: {  	_ =	strace s18  }
0x93: {  	s3 =	sld [smem:$0x3FFC];
	_ =	sdelay $0x3  }
0x94: {  	_ =	strace s3  }
0x95: {  	s3 =	sld [smem:$0x3FFD];
	_ =	sdelay $0x3  }
0x96: {  	_ =	strace s3  }
0x97: {  	_ =	strace $0x8FFFFFFF  }
0x98: {  	s19 =	sld [smem:$0x3FDB];
	_ =	sdelay $0x1  }
0x99: {  	s4 =	simm.s32 $_scs_section_size  }
0x9a: {  	s5 =	simm.s32 $_size__tile_overlayer_lowered;
	s6 =	simm.s32 $_tile_overlayer_lowered  }
0x9b: {  	s22 =	simm.s32 $0x1BFF;
	s21 =	sshll.u32 s6, $0x1;
	s3 =	sadd.s32 s4, s19  }
0x9c: {  	s7 =	simm.s32 $0x0;
	s20 =	sshll.u32 s5, $0x1;
	s5 =	sadd.s32 s21, s3  }
0x9d: {  	[timem:s7], [sflag:s22] =	dma.local [hbm:s5], s20  }
0x9e: {  	_ =	swait.ge [sflag:s22], s20  }
0x9f: {  	s4 =	ssub.s32 $0x0, s20;
	[sflag:s22] =	ssyncset.done $0x0  }
0xa0: {  	[sflag:s22] =	ssyncadd.s32 s4;
	_ =	sdelay $0x1  }
0xa1: {  	s23 =	simm.s32 $0x1B8B  }
0xa2: {  	_ =	swait.ge [sflag:s23], $0x1  }
0xa3: {  	[sflag:s23] =	ssyncset.done $0x0  }
0xa4: {  	s25 =	simm.s32 $0x1B8E;
	s24 =	sld [smem:$0x3FFE];
	[sflag:s23] =	ssyncadd.s32 $0xFFFFFFFF  }
0xa5: {  	s26 =	simm.s32 $execute0_lowered;
	[smem:$0x3FD2] =	sst s25  }
0xa6: {  	s5 =	sshll.u32 s26, $0x1;
	_ =	strace $0x80000049;
	[dreg:$0x1] =	wrdreg $0xFFFFFFFF  }
0xa7: {  	s28 =	simm.s32 $_size_execute0_lowered;
	s3 =	sadd.s32 s3, s5;
	[dreg:$0x0] =	wrdreg $0x0  }
0xa8: {  	s5 =	sshll.u32 s28, $0x1;
	[dreg:$0x2] =	wrdreg s3  }
0xa9: {  	[dreg:$0x3] =	wrdreg s5  }
0xaa: {  	[dreg:$0x4] =	wrdreg $0xC0  }
0xab: {  	_ =	task [dreg:s7], $0x5FFFF  }
0xac: {  	[dreg:$0x1] =	wrdreg $0xFFFFFFFF  }
0xad: {  	[dreg:$0x0] =	wrdreg $0x60  }
0xae: {  	[dreg:$0x2] =	wrdreg s24  }
0xaf: {  	[dreg:$0x3] =	wrdreg s2  }
0xb0: {  	[dreg:$0x4] =	wrdreg $0x0  }
0xb1: {  	[dreg:$0x5] =	wrdreg $0x9  }
0xb2: {  	_ =	task.clear_ibuf [dreg:s7], $0x6FFFF;
	_ =	strace $0x90000049  }
0xb3: {  	s29 =	simm.s32 $0x9;
	_ =	strace $0x8000004B  }
0xb4: {  	_ =	swait.ge [sflag:s29], $0x1  }
0xb5: {  	[sflag:s29] =	ssyncadd.s32 $0xFFFFFFFF  }
0xb6: {  	_ =	strace $0x9000004B  }
0xb7: {  	_ =	sfence  }
0xb8: {  	s30 =	sld [smem:$0x0];
	_ =	sdelay $0x2  }
0xb9: {  	s31 =	sshll.u32 s1, $0xD;
	s1 =	sshrl.u32 s1, $0x2  }
0xba: {  	s3 =	sand.u32 $0x4000, s31;
	s1 =	sadd.s32 s1, s30  }
0xbb: {  	s0 =	sor.u32 s3, s0;
	s1 =	sshll.u32 s1, $0x11  }
0xbc: {  	s0 =	sor.u32 s1, s0  }
0xbd: {  	s0 =	sadd.s32 $0x8F2B, s0  }
0xbe: {  	[sflag:s0] =	ssyncadd.remote.s32 $0x1  }
0xbf: {  	_ =	sfence.sel $0xFFFF  }
0xc0: {  	[dreg:$0x0] =	wrdreg $0xFFFFFFFF;
	(pc) =	sbr.abs _section_cstart, $3  }
0xc1: {  	[dreg:$0x1] =	wrdreg $0xFFFFFFFF  }
0xc2: {  	_ =	task.clear_ibuf [dreg:s7], $0x2FFFF;
	_ =	strace $0x9FFFFFFF  }
0xc3: {  	(tm) =	ssettm $0x7FFFFFFF  }
tec
execute0_lowered:
.L_overlay_start_1:
0x0: {  	(tag) =	ssettag $0x1  }
0x1: {  	s0 =	srdreg.scid  }
0x2: {  	s1 =	rddreg [dreg:$0x0];
	s4 =	stileid.u32  }
0x3: {  	s3 =	rddreg [dreg:$0x2];
	s5 =	simm.s32 $0x0;
	s14 =	simm.s32 $0x5  }
0x4: {  	s18 =	simm.s32 $0x80;
	s20 =	simm.s32 $0x7C00;
	s22 =	simm.s32 $0x8C00  }
0x5: {  	s28 =	simm.s32 $0x1;
	s29 =	simm.s32 $0xCD00;
	s30 =	simm.s32 $0xCC00  }
0x6: {  	s31 =	simm.s32 $0xAC00;
	s15 =	simm.s32 $0x3;
	s16 =	simm.s32 $0x4  }
0x7: {  	s17 =	simm.s32 $0x0;
	s0 =	sand.u32 $0x1, s0;
	s7 =	smul.u32 $0x5000, s4  }
0x8: {  	[smem:$0x7FF] =	sst s5;
	s5 =	sadd.s32 $0xB600, s1;
	s6 =	sadd.s32 $0x1600, s1  }
0x9: {  	s24 =	sshll.u32 s4, $0x6;
	s2 =	sshll.u32 s0, $0x4;
	s8 =	smul.u32 $0x50000, s0  }
0xa: {  	_ =	strace $0x8000004A;
	s0 =	ssub.s32 $0x2, s0;
	s2 =	sor.u32 s4, s2  }
0xb: {  	s9 =	sshrl.u32 s7, $0x3;
	s23 =	sshrl.u32 s0, $0x1;
	s2 =	smul.u32 $0x2A0, s2  }
0xc: {  	s8 =	sadd.s32 s7, s8;
	s9 =	sadd.s32 s9, s1;
	s0 =	ssub.s32 s0, s23  }
0xd: {  	s7 =	sadd.s32 s7, s3;
	s23 =	simm.s32 $0x7B80;
	s8 =	sshrl.u32 s8, $0x3  }
0xe: {  	s25 =	sadd.s32 $0x10600, s9;
	s0 =	smax.u32 s0, $0x1;
	s13 =	sshrl.u32 s7, $0x3  }
0xf: {  	s2 =	sadd.s32 s2, s1;
	s1 =	sadd.s32 s8, s1;
	[dreg:$0x4] =	wrdreg s25  }
.Ltmp0:
0x10: {  	[dreg:$0x8] =	wrdreg s0;
	s26 =	sadd.s32 $0x24A00, s2;
	(pc) =	sbr.rel .LBB2_1-.Ltmp0, $4  }
0x11: {  	s8 =	sor.u32 $0x1C05, s24;
	s2 =	sadd.s32 $0x1F600, s2;
	[dreg:$0x5] =	wrdreg s26  }
0x12: {  	s24 =	simm.s32 $0x8400;
	s1 =	sadd.s32 $0x29E00, s1;
	[dreg:$0x6] =	wrdreg s2  }
0x13: {  	s25 =	simm.s32 $0x7A80;
	s0 =	simm.s32 $0xCC80;
	[dreg:$0x7] =	wrdreg s1  }
0x14: {  	v0 =	vimm.f32 $0.0e+00;
	v1 =	vlaneseq.u32;
	s26 =	simm.s32 $0x9C00;
	s1 =	simm.s32 $0x2;
	s2 =	simm.s32 $0xBC00  }
.LBB2_12:
0x15: {  	_ =	swait.ge [sflag:s15], $0x1000  }
0x16: {  	[sflag:s15] =	ssyncset.done $0x0  }
0x17: {  	[sflag:s15] =	ssyncadd.s32 $0xFFFFF000  }
0x18: {  	_ =	swait.ge [sflag:s16], $0x1000  }
0x19: {  	[sflag:s16] =	ssyncset.done $0x0  }
0x1a: {  	[sflag:s16] =	ssyncadd.s32 $0xFFFFF000  }
0x1b: {  	[bflag:$0x0] =	sbarrier.arrive $0xFFFF  }
0x1c: {  	s4 =	rddreg [dreg:$0x7]  }
0x1d: {  	[hbm:s4], [sflag:s8] =	dma.local [spmem:s13], $0xA00  }
0x1e: {  	_ =	swait.ge [sflag:s14], $0xA00  }
0x1f: {  	s17 =	sadd.s32 $0x1, s17;
	s21 =	rddreg [dreg:$0x8]  }
0x20: {  	p0 =	sne.s32 s17, s21  }
.Ltmp1:
0x21: {  	_ = 	snop;
	(pc) =	sbr.rel @!p0 .LBB2_13-.Ltmp1, $3  }
0x22: {  	_ =	sdelay $0x1  }
0x23: {  	[sflag:s14] =	ssyncset.done $0x0  }
0x24: {  	[sflag:s14] =	ssyncadd.s32 $0xFFFFF600  }
.LBB2_1:
0x25: {  	s4 =	rddreg [dreg:$0x4]  }
0x26: {  	[spmem:s13], [sflag:s8] =	dma.local [hbm:s4], $0xA00  }
0x27: {  	_ =	swait.ge [sflag:s14], $0xA00  }
0x28: {  	[sflag:s14] =	ssyncset.done $0x0  }
0x29: {  	[sflag:s14] =	ssyncadd.s32 $0xFFFFF600  }
0x2a: {  	s7 =	simm.s32 $0x0;
	s9 =	simm.s32 $0xCD90;
	s21 =	rddreg [dreg:$0x1]  }
0x2b: {  	[tilespmem:s9], [sflag:$0x5] =	stream.linear.gather [hbm4b:s21+s7], $0x10, $0x38;
	[tilespmem:$0xCDA0] =	vst v63  }
0x2c: {  	_ =	swait.ge [sflag:s14], $0x10  }
0x2d: {  	[sflag:s14] =	ssyncset.done $0x0  }
0x2e: {  	s10 =	simm.s32 $0x5000;
	s9 =	rddreg [dreg:$0x5];
	[sflag:s14] =	ssyncadd.s32 $0xFFFFFFF0  }
0x2f: {  	[tilespmem:s10], [sflag:$0x5] =	stream.linear.gather [hbm4b:s9+s7], $0x1500, $0x38;
	[tilespmem:$0xCDA0] =	vst v63  }
0x30: {  	_ =	swait.ge [sflag:s14], $0x1500  }
0x31: {  	[sflag:s14] =	ssyncset.done $0x0  }
0x32: {  	s12 =	simm.s32 $0x6500;
	s11 =	rddreg [dreg:$0x6];
	[sflag:s14] =	ssyncadd.s32 $0xFFFFEB00  }
0x33: {  	[tilespmem:s12], [sflag:$0x5] =	stream.linear.gather [hbm4b:s11+s7], $0x1500, $0x38;
	[tilespmem:$0xCDA0] =	vst v63  }
0x34: {  	_ =	swait.ge [sflag:s14], $0x1500  }
0x35: {  	[sflag:s14] =	ssyncset.done $0x0  }
0x36: {  	[sflag:s14] =	ssyncadd.s32 $0xFFFFEB00  }
0x37: {  	[bflag:$0x0] =	sbarrier.arrive $0xFFFF  }
0x38: {  	v2 =	vld [tilespmem:$0x5000]  }
0x39: {  	v3 =	vld [tilespmem:$0x6500]  }
0x3a: {  	v4 =	vld [tilespmem:$0x5010]  }
0x3b: {  	v5 =	vld [tilespmem:$0x6510]  }
0x3c: {  	[tilespmem:$0xCD80] =	vst v0;
	v6 =	vld [tilespmem:$0x5020]  }
0x3d: {  	v46 =	vld [tilespmem:$0x6530];
	[tilespmem:$0x7A00] =	vst v2  }
0x3e: {  	v47 =	vld [tilespmem:$0x5040];
	[tilespmem:$0x7B00] =	vst v3  }
0x3f: {  	v48 =	vld [tilespmem:$0x6540];
	[tilespmem:$0x7A10] =	vst v4  }
0x40: {  	v49 =	vld [tilespmem:$0x5060];
	[tilespmem:$0x7B10] =	vst v5  }
0x41: {  	v2 =	vld [tilespmem:$0x6520];
	[tilespmem:$0x7A20] =	vst v6  }
0x42: {  	v3 =	vld [tilespmem:$0x5030];
	[tilespmem:$0x7B30] =	vst v46  }
0x43: {  	v50 =	vld [tilespmem:$0x6560];
	[tilespmem:$0x7A40] =	vst v47  }
0x44: {  	v51 =	vld [tilespmem:$0x5070];
	[tilespmem:$0x7B40] =	vst v48  }
0x45: {  	v7 =	vld [tilespmem:$0x6570];
	[tilespmem:$0x7A60] =	vst v49  }
0x46: {  	[tilespmem:$0x7B20] =	vst v2;
	v2 =	vld [tilespmem:$0x5050]  }
0x47: {  	[tilespmem:$0x7A30] =	vst v3;
	v3 =	vld [tilespmem:$0x6550]  }
0x48: {  	[tilespmem:$0x7B60] =	vst v50  }
0x49: {  	[tilespmem:$0x7A70] =	vst v51  }
0x4a: {  	[tilespmem:$0x7B70] =	vst v7  }
0x4b: {  	[tilespmem:$0x7A50] =	vst v2  }
0x4c: {  	s19 =	simm.s32 $0x7B00;
	[tilespmem:$0x7B50] =	vst v3  }
0x4d: {  	v2 =	vld [tilespmem:$0xCD90];
	[tilespmem:s20], [sflag:$0x1] =	stream.indirect.gather [hbm4b:s5+s18], $0x10, s19, s18, $0xb8  }
0x4e: {  	s21 =	simm.s32 $0x7A00  }
0x4f: {  	[tilespmem:s22], [sflag:$0x1] =	stream.indirect.gather [hbm4b:s6+s18], $0x20, s21, s18, $0xb8;
	[tilespmem:$0xCDA0] =	vst v63  }
0x50: {  	v3 =	vld [tilespmem:$0x5080]  }
0x51: {  	v52 =	vld [tilespmem:$0x6580]  }
0x52: {  	v53 =	vld [tilespmem:$0x5090]  }
0x53: {  	v54 =	vld [tilespmem:$0x6590]  }
0x54: {  	v55 =	vld [tilespmem:$0x50A0]  }
0x55: {  	[tilespmem:$0x7A80] =	vst v3;
	v3 =	vld [tilespmem:$0x65A0]  }
0x56: {  	v56 =	vld [tilespmem:$0x50B0];
	[tilespmem:$0x7B80] =	vst v52  }
0x57: {  	v57 =	vld [tilespmem:$0x65B0];
	[tilespmem:$0x7A90] =	vst v53  }
0x58: {  	v58 =	vld [tilespmem:$0x50C0];
	[tilespmem:$0x7B90] =	vst v54  }
0x59: {  	v59 =	vld [tilespmem:$0x65C0];
	[tilespmem:$0x7AA0] =	vst v55  }
0x5a: {  	[tilespmem:$0x7BA0] =	vst v3;
	v3 =	vld [tilespmem:$0x50D0]  }
0x5b: {  	v60 =	vld [tilespmem:$0x65D0];
	[tilespmem:$0x7AB0] =	vst v56  }
0x5c: {  	v61 =	vld [tilespmem:$0x50E0];
	[tilespmem:$0x7BB0] =	vst v57  }
0x5d: {  	v62 =	vld [tilespmem:$0x65E0];
	[tilespmem:$0x7AC0] =	vst v58  }
0x5e: {  	v63 =	vld [tilespmem:$0x50F0];
	[tilespmem:$0x7BC0] =	vst v59  }
0x5f: {  	[tilespmem:$0x7AD0] =	vst v3;
	v3 =	vld [tilespmem:$0x65F0]  }
0x60: {  	[tilespmem:$0x7BD0] =	vst v60  }
0x61: {  	[tilespmem:$0x7AE0] =	vst v61  }
0x62: {  	[tilespmem:$0x7BE0] =	vst v62  }
0x63: {  	[tilespmem:$0x7AF0] =	vst v63  }
0x64: {  	[tilespmem:$0x7BF0] =	vst v3  }
0x65: {  	[tilespmem:s24], [sflag:$0x2] =	stream.indirect.gather [hbm4b:s5+s18], $0x10, s23, s18, $0xb8;
	[tilespmem:$0xCDA0] =	vst v63  }
0x66: {  	s19 =	simm.s32 $0x0  }
0x67: {  	[tilespmem:s26], [sflag:$0x2] =	stream.indirect.gather [hbm4b:s6+s18], $0x20, s25, s18, $0xb8;
	[tilespmem:$0xCDA0] =	vst v63  }
.LBB2_2:
0x68: {  	_ =	swait.ge [sflag:s28], $0x800  }
0x69: {  	s9 =	simm.s32 $0x10;
	[sflag:s28] =	ssyncset.done $0x0  }
0x6a: {  	s7 =	simm.s32 $0x0;
	v3 =	vor.u32 s9, v1;
	[sflag:s28] =	ssyncadd.s32 $0xFFFFF800  }
0x6b: {  	v4 =	vor.u32 s7, v1;
	v5 =	vshll.u32 v3, $0x5;
	_ =	swait.ge [sflag:s28], $0x1000  }
0x6c: {  	p0 =	seq.s32 s19, $0x0;
	v6 =	vshll.u32 v4, $0x5;
	v5 =	vor.u32 $0x10, v5;
	[sflag:s28] =	ssyncset.done $0x0  }
0x6d: {  	s9 =	simm.s32 @!p0 $0x3;
	v3 =	vshll.u32 v3, $0x4;
	v6 =	vor.u32 $0x10, v6;
	[sflag:s28] =	ssyncadd.s32 $0xFFFFF000  }
0x6e: {  	v4 =	vshll.u32 v4, $0x4;
	v3 =	vor.u32 $0x1, v3;
	_ =	swait.ge @!p0 [sflag:s9], $0x1000  }
0x6f: {  	v4 =	vor.u32 $0x1, v4;
	[sflag:s9] =	ssyncset.done @!p0 $0x0  }
0x70: {  	[sflag:s9] =	ssyncadd.s32 @!p0 $0xFFFFF000  }
0x71: {  	v5 =	vld.idx.msk [tilespmem:v5+s22+$0x0], $0xffff  }
0x72: {  	v6 =	vld.idx.msk [tilespmem:v6+s22+$0x0], $0xffff  }
0x73: {  	v3 =	vld.idx.msk [tilespmem:v3+s20+$0x0], $0xffff  }
0x74: {  	v4 =	vld.idx.msk [tilespmem:v4+s20+$0x0], $0xffff;
	_ =	sdelay $0x2  }
0x75: {  	s21 =	simm.s32 $0x30  }
0x76: {  	v3 =	vadd.f32 v3, v5;
	v5 =	vor.u32 s21, v1  }
0x77: {  	s10 =	simm.s32 $0x20;
	v4 =	vadd.f32 v4, v6;
	v6 =	vshll.u32 v5, $0x5  }
0x78: {  	v7 =	vor.u32 s10, v1;
	v8 =	vmul.f32 $2.000000030e-01, v3;
	v6 =	vor.u32 $0x10, v6  }
0x79: {  	v9 =	vshll.u32 v7, $0x5;
	v10 =	vmul.f32 $2.000000030e-01, v4  }
0x7a: {  	v9 =	vor.u32 $0x10, v9;
	v3 =	vmax.f32 v3, v8  }
0x7b: {  	v5 =	vshll.u32 v5, $0x4;
	v4 =	vmax.f32 v4, v10;
	v8 =	vsub.f32 v3, v2  }
0x7c: {  	v7 =	vshll.u32 v7, $0x4;
	v5 =	vor.u32 $0x1, v5;
	v4 =	vsub.f32 v4, v2  }
0x7d: {  	v7 =	vor.u32 $0x1, v7;
	v3 =	vld.idx.msk [tilespmem:v6+s22+$0x0], $0xffff;
	v6 =	vmul.f32 $1.442695020e+00, v8  }
0x7e: {  	v8 =	vmul.f32 $1.442695020e+00, v4  }
0x7f: {  	(erf) = vpow2.f32 v6  }
0x80: {  	v4 =	vld.idx.msk [tilespmem:v9+s22+$0x0], $0xffff;
	(erf) = vpow2.f32 v8  }
0x81: {  	v5 =	vld.idx.msk [tilespmem:v5+s20+$0x0], $0xffff  }
0x82: {  	s11 =	simm.s32 $0x40;
	v6 =	vld.idx.msk [tilespmem:v7+s20+$0x0], $0xffff  }
0x83: {  	s10 =	simm.s32 $0xCD10;
	s9 =	simm.s32 $0xCD10;
	s21 =	sshll.u32 s19, $0x8  }
.LBB2_3:
0x84: {  	p1 =	slt.u32 s11, $0x60  }
0x85: {  	s9 =	sadd.s32 $0x20, s9;
	s12 =	smov.u32 s11;
	s11 =	sadd.s32 $0x20, s11  }
0x86: {  	v3 =	vadd.f32 v5, v3;
	s4 =	sadd.s32 $0x10, s12  }
0x87: {  	v5 =	vor.u32 s12, v1;
	v4 =	vadd.f32 v6, v4;
	v7 =	vor.u32 s4, v1  }
0x88: {  	v8 =	vmul.f32 $2.000000030e-01, v3;
	v6 =	vshll.u32 v7, $0x5;
	v7 =	vshll.u32 v7, $0x4;
	v9 =	vpop (erf)  }
0x89: {  	v10 =	vmul.f32 $2.000000030e-01, v4;
	v6 =	vor.u32 $0x10, v6;
	v7 =	vor.u32 $0x1, v7;
	[tilespmem:s10+$0x0] =	vst v9;
	v9 =	vpop (erf)  }
0x8a: {  	v11 =	vshll.u32 v5, $0x5;
	v5 =	vshll.u32 v5, $0x4;
	v3 =	vmax.f32 v3, v8;
	[tilespmem:s10+$0xFFFFFFF0] =	vst v9;
	s10 =	smov.u32 s9  }
0x8b: {  	v8 =	vor.u32 $0x10, v11;
	v9 =	vor.u32 $0x1, v5;
	v4 =	vmax.f32 v4, v10  }
0x8c: {  	v5 =	vsub.f32 v3, v2;
	v4 =	vsub.f32 v4, v2;
	_ =	sdelay $0x1  }
0x8d: {  	v5 =	vmul.f32 $1.442695020e+00, v5;
	v3 =	vld.idx.msk [tilespmem:v6+s22+$0x0], $0xffff;
	v6 =	vmul.f32 $1.442695020e+00, v4;
	_ =	sdelay $0x1  }
0x8e: {  	v4 =	vld.idx.msk [tilespmem:v8+s22+$0x0], $0xffff;
	(erf) = vpow2.f32 v5  }
.Ltmp2:
0x8f: {  	v5 =	vld.idx.msk [tilespmem:v7+s20+$0x0], $0xffff;
	(erf) = vpow2.f32 v6;
	(pc) =	sbr.rel @p1 .LBB2_3-.Ltmp2, $1  }
0x90: {  	v6 =	vld.idx.msk [tilespmem:v9+s20+$0x0], $0xffff;
	_ =	sdelay $0x3  }
0x91: {  	v3 =	vadd.f32 v5, v3  }
0x92: {  	v4 =	vadd.f32 v6, v4  }
0x93: {  	v5 =	vmul.f32 $2.000000030e-01, v3  }
0x94: {  	v6 =	vmul.f32 $2.000000030e-01, v4  }
0x95: {  	v3 =	vmax.f32 v3, v5  }
0x96: {  	v4 =	vmax.f32 v4, v6;
	v3 =	vsub.f32 v3, v2  }
0x97: {  	v4 =	vsub.f32 v4, v2  }
0x98: {  	v3 =	vmul.f32 $1.442695020e+00, v3  }
0x99: {  	v4 =	vmul.f32 $1.442695020e+00, v4  }
0x9a: {  	(erf) = vpow2.f32 v3  }
0x9b: {  	(erf) = vpow2.f32 v4;
	_ =	sdelay $0x2  }
0x9c: {  	v3 =	vmov s7  }
0x9d: {  	v3 =	vand.u32 $0xFFFFFFFE, v3  }
0x9e: {  	v3 =	vbroadcast v3, $0x0  }
0x9f: {  	v4 =	vpop (erf)  }
0xa0: {  	v5 =	vpop (erf);
	[tilespmem:s10+$0x0] =	vst v4  }
0xa1: {  	s4 =	sadd.s32 $0x20, s9;
	[tilespmem:s10+$0xFFFFFFF0] =	vst v5;
	v4 =	vpop (erf)  }
0xa2: {  	s12 =	simm.s32 $0x2;
	[tilespmem:s4+$0x0] =	vst v4;
	v4 =	vpop (erf)  }
0xa3: {  	s11 =	simm.s32 $0x1;
	[tilespmem:s4+$0xFFFFFFF0] =	vst v4;
	v4 =	vmov s12  }
0xa4: {  	s9 =	simm.s32 $0x8C20;
	v5 =	vmov s11;
	v4 =	vand.u32 $0xFFFFFFFE, v4;
	v11 =	vld.idx.msk [tilespmem:v3+s29+$0x0], $0xffff  }
0xa5: {  	v7 =	vld [tilespmem:s9+$0xFFFFFFE0];
	v6 =	vbroadcast v4, $0x0  }
0xa6: {  	s10 =	simm.s32 $0x3  }
0xa7: {  	v3 =	vmov s10  }
0xa8: {  	v10 =	vld [tilespmem:s9+$0x0]  }
0xa9: {  	s11 =	simm.s32 $0x4;
	v4 =	vld.idx.msk [tilespmem:v5+s29+$0x0], $0xffff  }
0xaa: {  	v8 =	vmul.f32 v7, v11;
	v7 =	vmov s11  }
0xab: {  	s7 =	simm.s32 $0xAC20;
	s12 =	simm.s32 $0x5;
	v5 =	vld.idx.msk [tilespmem:v6+s29+$0x0], $0xffff;
	v6 =	vand.u32 $0xFFFFFFFE, v7  }
0xac: {  	s9 =	simm.s32 $0x8C60;
	v3 =	vld.idx.msk [tilespmem:v3+s29+$0x0], $0xffff;
	[tilespmem:s7+$0xFFFFFFE0] =	vst v8;
	v8 =	vmov s12;
	v9 =	vbroadcast v6, $0x0  }
0xad: {  	v7 =	vld [tilespmem:s9+$0xFFFFFFE0]  }
0xae: {  	v10 =	vmul.f32 v10, v4;
	v6 =	vld [tilespmem:s9+$0x0]  }
0xaf: {  	s10 =	simm.s32 $0x6;
	[tilespmem:s7+$0xFFFFFFF0] =	vst v11  }
.LBB2_5:
0xb0: {  	v11 =	vmov s10;
	p1 =	slt.u32 s10, $0x7E;
	[tilespmem:s7+$0x0] =	vst v10;
	s4 =	smov.u32 s10;
	s10 =	sadd.s32 $0x2, s10  }
.Ltmp3:
0xb1: {  	v10 =	vand.u32 $0xFFFFFFFE, v11;
	s4 =	sadd.s32 $0x1, s4;
	[tilespmem:s7+$0x10] =	vst v4;
	v4 =	vmov v3;
	v3 =	vld.idx.msk [tilespmem:v8+s29+$0x0], $0xffff;
	(pc) =	sbr.rel @p1 .LBB2_5-.Ltmp3, $4  }
0xb2: {  	s9 =	sadd.s32 $0x40, s9;
	v12 =	vmovc v5;
	v8 =	vmov s4;
	v11 =	vmul.f32 v7, v5;
	v5 =	vld.idx.msk [tilespmem:v9+s29+$0x0], $0xffff;
	v9 =	vbroadcast v10, $0x0  }
0xb3: {  	s7 =	sadd.s32 $0x40, s7;
	v7 =	vld [tilespmem:s9+$0xFFFFFFE0];
	v10 =	vmul.f32 v6, v4  }
0xb4: {  	v6 =	vld [tilespmem:s9+$0x0];
	[tilespmem:s7+$0xFFFFFFE0] =	vst v11  }
0xb5: {  	[tilespmem:s7+$0xFFFFFFF0] =	vst v12  }
0xb6: {  	_ =	sdelay $0x3  }
0xb7: {  	v9 =	vld.idx.msk [tilespmem:v9+s29+$0x0], $0xffff  }
0xb8: {  	s4 =	sadd.s32 $0x40, s9;
	[tilespmem:s7+$0x0] =	vst v10;
	v8 =	vld.idx.msk [tilespmem:v8+s29+$0x0], $0xffff  }
0xb9: {  	[tilespmem:s7+$0x10] =	vst v4;
	s12 =	sadd.s32 $0x40, s7;
	v11 =	vld [tilespmem:s4+$0xFFFFFFE0]  }
0xba: {  	v4 =	vld [tilespmem:s4+$0x0];
	[tilespmem:s12+$0xFFFFFFF0] =	vst v5;
	v7 =	vmul.f32 v7, v5  }
0xbb: {  	[tilespmem:s12+$0x10] =	vst v3;
	v6 =	vmul.f32 v6, v3  }
0xbc: {  	[tilespmem:s12+$0xFFFFFFE0] =	vst v7  }
0xbd: {  	s9 =	sadd.s32 $0x40, s12;
	[tilespmem:s12+$0x0] =	vst v6  }
0xbe: {  	[tilespmem:s9+$0xFFFFFFF0] =	vst v9;
	v5 =	vmul.f32 v11, v9  }
0xbf: {  	[tilespmem:s9+$0x10] =	vst v8;
	v3 =	vmul.f32 v4, v8  }
0xc0: {  	[tilespmem:s9+$0xFFFFFFE0] =	vst v5  }
0xc1: {  	[tilespmem:s9+$0x0] =	vst v3  }
0xc2: {  	v3 =	vld [tilespmem:$0x7B00]  }
0xc3: {  	v4 =	vld [tilespmem:$0x7B10]  }
0xc4: {  	v5 =	vld [tilespmem:$0x7B20]  }
0xc5: {  	v6 =	vld [tilespmem:$0x7B30]  }
0xc6: {  	v7 =	vld [tilespmem:$0x7B40]  }
0xc7: {  	[tilespmem:$0xCC00] =	vst v3;
	v3 =	vld [tilespmem:$0x7B50]  }
0xc8: {  	[tilespmem:$0xCC10] =	vst v4;
	v4 =	vld [tilespmem:$0x7B60]  }
0xc9: {  	[tilespmem:$0xCC20] =	vst v5;
	v5 =	vld [tilespmem:$0x7B70]  }
0xca: {  	[tilespmem:$0xCC30] =	vst v6  }
0xcb: {  	[tilespmem:$0xCC40] =	vst v7  }
0xcc: {  	[tilespmem:$0xCC50] =	vst v3  }
0xcd: {  	[tilespmem:$0xCC60] =	vst v4  }
0xce: {  	p1 =	seq.s32 s19, $0x14;
	[tilespmem:$0xCC70] =	vst v5  }
0xcf: {  	[spmem:s3] =	stream.indirect.scatter.add.f32 [tilespmem:s31], [sflag:$0x3], $0x20, s30, s18, $0xb8;
	[tilespmem:$0xCDA0] =	vst v63  }
0xd0: {  	v3 =	vld @!p1 [tilespmem:s21+$0x5100];
	_ =	sdelay $0x4  }
0xd1: {  	[tilespmem:$0x7A00] =	vst @!p1 v3  }
0xd2: {  	v3 =	vld @!p1 [tilespmem:s21+$0x6600];
	_ =	sdelay $0x4  }
0xd3: {  	[tilespmem:$0x7B00] =	vst @!p1 v3  }
0xd4: {  	v3 =	vld @!p1 [tilespmem:s21+$0x5110];
	_ =	sdelay $0x4  }
0xd5: {  	[tilespmem:$0x7A10] =	vst @!p1 v3  }
0xd6: {  	v3 =	vld @!p1 [tilespmem:s21+$0x6610];
	_ =	sdelay $0x4  }
0xd7: {  	[tilespmem:$0x7B10] =	vst @!p1 v3  }
0xd8: {  	v3 =	vld @!p1 [tilespmem:s21+$0x5120];
	_ =	sdelay $0x4  }
0xd9: {  	[tilespmem:$0x7A20] =	vst @!p1 v3  }
0xda: {  	v3 =	vld @!p1 [tilespmem:s21+$0x6620];
	_ =	sdelay $0x4  }
0xdb: {  	[tilespmem:$0x7B20] =	vst @!p1 v3  }
0xdc: {  	v3 =	vld @!p1 [tilespmem:s21+$0x5130];
	_ =	sdelay $0x4  }
0xdd: {  	[tilespmem:$0x7A30] =	vst @!p1 v3  }
0xde: {  	v3 =	vld @!p1 [tilespmem:s21+$0x6630];
	_ =	sdelay $0x4  }
0xdf: {  	[tilespmem:$0x7B30] =	vst @!p1 v3  }
0xe0: {  	v3 =	vld @!p1 [tilespmem:s21+$0x5140];
	_ =	sdelay $0x4  }
0xe1: {  	[tilespmem:$0x7A40] =	vst @!p1 v3  }
0xe2: {  	v3 =	vld @!p1 [tilespmem:s21+$0x6640];
	_ =	sdelay $0x4  }
0xe3: {  	[tilespmem:$0x7B40] =	vst @!p1 v3  }
0xe4: {  	v3 =	vld @!p1 [tilespmem:s21+$0x5150];
	_ =	sdelay $0x4  }
0xe5: {  	[tilespmem:$0x7A50] =	vst @!p1 v3  }
0xe6: {  	v3 =	vld @!p1 [tilespmem:s21+$0x6650];
	_ =	sdelay $0x4  }
0xe7: {  	[tilespmem:$0x7B50] =	vst @!p1 v3  }
0xe8: {  	v3 =	vld @!p1 [tilespmem:s21+$0x5160];
	_ =	sdelay $0x4  }
0xe9: {  	[tilespmem:$0x7A60] =	vst @!p1 v3  }
0xea: {  	v3 =	vld @!p1 [tilespmem:s21+$0x6660];
	_ =	sdelay $0x4  }
0xeb: {  	[tilespmem:$0x7B60] =	vst @!p1 v3  }
0xec: {  	v3 =	vld @!p1 [tilespmem:s21+$0x5170];
	_ =	sdelay $0x4  }
0xed: {  	[tilespmem:$0x7A70] =	vst @!p1 v3  }
0xee: {  	v3 =	vld @!p1 [tilespmem:s21+$0x6670];
	_ =	sdelay $0x4  }
0xef: {  	s4 =	simm.s32 @!p1 $0x80;
	s7 =	simm.s32 @!p1 $0x7B00;
	s9 =	simm.s32 @!p1 $0x7C00;
	[tilespmem:$0x7B70] =	vst @!p1 v3  }
0xf0: {  	[tilespmem:s9], [sflag:$0x1] =	stream.indirect.gather @!p1 [hbm4b:s5+s4], $0x10, s7, s4, $0xb8;
	[tilespmem:$0xCDA0] =	vst v63  }
0xf1: {  	s7 =	simm.s32 @!p1 $0x7A00;
	s9 =	simm.s32 @!p1 $0x8C00  }
0xf2: {  	[tilespmem:s9], [sflag:$0x1] =	stream.indirect.gather @!p1 [hbm4b:s6+s4], $0x20, s7, s4, $0xb8;
	[tilespmem:$0xCDA0] =	vst v63  }
0xf3: {  	_ =	swait.ge [sflag:s1], $0x800  }
0xf4: {  	s10 =	simm.s32 $0x10;
	[sflag:s1] =	ssyncset.done $0x0  }
0xf5: {  	v3 =	vor.u32 s10, v1;
	s7 =	simm.s32 $0x0;
	[sflag:s1] =	ssyncadd.s32 $0xFFFFF800  }
0xf6: {  	v5 =	vshll.u32 v3, $0x5;
	v4 =	vor.u32 s7, v1;
	_ =	swait.ge [sflag:s1], $0x1000  }
0xf7: {  	v5 =	vor.u32 $0x10, v5;
	v6 =	vshll.u32 v4, $0x5;
	[sflag:s1] =	ssyncset.done $0x0  }
0xf8: {  	v3 =	vshll.u32 v3, $0x4;
	s4 =	simm.s32 @!p0 $0x4;
	v6 =	vor.u32 $0x10, v6;
	[sflag:s1] =	ssyncadd.s32 $0xFFFFF000  }
0xf9: {  	v3 =	vor.u32 $0x1, v3;
	v4 =	vshll.u32 v4, $0x4;
	_ =	swait.ge @!p0 [sflag:s4], $0x1000  }
0xfa: {  	v4 =	vor.u32 $0x1, v4;
	[sflag:s4] =	ssyncset.done @!p0 $0x0  }
0xfb: {  	[sflag:s4] =	ssyncadd.s32 @!p0 $0xFFFFF000  }
0xfc: {  	v5 =	vld.idx.msk [tilespmem:v5+s26+$0x0], $0xffff  }
0xfd: {  	v6 =	vld.idx.msk [tilespmem:v6+s26+$0x0], $0xffff  }
0xfe: {  	v3 =	vld.idx.msk [tilespmem:v3+s24+$0x0], $0xffff  }
0xff: {  	v4 =	vld.idx.msk [tilespmem:v4+s24+$0x0], $0xffff;
	_ =	sdelay $0x2  }
0x100: {  	s11 =	simm.s32 $0x30  }
0x101: {  	v3 =	vadd.f32 v3, v5;
	v5 =	vor.u32 s11, v1  }
0x102: {  	s12 =	simm.s32 $0x20;
	v4 =	vadd.f32 v4, v6;
	v6 =	vshll.u32 v5, $0x5  }
0x103: {  	v7 =	vor.u32 s12, v1;
	v8 =	vmul.f32 $2.000000030e-01, v3;
	v6 =	vor.u32 $0x10, v6  }
0x104: {  	v62 =	vshll.u32 v7, $0x5;
	v63 =	vmul.f32 $2.000000030e-01, v4  }
0x105: {  	v9 =	vor.u32 $0x10, v62;
	v3 =	vmax.f32 v3, v8  }
0x106: {  	v5 =	vshll.u32 v5, $0x4;
	v4 =	vmax.f32 v4, v63;
	v8 =	vsub.f32 v3, v2  }
0x107: {  	v7 =	vshll.u32 v7, $0x4;
	v5 =	vor.u32 $0x1, v5;
	v4 =	vsub.f32 v4, v2  }
0x108: {  	v7 =	vor.u32 $0x1, v7;
	v3 =	vld.idx.msk [tilespmem:v6+s26+$0x0], $0xffff;
	v6 =	vmul.f32 $1.442695020e+00, v8  }
0x109: {  	v8 =	vmul.f32 $1.442695020e+00, v4  }
0x10a: {  	(erf) = vpow2.f32 v6  }
0x10b: {  	v4 =	vld.idx.msk [tilespmem:v9+s26+$0x0], $0xffff;
	(erf) = vpow2.f32 v8  }
0x10c: {  	v5 =	vld.idx.msk [tilespmem:v5+s24+$0x0], $0xffff  }
0x10d: {  	v6 =	vld.idx.msk [tilespmem:v7+s24+$0x0], $0xffff  }
0x10e: {  	s10 =	simm.s32 $0xCD10;
	s9 =	simm.s32 $0xCD10;
	s11 =	simm.s32 $0x40  }
.LBB2_7:
0x10f: {  	p0 =	slt.u32 s11, $0x60  }
0x110: {  	s9 =	sadd.s32 $0x20, s9;
	s4 =	smov.u32 s11;
	s11 =	sadd.s32 $0x20, s11  }
0x111: {  	v3 =	vadd.f32 v5, v3;
	s12 =	sadd.s32 $0x10, s4  }
0x112: {  	v5 =	vor.u32 s4, v1;
	v4 =	vadd.f32 v6, v4;
	v7 =	vor.u32 s12, v1  }
0x113: {  	v8 =	vmul.f32 $2.000000030e-01, v3;
	v6 =	vshll.u32 v7, $0x5;
	v7 =	vshll.u32 v7, $0x4;
	v9 =	vpop (erf)  }
0x114: {  	v10 =	vmul.f32 $2.000000030e-01, v4;
	v6 =	vor.u32 $0x10, v6;
	v7 =	vor.u32 $0x1, v7;
	[tilespmem:s10+$0x0] =	vst v9;
	v9 =	vpop (erf)  }
0x115: {  	v11 =	vshll.u32 v5, $0x5;
	v5 =	vshll.u32 v5, $0x4;
	v3 =	vmax.f32 v3, v8;
	[tilespmem:s10+$0xFFFFFFF0] =	vst v9;
	s10 =	smov.u32 s9  }
0x116: {  	v8 =	vor.u32 $0x10, v11;
	v9 =	vor.u32 $0x1, v5;
	v4 =	vmax.f32 v4, v10  }
0x117: {  	v5 =	vsub.f32 v3, v2;
	v4 =	vsub.f32 v4, v2;
	_ =	sdelay $0x1  }
0x118: {  	v5 =	vmul.f32 $1.442695020e+00, v5;
	v3 =	vld.idx.msk [tilespmem:v6+s26+$0x0], $0xffff;
	v6 =	vmul.f32 $1.442695020e+00, v4;
	_ =	sdelay $0x1  }
0x119: {  	v4 =	vld.idx.msk [tilespmem:v8+s26+$0x0], $0xffff;
	(erf) = vpow2.f32 v5  }
.Ltmp4:
0x11a: {  	v5 =	vld.idx.msk [tilespmem:v7+s24+$0x0], $0xffff;
	(erf) = vpow2.f32 v6;
	(pc) =	sbr.rel @p0 .LBB2_7-.Ltmp4, $1  }
0x11b: {  	v6 =	vld.idx.msk [tilespmem:v9+s24+$0x0], $0xffff;
	_ =	sdelay $0x3  }
0x11c: {  	v3 =	vadd.f32 v5, v3  }
0x11d: {  	v4 =	vadd.f32 v6, v4  }
0x11e: {  	v5 =	vmul.f32 $2.000000030e-01, v3  }
0x11f: {  	v6 =	vmul.f32 $2.000000030e-01, v4  }
0x120: {  	v3 =	vmax.f32 v3, v5  }
0x121: {  	v4 =	vmax.f32 v4, v6;
	v3 =	vsub.f32 v3, v2  }
0x122: {  	v4 =	vsub.f32 v4, v2  }
0x123: {  	v3 =	vmul.f32 $1.442695020e+00, v3  }
0x124: {  	v4 =	vmul.f32 $1.442695020e+00, v4  }
0x125: {  	(erf) = vpow2.f32 v3  }
0x126: {  	(erf) = vpow2.f32 v4;
	_ =	sdelay $0x2  }
0x127: {  	v3 =	vmov s7  }
0x128: {  	v3 =	vand.u32 $0xFFFFFFFE, v3  }
0x129: {  	v3 =	vbroadcast v3, $0x0  }
0x12a: {  	v4 =	vpop (erf)  }
0x12b: {  	v5 =	vpop (erf);
	[tilespmem:s10+$0x0] =	vst v4  }
0x12c: {  	s4 =	sadd.s32 $0x20, s9;
	[tilespmem:s10+$0xFFFFFFF0] =	vst v5;
	v4 =	vpop (erf)  }
0x12d: {  	s12 =	simm.s32 $0x2;
	[tilespmem:s4+$0x0] =	vst v4;
	v4 =	vpop (erf)  }
0x12e: {  	s11 =	simm.s32 $0x1;
	[tilespmem:s4+$0xFFFFFFF0] =	vst v4;
	v4 =	vmov s12  }
0x12f: {  	s9 =	simm.s32 $0x9C20;
	v5 =	vmov s11;
	v4 =	vand.u32 $0xFFFFFFFE, v4;
	v11 =	vld.idx.msk [tilespmem:v3+s29+$0x0], $0xffff  }
0x130: {  	v7 =	vld [tilespmem:s9+$0xFFFFFFE0];
	v6 =	vbroadcast v4, $0x0  }
0x131: {  	s10 =	simm.s32 $0x3  }
0x132: {  	v3 =	vmov s10  }
0x133: {  	v10 =	vld [tilespmem:s9+$0x0]  }
0x134: {  	s11 =	simm.s32 $0x4;
	v4 =	vld.idx.msk [tilespmem:v5+s29+$0x0], $0xffff  }
0x135: {  	v8 =	vmul.f32 v7, v11;
	v7 =	vmov s11  }
0x136: {  	s7 =	simm.s32 $0xBC20;
	s12 =	simm.s32 $0x5;
	v5 =	vld.idx.msk [tilespmem:v6+s29+$0x0], $0xffff;
	v6 =	vand.u32 $0xFFFFFFFE, v7  }
0x137: {  	s9 =	simm.s32 $0x9C60;
	v3 =	vld.idx.msk [tilespmem:v3+s29+$0x0], $0xffff;
	[tilespmem:s7+$0xFFFFFFE0] =	vst v8;
	v8 =	vmov s12;
	v9 =	vbroadcast v6, $0x0  }
0x138: {  	v7 =	vld [tilespmem:s9+$0xFFFFFFE0]  }
0x139: {  	v10 =	vmul.f32 v10, v4;
	v6 =	vld [tilespmem:s9+$0x0]  }
0x13a: {  	s10 =	simm.s32 $0x6;
	[tilespmem:s7+$0xFFFFFFF0] =	vst v11  }
.LBB2_9:
0x13b: {  	v11 =	vmov s10;
	p0 =	slt.u32 s10, $0x7E;
	[tilespmem:s7+$0x0] =	vst v10;
	s4 =	smov.u32 s10;
	s10 =	sadd.s32 $0x2, s10  }
.Ltmp5:
0x13c: {  	v10 =	vand.u32 $0xFFFFFFFE, v11;
	s4 =	sadd.s32 $0x1, s4;
	[tilespmem:s7+$0x10] =	vst v4;
	v4 =	vmov v3;
	v3 =	vld.idx.msk [tilespmem:v8+s29+$0x0], $0xffff;
	(pc) =	sbr.rel @p0 .LBB2_9-.Ltmp5, $4  }
0x13d: {  	s9 =	sadd.s32 $0x40, s9;
	v12 =	vmovc v5;
	v8 =	vmov s4;
	v11 =	vmul.f32 v7, v5;
	v5 =	vld.idx.msk [tilespmem:v9+s29+$0x0], $0xffff;
	v9 =	vbroadcast v10, $0x0  }
0x13e: {  	s7 =	sadd.s32 $0x40, s7;
	v7 =	vld [tilespmem:s9+$0xFFFFFFE0];
	v10 =	vmul.f32 v6, v4  }
0x13f: {  	v6 =	vld [tilespmem:s9+$0x0];
	[tilespmem:s7+$0xFFFFFFE0] =	vst v11  }
0x140: {  	[tilespmem:s7+$0xFFFFFFF0] =	vst v12  }
0x141: {  	_ =	sdelay $0x3  }
0x142: {  	v9 =	vld.idx.msk [tilespmem:v9+s29+$0x0], $0xffff  }
0x143: {  	s4 =	sadd.s32 $0x40, s9;
	[tilespmem:s7+$0x0] =	vst v10;
	v8 =	vld.idx.msk [tilespmem:v8+s29+$0x0], $0xffff  }
0x144: {  	[tilespmem:s7+$0x10] =	vst v4;
	s11 =	sadd.s32 $0x40, s7;
	v11 =	vld [tilespmem:s4+$0xFFFFFFE0]  }
0x145: {  	v59 =	vld [tilespmem:s4+$0x0];
	[tilespmem:s11+$0xFFFFFFF0] =	vst v5;
	v7 =	vmul.f32 v7, v5  }
0x146: {  	[tilespmem:s11+$0x10] =	vst v3;
	v6 =	vmul.f32 v6, v3  }
0x147: {  	[tilespmem:s11+$0xFFFFFFE0] =	vst v7  }
0x148: {  	s12 =	sadd.s32 $0x40, s11;
	[tilespmem:s11+$0x0] =	vst v6  }
0x149: {  	[tilespmem:s12+$0xFFFFFFF0] =	vst v9;
	v60 =	vmul.f32 v11, v9  }
0x14a: {  	[tilespmem:s12+$0x10] =	vst v8;
	v3 =	vmul.f32 v59, v8  }
0x14b: {  	[tilespmem:s12+$0xFFFFFFE0] =	vst v60  }
0x14c: {  	[tilespmem:s12+$0x0] =	vst v3  }
0x14d: {  	v3 =	vld [tilespmem:$0x7B80]  }
0x14e: {  	v61 =	vld [tilespmem:$0x7B90]  }
0x14f: {  	v5 =	vld [tilespmem:$0x7BA0]  }
0x150: {  	v6 =	vld [tilespmem:$0x7BB0]  }
0x151: {  	v7 =	vld [tilespmem:$0x7BC0]  }
0x152: {  	v62 =	vld [tilespmem:$0x7BE0];
	[tilespmem:$0xCC80] =	vst v3  }
0x153: {  	v63 =	vld [tilespmem:$0x7BF0];
	[tilespmem:$0xCC90] =	vst v61  }
0x154: {  	v3 =	vld [tilespmem:$0x7BD0];
	[tilespmem:$0xCCA0] =	vst v5  }
0x155: {  	[tilespmem:$0xCCB0] =	vst v6  }
.Ltmp6:
0x156: {  	[tilespmem:$0xCCC0] =	vst v7;
	(pc) =	sbr.rel @p1 .LBB2_12-.Ltmp6, $4  }
0x157: {  	[tilespmem:$0xCCE0] =	vst v62  }
0x158: {  	[tilespmem:$0xCCF0] =	vst v63  }
0x159: {  	[tilespmem:$0xCCD0] =	vst v3  }
0x15a: {  	[spmem:s3] =	stream.indirect.scatter.add.f32 [tilespmem:s2], [sflag:$0x4], $0x20, s0, s18, $0xb8;
	[tilespmem:$0xCDA0] =	vst v63  }
0x15b: {  	v3 =	vld [tilespmem:s21+$0x5180];
	_ =	sdelay $0x4  }
0x15c: {  	[tilespmem:$0x7A80] =	vst v3  }
0x15d: {  	v3 =	vld [tilespmem:s21+$0x6680];
	_ =	sdelay $0x4  }
0x15e: {  	[tilespmem:$0x7B80] =	vst v3  }
0x15f: {  	v3 =	vld [tilespmem:s21+$0x5190];
	_ =	sdelay $0x4  }
0x160: {  	[tilespmem:$0x7A90] =	vst v3  }
0x161: {  	v3 =	vld [tilespmem:s21+$0x6690];
	_ =	sdelay $0x4  }
0x162: {  	[tilespmem:$0x7B90] =	vst v3  }
0x163: {  	v3 =	vld [tilespmem:s21+$0x51A0];
	_ =	sdelay $0x4  }
0x164: {  	[tilespmem:$0x7AA0] =	vst v3  }
0x165: {  	v3 =	vld [tilespmem:s21+$0x66A0];
	_ =	sdelay $0x4  }
0x166: {  	[tilespmem:$0x7BA0] =	vst v3  }
0x167: {  	v3 =	vld [tilespmem:s21+$0x51B0];
	_ =	sdelay $0x4  }
0x168: {  	[tilespmem:$0x7AB0] =	vst v3  }
0x169: {  	v3 =	vld [tilespmem:s21+$0x66B0];
	_ =	sdelay $0x4  }
0x16a: {  	[tilespmem:$0x7BB0] =	vst v3  }
0x16b: {  	v3 =	vld [tilespmem:s21+$0x51C0];
	_ =	sdelay $0x4  }
0x16c: {  	[tilespmem:$0x7AC0] =	vst v3  }
0x16d: {  	v3 =	vld [tilespmem:s21+$0x66C0];
	_ =	sdelay $0x4  }
0x16e: {  	[tilespmem:$0x7BC0] =	vst v3  }
0x16f: {  	v3 =	vld [tilespmem:s21+$0x51D0];
	_ =	sdelay $0x4  }
0x170: {  	[tilespmem:$0x7AD0] =	vst v3  }
0x171: {  	v3 =	vld [tilespmem:s21+$0x66D0];
	_ =	sdelay $0x4  }
0x172: {  	[tilespmem:$0x7BD0] =	vst v3  }
0x173: {  	v3 =	vld [tilespmem:s21+$0x51E0];
	_ =	sdelay $0x4  }
0x174: {  	[tilespmem:$0x7AE0] =	vst v3  }
0x175: {  	v3 =	vld [tilespmem:s21+$0x66E0];
	_ =	sdelay $0x4  }
0x176: {  	[tilespmem:$0x7BE0] =	vst v3  }
0x177: {  	v3 =	vld [tilespmem:s21+$0x51F0];
	_ =	sdelay $0x4  }
0x178: {  	[tilespmem:$0x7AF0] =	vst v3  }
0x179: {  	v3 =	vld [tilespmem:s21+$0x66F0];
	_ =	sdelay $0x3  }
.Ltmp7:
0x17a: {  	_ = 	snop;
	(pc) =	sbr.rel .LBB2_2-.Ltmp7, $4  }
0x17b: {  	[tilespmem:$0x7BF0] =	vst v3  }
0x17c: {  	[tilespmem:s24], [sflag:$0x2] =	stream.indirect.gather [hbm4b:s5+s18], $0x10, s23, s18, $0xb8;
	[tilespmem:$0xCDA0] =	vst v63  }
0x17d: {  	s19 =	sadd.s32 $0x1, s19  }
0x17e: {  	[tilespmem:s26], [sflag:$0x2] =	stream.indirect.gather [hbm4b:s6+s18], $0x20, s25, s18, $0xb8;
	[tilespmem:$0xCDA0] =	vst v63  }
.LBB2_13:
0x17f: {  	_ =	sfence.sel $0x180000  }
0x180: {  	[bflag:$0x0] =	sbarrier.arrive $0xFFFF  }
0x181: {  	_ =	strace $0x9000004A  }
0x182: {  	s0 =	stileid.u32;
	[bflag:$0x2] =	sbarrier.arrive $0xFFFF  }
0x183: {  	p0 =	sne.s32 s0, $0x0;
	s0 =	rddreg [dreg:$0x3]  }
0x184: {  	s0 =	sadd.s32 @!p0 $0x100000, s0  }
0x185: {  	[sflag:s0] =	ssyncadd.tile.s32 @!p0 $0x1;
	_ =	shalt  }
.Lfunc_end2:
_tile_overlayer_lowered:
.L_overlay_start_2:
0x186: {  	(tag) =	ssettag $0x2  }
0x187: {  	s0 =	rddreg [dreg:$0x0];
	s2 =	stileid.u32  }
0x188: {  	s1 =	rddreg [dreg:$0x1];
	p0 =	sne.s32 s2, $0x0  }
0x189: {  	s3 =	rddreg [dreg:$0x2];
	[bflag:$0x3] =	sbarrier.arrive $0xFFFF;
	s2 =	simm.s32 @!p0 $0x1C05  }
0x18a: {  	[timem:s3], [sflag:s2] =	dma.local @!p0 [hbm:s0], s1  }
0x18b: {  	s0 =	simm.s32 @!p0 $0x5  }
0x18c: {  	_ =	swait.ge @!p0 [sflag:s0], s1  }
0x18d: {  	s1 =	ssub.s32 @!p0 $0x0, s1;
	[sflag:s0] =	ssyncset.done @!p0 $0x0  }
0x18e: {  	[sflag:s0] =	ssyncadd.s32 @!p0 s1  }
0x18f: {  	[bflag:$0x3] =	sbarrier.arrive $0xFFFF  }
0x190: {  	_ =	shalt  }

// kernel: kernel.7.cloned.1.call-start
scs
__scs_entry_jumppad:
0x0: {  	(pc) =	sbr.rel $0x88, $3  }
0x1: {  	(tag) =	ssettag $0x0;
	lr =	simm.s32 $0x1  }
0x2: {  	[smem:$0x3F97] =	sst lr;
	_ =	strace $0xD0000000  }
0x3: {  	_ = 	snop  }
0x4: {  	_ = 	snop  }
0x5: {  	_ = 	snop  }
0x6: {  	_ = 	snop  }
0x7: {  	_ = 	snop  }
__scs_overlays_trampoline_lowered:
0x8: {  	[smem:$0x3FA6] =	sst s0  }
0x9: {  	[smem:$0x3FA7] =	sst s1  }
0xa: {  	[smem:$0x3FA8] =	sst s2  }
0xb: {  	[smem:$0x3FA9] =	sst s3  }
0xc: {  	[smem:$0x3FAA] =	sst s4  }
0xd: {  	[smem:$0x3FAB] =	sst s5  }
0xe: {  	[smem:$0x3FAC] =	sst s6  }
0xf: {  	[smem:$0x3FAD] =	sst s7  }
0x10: {  	[smem:$0x3FAE] =	sst s8  }
0x11: {  	[smem:$0x3FAF] =	sst s9;
	s0 =	simm.s32 @!p0 $0x0  }
0x12: {  	s1 =	sld [smem:$0x3F95];
	s0 =	simm.s32 @p0 $0x1  }
0x13: {  	[smem:$0x3FB0] =	sst s0;
	s0 =	simm.s32 @!p1 $0x0  }
0x14: {  	s2 =	sld [smem:$0x3F94];
	s0 =	simm.s32 @p1 $0x1  }
0x15: {  	[smem:$0x3FB1] =	sst s0;
	s0 =	simm.s32 @!p2 $0x0  }
0x16: {  	s3 =	sld [smem:$0x3FDB];
	s0 =	simm.s32 @p2 $0x1  }
0x17: {  	s4 =	simm.s32 $0x1BF5;
	[smem:$0x3FB3] =	sst s0  }
0x18: {  	s0 =	sld [smem:$0x3F96];
	_ =	swait.ge [sflag:s4], $0x0  }
0x19: {  	s7 =	sld [smem:$0x3F97]  }
0x1a: {  	s8 =	sadd.s32 $0xFFFFE003, lr  }
0x1b: {  	s9 =	sadd.s32 $0xFFFFFEF7, lr;
	s5 =	simm.s32 $0xFFFFFFFF;
	p2 =	slt.u32 s8, $0xFFFFF086  }
0x1c: {  	p1 =	slt.u32 s9, $0xF7A;
	s5 =	simm.s32 @!p2 $0x0  }
0x1d: {  	s5 =	simm.s32 @p1 $0x1;
	p0 =	seq.s32 s7, s2  }
0x1e: {  	s7 =	smul.u32 @!p0 $0xF7A, s2;
	p2 =	seq.s32 @!p0 s5, $0x0  }
0x1f: {  	s9 =	smul.u32 $0xF7A, s1;
	s8 =	simm.s32 @!p0 $0x1BF5;
	p2 =	por !p2, p0  }
0x20: {  	[sflag:s8] =	ssyncset.s32 @!p0 $0xFFFFF086;
	s6 =	sadd.s32 @!p0 s3, s7;
	s7 =	simm.s32 @!p0 $0x108  }
0x21: {  	s3 =	sadd.s32 s3, s9;
	s6 =	sadd.s32 @!p0 $0x88, s6;
	s7 =	simm.s32 @p2 $0x1082  }
0x22: {  	[simem:s7], [sflag:s8] =	dma.local @!p0 [hbm:s6], $0xF7A  }
0x23: {  	s9 =	sor.u32 $0xD0000000, s2;
	s6 =	simm.s32 $0x108;
	_ =	swait.ge @!p0 [sflag:s8], $0x0  }
0x24: {  	s3 =	sadd.s32 $0x88, s3;
	s6 =	simm.s32 @!p1 $0x1082;
	[sflag:s4] =	ssyncset.s32 $0xFFFFF086  }
0x25: {  	[simem:s6], [sflag:s4] =	dma.local [hbm:s3], $0xF7A  }
0x26: {  	[smem:$0x3F97] =	sst s1;
	(tag) =	ssettag s2;
	_ =	strace s9  }
0x27: {  	s1 =	sld [smem:$0x3FA7]  }
0x28: {  	s2 =	sld [smem:$0x3FA8]  }
0x29: {  	s4 =	sld [smem:$0x3FAA]  }
0x2a: {  	p0 =	seq.s32 s5, $0x0;
	s5 =	sld [smem:$0x3FAB]  }
0x2b: {  	s6 =	sld [smem:$0x3FAC]  }
0x2c: {  	s7 =	sld [smem:$0x3FAD]  }
0x2d: {  	s3 =	simm.s32 $0x108;
	s8 =	sld [smem:$0x3FAE]  }
0x2e: {  	s3 =	simm.s32 @!p0 $0x1082;
	s9 =	sld [smem:$0x3FAF]  }
0x2f: {  	lr =	sadd.s32 s0, s3;
	s0 =	sld [smem:$0x3FA6]  }
0x30: {  	s3 =	sld [smem:$0x3FA9]  }
0x31: {  	[smem:$0x3FB2] =	sst s10  }
0x32: {  	s10 =	sld [smem:$0x3FB0];
	_ =	sdelay $0x3  }
0x33: {  	p0 =	seq.s32 s10, $0x1;
	s10 =	sld [smem:$0x3FB2];
	_ =	sdelay $0x3  }
0x34: {  	[smem:$0x3FB2] =	sst s10  }
0x35: {  	s10 =	sld [smem:$0x3FB1];
	_ =	sdelay $0x3  }
0x36: {  	p1 =	seq.s32 s10, $0x1;
	s10 =	sld [smem:$0x3FB2];
	_ =	sdelay $0x3  }
0x37: {  	[smem:$0x3FB2] =	sst s10  }
0x38: {  	s10 =	sld [smem:$0x3FB3]  }
0x39: {  	_ = 	snop;
	(pc) =	sbr.ind lr, $3  }
0x3a: {  	_ = 	snop  }
0x3b: {  	_ = 	snop  }
0x3c: {  	p2 =	seq.s32 s10, $0x1;
	s10 =	sld [smem:$0x3FB2]  }
0x3d: {  	_ =	shalt  }
0x3e: {  	_ =	shalt  }
0x3f: {  	_ =	shalt  }
0x40: {  	_ =	shalt  }
0x41: {  	_ =	shalt  }
0x42: {  	_ =	shalt  }
0x43: {  	_ =	shalt  }
0x44: {  	_ =	shalt  }
0x45: {  	_ =	shalt  }
0x46: {  	_ =	shalt  }
0x47: {  	_ =	shalt  }
0x48: {  	_ =	shalt  }
0x49: {  	_ =	shalt  }
0x4a: {  	_ =	shalt  }
0x4b: {  	_ =	shalt  }
0x4c: {  	_ =	shalt  }
0x4d: {  	_ =	shalt  }
0x4e: {  	_ =	shalt  }
0x4f: {  	_ =	shalt  }
0x50: {  	_ =	shalt  }
0x51: {  	_ =	shalt  }
0x52: {  	_ =	shalt  }
0x53: {  	_ =	shalt  }
0x54: {  	_ =	shalt  }
0x55: {  	_ =	shalt  }
0x56: {  	_ =	shalt  }
0x57: {  	_ =	shalt  }
0x58: {  	_ =	shalt  }
0x59: {  	_ =	shalt  }
0x5a: {  	_ =	shalt  }
0x5b: {  	_ =	shalt  }
0x5c: {  	_ =	shalt  }
0x5d: {  	_ =	shalt  }
0x5e: {  	_ =	shalt  }
0x5f: {  	_ =	shalt  }
0x60: {  	_ =	shalt  }
0x61: {  	_ =	shalt  }
0x62: {  	_ =	shalt  }
0x63: {  	_ =	shalt  }
0x64: {  	_ =	shalt  }
0x65: {  	_ =	shalt  }
0x66: {  	_ =	shalt  }
0x67: {  	_ =	shalt  }
0x68: {  	_ =	shalt  }
0x69: {  	_ =	shalt  }
0x6a: {  	_ =	shalt  }
0x6b: {  	_ =	shalt  }
0x6c: {  	_ =	shalt  }
0x6d: {  	_ =	shalt  }
0x6e: {  	_ =	shalt  }
0x6f: {  	_ =	shalt  }
0x70: {  	_ =	shalt  }
0x71: {  	_ =	shalt  }
0x72: {  	_ =	shalt  }
0x73: {  	_ =	shalt  }
0x74: {  	_ =	shalt  }
0x75: {  	_ =	shalt  }
0x76: {  	_ =	shalt  }
0x77: {  	_ =	shalt  }
0x78: {  	_ =	shalt  }
0x79: {  	_ =	shalt  }
0x7a: {  	_ =	shalt  }
0x7b: {  	_ =	shalt  }
0x7c: {  	_ =	shalt  }
0x7d: {  	_ =	shalt  }
0x7e: {  	_ =	shalt  }
0x7f: {  	_ =	shalt  }
0x80: {  	_ =	shalt  }
0x81: {  	_ =	shalt  }
0x82: {  	_ =	shalt  }
0x83: {  	_ =	shalt  }
0x84: {  	_ =	shalt  }
0x85: {  	_ =	shalt  }
0x86: {  	_ =	shalt  }
0x87: {  	_ =	shalt  }
.Lfunc_end0:
.L_simem_size_0:
called_computation_lowered:
.L_overlay_start_0:
0x88: {  	s2 =	sld [smem:$0x3FD9]  }
0x89: {  	s3 =	sld [smem:$0x3FFE];
	_ =	sdelay $0x1  }
0x8a: {  	s1 =	srdreg.scid  }
0x8b: {  	s0 =	sand.u32 $0x1, s1  }
0x8c: {  	s17 =	sshll.u32 s0, $0xA;
	s2 =	sadd.s32 s3, s2  }
0x8d: {  	s2 =	sadd.s32 s2, s17  }
0x8e: {  	[smem:$0x3FBE] =	sst s2  }
0x8f: {  	_ = 	snop  }
0x90: {  	s2 =	sld [smem:$0x3FD0];
	(tm) =	ssettm $0x1  }
0x91: {  	s18 =	sld [smem:$0x3FFB];
	_ =	sdelay $0x3  }
0x92: {  	_ =	strace s18  }
0x93: {  	s3 =	sld [smem:$0x3FFC];
	_ =	sdelay $0x3  }
0x94: {  	_ =	strace s3  }
0x95: {  	s3 =	sld [smem:$0x3FFD];
	_ =	sdelay $0x3  }
0x96: {  	_ =	strace s3  }
0x97: {  	_ =	strace $0x8FFFFFFF  }
0x98: {  	s19 =	sld [smem:$0x3FDB];
	_ =	sdelay $0x1  }
0x99: {  	s4 =	simm.s32 $_scs_section_size  }
0x9a: {  	s5 =	simm.s32 $_size__tile_overlayer_lowered;
	s6 =	simm.s32 $_tile_overlayer_lowered  }
0x9b: {  	s22 =	simm.s32 $0x1BFF;
	s21 =	sshll.u32 s6, $0x1;
	s3 =	sadd.s32 s4, s19  }
0x9c: {  	s7 =	simm.s32 $0x0;
	s20 =	sshll.u32 s5, $0x1;
	s5 =	sadd.s32 s21, s3  }
0x9d: {  	[timem:s7], [sflag:s22] =	dma.local [hbm:s5], s20  }
0x9e: {  	_ =	swait.ge [sflag:s22], s20  }
0x9f: {  	s4 =	ssub.s32 $0x0, s20;
	[sflag:s22] =	ssyncset.done $0x0  }
0xa0: {  	[sflag:s22] =	ssyncadd.s32 s4;
	_ =	sdelay $0x1  }
0xa1: {  	s23 =	simm.s32 $0x1B8B  }
0xa2: {  	_ =	swait.ge [sflag:s23], $0x1  }
0xa3: {  	[sflag:s23] =	ssyncset.done $0x0  }
0xa4: {  	s25 =	simm.s32 $0x1B8E;
	s24 =	sld [smem:$0x3FFE];
	[sflag:s23] =	ssyncadd.s32 $0xFFFFFFFF  }
0xa5: {  	s26 =	simm.s32 $execute0_lowered;
	[smem:$0x3FD2] =	sst s25  }
0xa6: {  	s5 =	sshll.u32 s26, $0x1;
	_ =	strace $0x80000046;
	[dreg:$0x1] =	wrdreg $0xFFFFFFFF  }
0xa7: {  	s28 =	simm.s32 $_size_execute0_lowered;
	s3 =	sadd.s32 s3, s5;
	[dreg:$0x0] =	wrdreg $0x0  }
0xa8: {  	s5 =	sshll.u32 s28, $0x1;
	[dreg:$0x2] =	wrdreg s3  }
0xa9: {  	[dreg:$0x3] =	wrdreg s5  }
0xaa: {  	[dreg:$0x4] =	wrdreg $0xC0  }
0xab: {  	_ =	task [dreg:s7], $0x5FFFF  }
0xac: {  	[dreg:$0x1] =	wrdreg $0xFFFFFFFF  }
0xad: {  	[dreg:$0x0] =	wrdreg $0x60  }
0xae: {  	[dreg:$0x2] =	wrdreg s24  }
0xaf: {  	[dreg:$0x3] =	wrdreg s2  }
0xb0: {  	[dreg:$0x4] =	wrdreg $0x0  }
0xb1: {  	[dreg:$0x5] =	wrdreg $0x9  }
0xb2: {  	_ =	task.clear_ibuf [dreg:s7], $0x6FFFF;
	_ =	strace $0x90000046  }
0xb3: {  	s29 =	simm.s32 $0x9;
	_ =	strace $0x80000048  }
0xb4: {  	_ =	swait.ge [sflag:s29], $0x1  }
0xb5: {  	[sflag:s29] =	ssyncadd.s32 $0xFFFFFFFF  }
0xb6: {  	_ =	strace $0x90000048  }
0xb7: {  	_ =	sfence  }
0xb8: {  	s30 =	sld [smem:$0x0];
	_ =	sdelay $0x2  }
0xb9: {  	s31 =	sshll.u32 s1, $0xD;
	s1 =	sshrl.u32 s1, $0x2  }
0xba: {  	s3 =	sand.u32 $0x4000, s31;
	s1 =	sadd.s32 s1, s30  }
0xbb: {  	s0 =	sor.u32 s3, s0;
	s1 =	sshll.u32 s1, $0x11  }
0xbc: {  	s0 =	sor.u32 s1, s0  }
0xbd: {  	s0 =	sadd.s32 $0x8F2B, s0  }
0xbe: {  	[sflag:s0] =	ssyncadd.remote.s32 $0x1  }
0xbf: {  	_ =	sfence.sel $0xFFFF  }
0xc0: {  	[dreg:$0x0] =	wrdreg $0xFFFFFFFF;
	(pc) =	sbr.abs _section_cstart, $3  }
0xc1: {  	[dreg:$0x1] =	wrdreg $0xFFFFFFFF  }
0xc2: {  	_ =	task.clear_ibuf [dreg:s7], $0x2FFFF;
	_ =	strace $0x9FFFFFFF  }
0xc3: {  	(tm) =	ssettm $0x7FFFFFFF  }
tec
execute0_lowered:
.L_overlay_start_1:
0x0: {  	(tag) =	ssettag $0x1  }
0x1: {  	s0 =	srdreg.scid  }
0x2: {  	s1 =	rddreg [dreg:$0x0];
	s9 =	stileid.u32  }
0x3: {  	s3 =	rddreg [dreg:$0x2];
	s5 =	simm.s32 $0x0;
	s18 =	simm.s32 $0x80  }
0x4: {  	s20 =	simm.s32 $0xF400;
	s22 =	simm.s32 $0x10400;
	s24 =	simm.s32 $0xFC00  }
0x5: {  	s28 =	simm.s32 $0x1;
	s29 =	simm.s32 $0x1A500;
	s31 =	simm.s32 $0x15400  }
0x6: {  	s10 =	simm.s32 $0x0;
	s0 =	sand.u32 $0x1, s0;
	s4 =	smul.u32 $0xC800, s9  }
0x7: {  	[smem:$0x7FF] =	sst s5;
	s5 =	sadd.s32 $0x1A600, s1;
	s6 =	sadd.s32 $0x1600, s1  }
0x8: {  	s26 =	sshll.u32 s9, $0x6;
	s2 =	sshll.u32 s0, $0x4;
	s7 =	smul.u32 $0xC8000, s0  }
0x9: {  	_ =	strace $0x80000047;
	s0 =	ssub.s32 $0x2, s0;
	s2 =	sor.u32 s9, s2  }
0xa: {  	s8 =	sshrl.u32 s4, $0x3;
	s25 =	sshrl.u32 s0, $0x1;
	s2 =	smul.u32 $0x2A0, s2  }
0xb: {  	s7 =	sadd.s32 s4, s7;
	s8 =	sadd.s32 s8, s1;
	s0 =	ssub.s32 s0, s25  }
0xc: {  	s4 =	sadd.s32 s4, s3;
	s7 =	sshrl.u32 s7, $0x3;
	s8 =	sadd.s32 $0x29E00, s8  }
0xd: {  	s0 =	smax.u32 s0, $0x1;
	s2 =	sadd.s32 s2, s1;
	[dreg:$0x4] =	wrdreg s8  }
0xe: {  	s1 =	sadd.s32 s7, s1;
	s7 =	sor.u32 $0x1C05, s26;
	[dreg:$0x9] =	wrdreg s0  }
.Ltmp0:
0xf: {  	s8 =	sshrl.u32 s4, $0x3;
	[dreg:$0x5] =	wrdreg s7;
	(pc) =	sbr.rel .LBB2_1-.Ltmp0, $4  }
0x10: {  	s9 =	simm.s32 $0x5;
	s30 =	sadd.s32 $0x24A00, s2;
	[dreg:$0xa] =	wrdreg s8  }
0x11: {  	v4 =	vlaneseq.u32;
	v0 =	vimm.f32 $0.0e+00;
	v5 =	vimm.s32 $0x0;
	s26 =	simm.s32 $0x12C00;
	s2 =	sadd.s32 $0x1F600, s2;
	[dreg:$0x6] =	wrdreg s30  }
0x12: {  	vm0 =	vcmask $0x300;
	v1 =	vshrl.u32 v4, $0x3;
	v2 =	vand.u32 $0x7, v4;
	s0 =	simm.s32 $0x1A480;
	s1 =	sadd.s32 $0x42E00, s1;
	[dreg:$0x7] =	wrdreg s2  }
0x13: {  	v4 =	vor.u32 $0x8, v4;
	v5 =	vsel vm0, $0x3, v5;
	v3 =	vor.u32 $0x40, v2;
	[dreg:$0x8] =	wrdreg s1;
	s1 =	simm.s32 $0x2;
	s2 =	simm.s32 $0x17C00  }
.LBB2_32:
0x14: {  	s4 =	simm.s32 $0x3  }
0x15: {  	_ =	swait.ge [sflag:s4], $0x2800  }
0x16: {  	[sflag:s4] =	ssyncset.done $0x0  }
0x17: {  	s23 =	simm.s32 $0x4;
	[sflag:s4] =	ssyncadd.s32 $0xFFFFD800  }
0x18: {  	_ =	swait.ge [sflag:s23], $0x2800  }
0x19: {  	[sflag:s23] =	ssyncset.done $0x0  }
0x1a: {  	[sflag:s23] =	ssyncadd.s32 $0xFFFFD800  }
0x1b: {  	[bflag:$0x0] =	sbarrier.arrive $0xFFFF  }
0x1c: {  	s7 =	rddreg [dreg:$0x5]  }
0x1d: {  	s25 =	rddreg [dreg:$0x8]  }
0x1e: {  	s9 =	simm.s32 $0x5;
	s8 =	rddreg [dreg:$0xa]  }
0x1f: {  	[hbm:s25], [sflag:s7] =	dma.local [spmem:s8], $0x1900  }
0x20: {  	_ =	swait.ge [sflag:s9], $0x1900  }
0x21: {  	s10 =	rddreg [dreg:$0xb]  }
0x22: {  	s30 =	rddreg [dreg:$0x9];
	s10 =	sadd.s32 $0x1, s10  }
0x23: {  	p0 =	sne.s32 s10, s30  }
.Ltmp1:
0x24: {  	_ = 	snop;
	(pc) =	sbr.rel @!p0 .LBB2_33-.Ltmp1, $3  }
0x25: {  	_ =	sdelay $0x1  }
0x26: {  	[sflag:s9] =	ssyncset.done $0x0  }
0x27: {  	[sflag:s9] =	ssyncadd.s32 $0xFFFFE700  }
.LBB2_1:
0x28: {  	[dreg:$0xb] =	wrdreg s10  }
0x29: {  	s4 =	rddreg [dreg:$0x4]  }
0x2a: {  	[spmem:s8], [sflag:s7] =	dma.local [hbm:s4], $0x1900  }
0x2b: {  	_ =	swait.ge [sflag:s9], $0x1900  }
0x2c: {  	[sflag:s9] =	ssyncset.done $0x0  }
0x2d: {  	[sflag:s9] =	ssyncadd.s32 $0xFFFFE700  }
0x2e: {  	s13 =	simm.s32 $0x0;
	s14 =	simm.s32 $0x1A910;
	s12 =	rddreg [dreg:$0x1]  }
0x2f: {  	[tilespmem:s14], [sflag:$0x5] =	stream.linear.gather [hbm4b:s12+s13], $0x10, $0x38;
	[tilespmem:$0x1A920] =	vst v63  }
0x30: {  	_ =	swait.ge [sflag:s9], $0x10  }
0x31: {  	[sflag:s9] =	ssyncset.done $0x0  }
0x32: {  	s16 =	simm.s32 $0xC800;
	s15 =	rddreg [dreg:$0x6];
	[sflag:s9] =	ssyncadd.s32 $0xFFFFFFF0  }
0x33: {  	[tilespmem:s16], [sflag:$0x5] =	stream.linear.gather [hbm4b:s15+s13], $0x1500, $0x38;
	[tilespmem:$0x1A920] =	vst v63  }
0x34: {  	_ =	swait.ge [sflag:s9], $0x1500  }
0x35: {  	[sflag:s9] =	ssyncset.done $0x0  }
0x36: {  	s19 =	simm.s32 $0xDD00;
	s17 =	rddreg [dreg:$0x7];
	[sflag:s9] =	ssyncadd.s32 $0xFFFFEB00  }
0x37: {  	[tilespmem:s19], [sflag:$0x5] =	stream.linear.gather [hbm4b:s17+s13], $0x1500, $0x38;
	[tilespmem:$0x1A920] =	vst v63  }
0x38: {  	_ =	swait.ge [sflag:s9], $0x1500  }
0x39: {  	[sflag:s9] =	ssyncset.done $0x0  }
0x3a: {  	[sflag:s9] =	ssyncadd.s32 $0xFFFFEB00  }
0x3b: {  	[bflag:$0x0] =	sbarrier.arrive $0xFFFF  }
0x3c: {  	v6 =	vld [tilespmem:$0xC800]  }
0x3d: {  	v7 =	vld [tilespmem:$0xDD00]  }
0x3e: {  	v8 =	vld [tilespmem:$0xC810]  }
0x3f: {  	v9 =	vld [tilespmem:$0xDD10]  }
0x40: {  	[tilespmem:$0x1A900] =	vst v0;
	v10 =	vld [tilespmem:$0xC820]  }
0x41: {  	v51 =	vld [tilespmem:$0xC840];
	[tilespmem:$0xF200] =	vst v6  }
0x42: {  	v52 =	vld [tilespmem:$0xDD40];
	[tilespmem:$0xF300] =	vst v7  }
0x43: {  	v53 =	vld [tilespmem:$0xDD60];
	[tilespmem:$0xF210] =	vst v8  }
0x44: {  	v6 =	vld [tilespmem:$0xDD20];
	[tilespmem:$0xF310] =	vst v9  }
0x45: {  	v7 =	vld [tilespmem:$0xC830];
	[tilespmem:$0xF220] =	vst v10  }
0x46: {  	v8 =	vld [tilespmem:$0xDD30];
	[tilespmem:$0xF240] =	vst v51  }
0x47: {  	v54 =	vld [tilespmem:$0xC870];
	[tilespmem:$0xF340] =	vst v52  }
0x48: {  	v11 =	vld [tilespmem:$0xDD70];
	[tilespmem:$0xF360] =	vst v53  }
0x49: {  	[tilespmem:$0xF320] =	vst v6;
	v6 =	vld [tilespmem:$0xC850]  }
0x4a: {  	[tilespmem:$0xF230] =	vst v7;
	v7 =	vld [tilespmem:$0xDD50]  }
0x4b: {  	[tilespmem:$0xF330] =	vst v8;
	v8 =	vld [tilespmem:$0xC860]  }
0x4c: {  	[tilespmem:$0xF270] =	vst v54  }
0x4d: {  	[tilespmem:$0xF370] =	vst v11  }
0x4e: {  	[tilespmem:$0xF250] =	vst v6  }
0x4f: {  	[tilespmem:$0xF350] =	vst v7  }
0x50: {  	s21 =	simm.s32 $0xF300;
	[tilespmem:$0xF260] =	vst v8  }
0x51: {  	v6 =	vld [tilespmem:$0x1A910];
	[tilespmem:s20], [sflag:$0x1] =	stream.indirect.gather [hbm4b:s5+s18], $0x10, s21, s18, $0xb8  }
0x52: {  	s23 =	simm.s32 $0xF200  }
0x53: {  	[tilespmem:s22], [sflag:$0x1] =	stream.indirect.gather [hbm4b:s6+s18], $0x50, s23, s18, $0xb8;
	[tilespmem:$0x1A920] =	vst v63  }
0x54: {  	v7 =	vld [tilespmem:$0xC880]  }
0x55: {  	v8 =	vld [tilespmem:$0xDD80]  }
0x56: {  	v55 =	vld [tilespmem:$0xC890]  }
0x57: {  	v56 =	vld [tilespmem:$0xDD90]  }
0x58: {  	v57 =	vld [tilespmem:$0xC8A0]  }
0x59: {  	[tilespmem:$0xF280] =	vst v7;
	v7 =	vld [tilespmem:$0xDDA0]  }
0x5a: {  	v58 =	vld [tilespmem:$0xDDB0];
	[tilespmem:$0xF380] =	vst v8  }
0x5b: {  	v59 =	vld [tilespmem:$0xC8C0];
	[tilespmem:$0xF290] =	vst v55  }
0x5c: {  	v60 =	vld [tilespmem:$0xDDC0];
	[tilespmem:$0xF390] =	vst v56  }
0x5d: {  	v8 =	vld [tilespmem:$0xC8B0];
	[tilespmem:$0xF2A0] =	vst v57  }
0x5e: {  	[tilespmem:$0xF3A0] =	vst v7;
	v7 =	vld [tilespmem:$0xC8D0]  }
0x5f: {  	v61 =	vld [tilespmem:$0xC8E0];
	[tilespmem:$0xF3B0] =	vst v58  }
0x60: {  	v62 =	vld [tilespmem:$0xDDE0];
	[tilespmem:$0xF2C0] =	vst v59  }
0x61: {  	v63 =	vld [tilespmem:$0xC8F0];
	[tilespmem:$0xF3C0] =	vst v60  }
0x62: {  	[tilespmem:$0xF2B0] =	vst v8;
	v8 =	vld [tilespmem:$0xDDD0]  }
0x63: {  	[tilespmem:$0xF2D0] =	vst v7;
	v7 =	vld [tilespmem:$0xDDF0]  }
0x64: {  	[tilespmem:$0xF2E0] =	vst v61  }
0x65: {  	[tilespmem:$0xF3E0] =	vst v62  }
0x66: {  	[tilespmem:$0xF2F0] =	vst v63  }
0x67: {  	[tilespmem:$0xF3D0] =	vst v8  }
0x68: {  	s25 =	simm.s32 $0xF380;
	[tilespmem:$0xF3F0] =	vst v7  }
0x69: {  	[tilespmem:s24], [sflag:$0x2] =	stream.indirect.gather [hbm4b:s5+s18], $0x10, s25, s18, $0xb8;
	[tilespmem:$0x1A920] =	vst v63  }
0x6a: {  	s30 =	simm.s32 $0xF280;
	s19 =	simm.s32 $0x0  }
0x6b: {  	[tilespmem:s26], [sflag:$0x2] =	stream.indirect.gather [hbm4b:s6+s18], $0x50, s30, s18, $0xb8;
	[tilespmem:$0x1A920] =	vst v63  }
.LBB2_2:
0x6c: {  	_ =	swait.ge [sflag:s28], $0x800  }
0x6d: {  	s4 =	simm.s32 $0x0;
	[sflag:s28] =	ssyncset.done $0x0  }
0x6e: {  	s13 =	simm.s32 $0x2;
	v7 =	vor.u32 s4, v1;
	[sflag:s28] =	ssyncadd.s32 $0xFFFFF800  }
0x6f: {  	v9 =	vor.u32 s13, v1;
	v8 =	vshll.u32 v7, $0x4;
	_ =	swait.ge [sflag:s28], $0x2800  }
0x70: {  	p0 =	seq.s32 s19, $0x0;
	v10 =	vmul.u32 $0x50, v9;
	v9 =	vshll.u32 v9, $0x4;
	v8 =	vor.u32 v4, v8;
	[sflag:s28] =	ssyncset.done $0x0  }
0x71: {  	s4 =	simm.s32 @!p0 $0x3;
	v7 =	vmul.u32 $0x50, v7;
	v9 =	vor.u32 v4, v9;
	[sflag:s28] =	ssyncadd.s32 $0xFFFFD800  }
0x72: {  	s14 =	simm.s32 $0x4;
	s15 =	simm.s32 $0x6;
	v10 =	vadd.s32 v3, v10;
	_ =	swait.ge @!p0 [sflag:s4], $0x2800  }
0x73: {  	v11 =	vor.u32 s14, v1;
	v13 =	vor.u32 s15, v1;
	v7 =	vadd.s32 v3, v7;
	[sflag:s4] =	ssyncset.done @!p0 $0x0  }
0x74: {  	v12 =	vshll.u32 v11, $0x4;
	v14 =	vmul.u32 $0x50, v13;
	[sflag:s4] =	ssyncadd.s32 @!p0 $0xFFFFD800  }
0x75: {  	v13 =	vshll.u32 v13, $0x4;
	v11 =	vmul.u32 $0x50, v11;
	v12 =	vor.u32 v4, v12;
	v8 =	vld.idx.msk [tilespmem:v8+s20+$0x0], $0xffff  }
0x76: {  	v13 =	vor.u32 v4, v13;
	v9 =	vld.idx.msk [tilespmem:v9+s20+$0x0], $0xffff  }
0x77: {  	v11 =	vadd.s32 v3, v11;
	v10 =	vld.idx.msk [tilespmem:v10+s22+$0x0], $0xffff  }
0x78: {  	s16 =	simm.s32 $0x8;
	v14 =	vadd.s32 v3, v14;
	v7 =	vld.idx.msk [tilespmem:v7+s22+$0x0], $0xffff  }
0x79: {  	v15 =	vor.u32 s16, v1  }
0x7a: {  	v16 =	vshll.u32 v15, $0x4;
	v15 =	vmul.u32 $0x50, v15;
	v12 =	vld.idx.msk [tilespmem:v12+s20+$0x0], $0xffff  }
0x7b: {  	v13 =	vld.idx.msk [tilespmem:v13+s20+$0x0], $0xffff  }
0x7c: {  	s17 =	simm.s32 $0xA;
	v15 =	vadd.s32 v3, v15;
	v11 =	vld.idx.msk [tilespmem:v11+s22+$0x0], $0xffff;
	v9 =	vadd.f32 v9, v10  }
0x7d: {  	v14 =	vld.idx.msk [tilespmem:v14+s22+$0x0], $0xffff;
	v10 =	vor.u32 v4, v16;
	v7 =	vadd.f32 v8, v7;
	v8 =	vor.u32 s17, v1  }
0x7e: {  	v17 =	vmul.u32 $0x50, v8;
	v8 =	vshll.u32 v8, $0x4;
	v16 =	vmul.f32 $2.000000030e-01, v9  }
0x7f: {  	v18 =	vmul.f32 $2.000000030e-01, v7;
	v8 =	vor.u32 v4, v8  }
0x80: {  	v9 =	vmax.f32 v9, v16;
	v16 =	vadd.s32 v3, v17  }
0x81: {  	v11 =	vadd.f32 v12, v11;
	v7 =	vmax.f32 v7, v18;
	v9 =	vsub.f32 v9, v6  }
0x82: {  	s21 =	simm.s32 $0xC;
	v15 =	vld.idx.msk [tilespmem:v15+s22+$0x0], $0xffff;
	v13 =	vadd.f32 v13, v14;
	v7 =	vsub.f32 v7, v6  }
0x83: {  	v19 =	vmul.f32 $2.000000030e-01, v11;
	v17 =	vor.u32 s21, v1;
	v10 =	vld.idx.msk [tilespmem:v10+s20+$0x0], $0xffff;
	v9 =	vmul.f32 $1.442695020e+00, v9  }
0x84: {  	s23 =	simm.s32 $0xE;
	v59 =	vshll.u32 v17, $0x4;
	v17 =	vmul.u32 $0x50, v17;
	v7 =	vmul.f32 $1.442695020e+00, v7;
	v8 =	vld.idx.msk [tilespmem:v8+s20+$0x0], $0xffff  }
0x85: {  	(erf) = vpow2.f32 v9;
	v9 =	vor.u32 s23, v1;
	v12 =	vld.idx.msk [tilespmem:v16+s22+$0x0], $0xffff;
	v16 =	vmul.f32 $2.000000030e-01, v13  }
0x86: {  	v11 =	vmax.f32 v11, v19;
	v60 =	vmul.u32 $0x50, v9;
	v9 =	vshll.u32 v9, $0x4  }
0x87: {  	(erf) = vpow2.f32 v7;
	v7 =	vadd.s32 v3, v17;
	v13 =	vmax.f32 v13, v16  }
0x88: {  	v11 =	vsub.f32 v11, v6;
	v9 =	vor.u32 v4, v9;
	v13 =	vsub.f32 v13, v6  }
0x89: {  	s25 =	simm.s32 $0x10;
	v14 =	vor.u32 v4, v59;
	v10 =	vadd.f32 v10, v15;
	v16 =	vadd.s32 v3, v60  }
0x8a: {  	v17 =	vor.u32 s25, v1;
	v13 =	vmul.f32 $1.442695020e+00, v13;
	v8 =	vadd.f32 v8, v12  }
0x8b: {  	v11 =	vmul.f32 $1.442695020e+00, v11;
	v62 =	vmul.f32 $2.000000030e-01, v10;
	v12 =	vshll.u32 v17, $0x4  }
0x8c: {  	s30 =	simm.s32 $0x12;
	v15 =	vor.u32 v4, v12;
	v20 =	vld.idx.msk [tilespmem:v7+s22+$0x0], $0xffff;
	v12 =	vmul.f32 $2.000000030e-01, v8;
	(erf) = vpow2.f32 v13  }
0x8d: {  	v10 =	vmax.f32 v10, v62;
	v61 =	vld.idx.msk [tilespmem:v9+s20+$0x0], $0xffff;
	v9 =	vor.u32 s30, v1;
	(erf) = vpow2.f32 v11  }
0x8e: {  	v16 =	vld.idx.msk [tilespmem:v16+s22+$0x0], $0xffff;
	v13 =	vshll.u32 v9, $0x4;
	v9 =	vmul.u32 $0x50, v9;
	v7 =	vmax.f32 v8, v12  }
0x8f: {  	v14 =	vld.idx.msk [tilespmem:v14+s20+$0x0], $0xffff;
	v21 =	vor.u32 v4, v13;
	v8 =	vmul.u32 $0x50, v17;
	v7 =	vsub.f32 v7, v6  }
0x90: {  	s7 =	simm.s32 $0x14;
	v10 =	vsub.f32 v10, v6;
	v12 =	vadd.s32 v3, v9  }
0x91: {  	v13 =	vor.u32 s7, v1;
	v9 =	vadd.s32 v3, v8;
	v17 =	vmul.f32 $1.442695020e+00, v7  }
0x92: {  	s4 =	simm.s32 $0x1A510;
	v11 =	vpop (erf);
	v63 =	vshll.u32 v13, $0x4  }
0x93: {  	[tilespmem:s4+$0x0] =	vst v11;
	v7 =	vld.idx.msk [tilespmem:v15+s20+$0x0], $0xffff;
	v15 =	vmul.f32 $1.442695020e+00, v10;
	v8 =	vpop (erf);
	v11 =	vadd.f32 v61, v16;
	(erf) = vpow2.f32 v17  }
0x94: {  	s8 =	simm.s32 $0x16;
	s21 =	sshll.u32 s19, $0x8;
	s7 =	simm.s32 $0x18;
	v14 =	vadd.f32 v14, v20;
	v10 =	vor.u32 v4, v63;
	[tilespmem:s4+$0xFFFFFFF0] =	vst v8;
	v8 =	vld.idx.msk [tilespmem:v21+s20+$0x0], $0xffff  }
.LBB2_3:
0x95: {  	p1 =	slt.u32 s7, $0x7C;
	v16 =	vor.u32 s8, v1;
	v17 =	vld.idx.msk [tilespmem:v12+s22+$0x0], $0xffff;
	v12 =	vmul.f32 $2.000000030e-01, v11;
	(erf) = vpow2.f32 v15;
	v15 =	vpop (erf);
	s4 =	sadd.s32 $0x20, s4  }
0x96: {  	v20 =	vmul.u32 $0x50, v16;
	v16 =	vshll.u32 v16, $0x4;
	v19 =	vld.idx.msk [tilespmem:v9+s22+$0x0], $0xffff;
	v9 =	vmul.f32 $2.000000030e-01, v14;
	[tilespmem:s4+$0x0] =	vst v15;
	v15 =	vpop (erf)  }
0x97: {  	v13 =	vmul.u32 $0x50, v13;
	v16 =	vor.u32 v4, v16;
	v11 =	vmax.f32 v11, v12;
	[tilespmem:s4+$0xFFFFFFF0] =	vst v15  }
.Ltmp2:
0x98: {  	v12 =	vadd.s32 v3, v20;
	v14 =	vmax.f32 v14, v9;
	v11 =	vsub.f32 v11, v6;
	(pc) =	sbr.rel @p1 .LBB2_3-.Ltmp2, $4  }
0x99: {  	v9 =	vadd.s32 v3, v13;
	v18 =	vmov v7;
	v14 =	vsub.f32 v14, v6  }
0x9a: {  	v13 =	vor.u32 s7, v1;
	v20 =	vmul.f32 $1.442695020e+00, v11  }
0x9b: {  	v21 =	vshll.u32 v13, $0x4;
	v11 =	vadd.f32 v8, v17;
	v7 =	vld.idx.msk [tilespmem:v10+s20+$0x0], $0xffff;
	v15 =	vmul.f32 $1.442695020e+00, v14  }
0x9c: {  	s8 =	sadd.s32 $0x2, s7;
	s7 =	sadd.s32 $0x4, s7;
	v10 =	vor.u32 v4, v21;
	v14 =	vadd.f32 v18, v19;
	v8 =	vld.idx.msk [tilespmem:v16+s20+$0x0], $0xffff;
	(erf) = vpow2.f32 v20  }
0x9d: {  	v16 =	vor.u32 s8, v1  }
0x9e: {  	v17 =	vmul.u32 $0x50, v16;
	v16 =	vshll.u32 v16, $0x4  }
0x9f: {  	v13 =	vmul.u32 $0x50, v13;
	v16 =	vor.u32 v4, v16  }
0xa0: {  	v17 =	vadd.s32 v3, v17  }
0xa1: {  	v12 =	vld.idx.msk [tilespmem:v12+s22+$0x0], $0xffff;
	v13 =	vadd.s32 v3, v13  }
0xa2: {  	v9 =	vld.idx.msk [tilespmem:v9+s22+$0x0], $0xffff  }
0xa3: {  	v10 =	vld.idx.msk [tilespmem:v10+s20+$0x0], $0xffff  }
0xa4: {  	v18 =	vmul.f32 $2.000000030e-01, v11;
	v16 =	vld.idx.msk [tilespmem:v16+s20+$0x0], $0xffff  }
0xa5: {  	v17 =	vld.idx.msk [tilespmem:v17+s22+$0x0], $0xffff  }
0xa6: {  	v11 =	vmax.f32 v11, v18;
	v13 =	vld.idx.msk [tilespmem:v13+s22+$0x0], $0xffff  }
0xa7: {  	v19 =	vmul.f32 $2.000000030e-01, v14;
	v11 =	vsub.f32 v11, v6  }
0xa8: {  	v8 =	vadd.f32 v8, v12  }
0xa9: {  	v12 =	vmax.f32 v14, v19;
	v7 =	vadd.f32 v7, v9;
	v11 =	vmul.f32 $1.442695020e+00, v11  }
0xaa: {  	v60 =	vsub.f32 v12, v6;
	v12 =	vmul.f32 $2.000000030e-01, v8;
	v14 =	vadd.f32 v16, v17  }
0xab: {  	(erf) = vpow2.f32 v15;
	v15 =	vmul.f32 $2.000000030e-01, v7;
	v10 =	vadd.f32 v10, v13  }
0xac: {  	(erf) = vpow2.f32 v11;
	v8 =	vmax.f32 v8, v12;
	v12 =	vmul.f32 $2.000000030e-01, v14  }
0xad: {  	v7 =	vmax.f32 v7, v15;
	v8 =	vsub.f32 v8, v6;
	v13 =	vmul.f32 $2.000000030e-01, v10  }
0xae: {  	v9 =	vmul.f32 $1.442695020e+00, v60;
	v7 =	vsub.f32 v7, v6;
	v61 =	vmax.f32 v14, v12  }
0xaf: {  	v8 =	vmul.f32 $1.442695020e+00, v8;
	v10 =	vmax.f32 v10, v13;
	v11 =	vsub.f32 v61, v6  }
0xb0: {  	(erf) = vpow2.f32 v9;
	v7 =	vmul.f32 $1.442695020e+00, v7;
	v62 =	vsub.f32 v10, v6  }
0xb1: {  	(erf) = vpow2.f32 v8;
	v8 =	vmul.f32 $1.442695020e+00, v11  }
0xb2: {  	(erf) = vpow2.f32 v7;
	v7 =	vmul.f32 $1.442695020e+00, v62;
	_ =	sdelay $0x1  }
0xb3: {  	(erf) = vpow2.f32 v8  }
0xb4: {  	s4 =	sadd.s32 $0x20, s4;
	v8 =	vpop (erf);
	(erf) = vpow2.f32 v7  }
0xb5: {  	v7 =	vpop (erf);
	[tilespmem:s4+$0x0] =	vst v8  }
0xb6: {  	v8 =	vpop (erf);
	[tilespmem:s4+$0xFFFFFFF0] =	vst v7;
	s4 =	sadd.s32 $0x20, s4  }
0xb7: {  	v7 =	vpop (erf);
	[tilespmem:s4+$0x0] =	vst v8  }
0xb8: {  	s7 =	simm.s32 $0x8;
	s25 =	simm.s32 $0x0;
	v8 =	vpop (erf);
	[tilespmem:s4+$0xFFFFFFF0] =	vst v7;
	s4 =	sadd.s32 $0x20, s4  }
0xb9: {  	p5 =	por $0x1, $0x1;
	v63 =	vmov s25;
	v7 =	vpop (erf);
	[tilespmem:s4+$0x0] =	vst v8;
	v8 =	vmov s7  }
.Ltmp3:
0xba: {  	v9 =	vshrl.u32 v63, $0x3;
	[tilespmem:s4+$0xFFFFFFF0] =	vst v7;
	v7 =	vpop (erf);
	s4 =	sadd.s32 $0x20, s4;
	v8 =	vshrl.u32 v8, $0x3;
	(pc) =	sbr.rel @!p5 .LBB2_5-.Ltmp3, $4  }
0xbb: {  	v9 =	vshll.u32 v9, v5;
	[tilespmem:s4+$0x0] =	vst v7;
	v7 =	vpop (erf);
	v8 =	vshll.u32 v8, v5  }
0xbc: {  	s14 =	simm.s32 $0x10450;
	v9 =	vbroadcast v9, $0x0;
	s30 =	sadd.s32 $0x20, s4;
	[tilespmem:s4+$0xFFFFFFF0] =	vst v7;
	v7 =	vpop (erf);
	v8 =	vbroadcast v8, $0x0  }
0xbd: {  	p1 =	por $0x0, $0x0;
	p2 =	por $0x0, $0x0;
	p3 =	por $0x0, $0x0;
	[tilespmem:s30+$0x0] =	vst v7;
	v7 =	vpop (erf)  }
0xbe: {  	p4 =	por $0x0, $0x0;
	v18 =	vor.u32 v2, v9;
	s7 =	simm.s32 $0x15450;
	s4 =	simm.s32 $0x18;
	[tilespmem:s30+$0xFFFFFFF0] =	vst v7;
	v13 =	vor.u32 v2, v8  }
0xbf: {  	_ =	sdelay $0x3  }
0xc0: {  	v7 =	vld.idx.msk [tilespmem:v18+s29+$0x0], $0xffff  }
0xc1: {  	v9 =	vld [tilespmem:s14+$0xFFFFFFB0]  }
0xc2: {  	s8 =	simm.s32 $0x10;
	v10 =	vmov s4;
	v8 =	vld.idx.msk [tilespmem:v13+s29+$0x0], $0xffff  }
0xc3: {  	v12 =	vld [tilespmem:s14+$0x0];
	p5 =	por $0x1, $0x1;
	v11 =	vmov s8;
	v10 =	vshrl.u32 v10, $0x3  }
.Ltmp4:
0xc4: {  	v11 =	vshrl.u32 v11, $0x3;
	v10 =	vshll.u32 v10, v5;
	(pc) =	sbr.rel @!p5 .LBB2_7-.Ltmp4, $3  }
0xc5: {  	v11 =	vshll.u32 v11, v5;
	v10 =	vbroadcast v10, $0x0  }
0xc6: {  	v11 =	vbroadcast v11, $0x0;
	v9 =	vmul.f32 v9, v7;
	_ =	sdelay $0x1  }
0xc7: {  	s4 =	simm.s32 $0x28;
	p1 =	por $0x1, $0x1;
	v13 =	vor.u32 v2, v10;
	v21 =	vmul.f32 v12, v8;
	v18 =	vor.u32 v2, v11;
	[tilespmem:s7+$0xFFFFFFB0] =	vst v9  }
0xc8: {  	_ =	sdelay $0x2  }
0xc9: {  	v11 =	vld [tilespmem:s14+$0xFFFFFFC0]  }
0xca: {  	v9 =	vld.idx.msk [tilespmem:v18+s29+$0x0], $0xffff;
	s10 =	simm.s32 $0x104F0  }
0xcb: {  	v12 =	vld [tilespmem:s10+$0xFFFFFFB0]  }
0xcc: {  	s8 =	simm.s32 $0x20;
	v14 =	vmov s4;
	v10 =	vld.idx.msk [tilespmem:v13+s29+$0x0], $0xffff  }
0xcd: {  	p5 =	por $0x1, $0x1;
	v13 =	vmov s8;
	v14 =	vshrl.u32 v14, $0x3;
	v15 =	vld [tilespmem:s10+$0x0]  }
.Ltmp5:
0xce: {  	v13 =	vshrl.u32 v13, $0x3;
	v14 =	vshll.u32 v14, v5;
	(pc) =	sbr.rel @!p5 .LBB2_9-.Ltmp5, $4  }
0xcf: {  	v13 =	vshll.u32 v13, v5;
	v14 =	vbroadcast v14, $0x0;
	v11 =	vmul.f32 v11, v7  }
0xd0: {  	[tilespmem:s7+$0x0] =	vst v21;
	v16 =	vbroadcast v13, $0x0;
	v12 =	vmul.f32 v12, v9  }
0xd1: {  	s11 =	simm.s32 $0x154F0;
	v20 =	vld [tilespmem:s14+$0x10];
	[tilespmem:s7+$0xFFFFFFC0] =	vst v11  }
0xd2: {  	s4 =	simm.s32 $0x38;
	p2 =	por $0x1, $0x1;
	v13 =	vor.u32 v2, v14;
	v18 =	vor.u32 v2, v16;
	v21 =	vmul.f32 v15, v10;
	v23 =	vld [tilespmem:s14+$0xFFFFFFD0];
	[tilespmem:s11+$0xFFFFFFB0] =	vst v12  }
0xd3: {  	_ =	sdelay $0x2  }
0xd4: {  	v14 =	vld [tilespmem:s10+$0xFFFFFFC0]  }
0xd5: {  	v11 =	vld.idx.msk [tilespmem:v18+s29+$0x0], $0xffff;
	s12 =	simm.s32 $0x10590  }
0xd6: {  	v15 =	vld [tilespmem:s12+$0xFFFFFFB0]  }
0xd7: {  	s8 =	simm.s32 $0x30;
	v16 =	vmov s4;
	v12 =	vld.idx.msk [tilespmem:v13+s29+$0x0], $0xffff;
	v17 =	vmul.f32 v20, v8  }
0xd8: {  	p5 =	por $0x1, $0x1;
	v13 =	vmov s8;
	v16 =	vshrl.u32 v16, $0x3;
	[tilespmem:s11+$0x0] =	vst v21;
	v19 =	vld [tilespmem:s12+$0x0];
	v18 =	vmul.f32 v23, v7  }
.Ltmp6:
0xd9: {  	v13 =	vshrl.u32 v13, $0x3;
	v16 =	vshll.u32 v16, v5;
	[tilespmem:s7+$0x10] =	vst v17;
	v17 =	vmul.f32 v14, v9;
	(pc) =	sbr.rel @!p5 .LBB2_11-.Ltmp6, $4  }
0xda: {  	v13 =	vshll.u32 v13, v5;
	v20 =	vbroadcast v16, $0x0;
	v16 =	vld [tilespmem:s10+$0x10];
	[tilespmem:s7+$0xFFFFFFD0] =	vst v18  }
0xdb: {  	v18 =	vbroadcast v13, $0x0;
	v21 =	vmul.f32 v15, v11;
	v15 =	vld [tilespmem:s14+$0x20];
	[tilespmem:s11+$0xFFFFFFC0] =	vst v17  }
0xdc: {  	s4 =	simm.s32 $0x15590;
	v14 =	vld [tilespmem:s14+$0xFFFFFFE0];
	[tilespmem:s7+$0xFFFFFFF0] =	vst v7  }
0xdd: {  	p3 =	por $0x1, $0x1;
	s8 =	simm.s32 $0x48;
	v13 =	vor.u32 v2, v20;
	v18 =	vor.u32 v2, v18;
	v17 =	vld [tilespmem:s10+$0xFFFFFFD0];
	[tilespmem:s4+$0xFFFFFFB0] =	vst v21;
	v21 =	vmul.f32 v19, v12  }
0xde: {  	_ =	sdelay $0x2  }
0xdf: {  	v19 =	vld [tilespmem:s12+$0xFFFFFFC0];
	v20 =	vmul.f32 v16, v10  }
0xe0: {  	v29 =	vld.idx.msk [tilespmem:v18+s29+$0x0], $0xffff;
	s9 =	simm.s32 $0x40;
	[tilespmem:s4+$0x0] =	vst v21;
	v18 =	vmul.f32 v14, v7  }
0xe1: {  	s15 =	simm.s32 $0x10630;
	v22 =	vmov s8;
	v31 =	vld.idx.msk [tilespmem:v13+s29+$0x0], $0xffff;
	[tilespmem:s11+$0x10] =	vst v20;
	v20 =	vmov s9;
	v13 =	vmul.f32 v17, v9  }
0xe2: {  	v21 =	vld [tilespmem:s15+$0xFFFFFFB0];
	v22 =	vshrl.u32 v22, $0x3;
	[tilespmem:s7+$0xFFFFFFE0] =	vst v18;
	v18 =	vshrl.u32 v20, $0x3  }
0xe3: {  	v23 =	vmul.f32 v15, v8;
	v22 =	vshll.u32 v22, v5;
	[tilespmem:s11+$0xFFFFFFD0] =	vst v13;
	v13 =	vshll.u32 v18, v5  }
0xe4: {  	p5 =	por $0x1, $0x1;
	v24 =	vld [tilespmem:s15+$0x0];
	v18 =	vbroadcast v22, $0x0;
	v22 =	vbroadcast v13, $0x0  }
.Ltmp7:
0xe5: {  	v19 =	vmul.f32 v19, v11;
	v20 =	vld [tilespmem:s12+$0x10];
	(pc) =	sbr.rel @!p5 .LBB2_13-.Ltmp7, $4  }
0xe6: {  	[tilespmem:s7+$0x20] =	vst v23;
	v26 =	vld [tilespmem:s10+$0xFFFFFFE0];
	v13 =	vor.u32 v2, v18;
	v18 =	vor.u32 v2, v22  }
0xe7: {  	s16 =	simm.s32 $0x15630;
	v27 =	vld [tilespmem:s10+$0x20];
	v21 =	vmul.f32 v21, v29;
	[tilespmem:s4+$0xFFFFFFC0] =	vst v19  }
0xe8: {  	s23 =	simm.s32 $0x58;
	p4 =	por $0x1, $0x1;
	s8 =	simm.s32 $0x15450;
	[tilespmem:s11+$0xFFFFFFF0] =	vst v9;
	v23 =	vld [tilespmem:s12+$0xFFFFFFD0]  }
0xe9: {  	s13 =	simm.s32 $0x154F0;
	s17 =	simm.s32 $0x104F0;
	s9 =	simm.s32 $0x8;
	v28 =	vld [tilespmem:s14+$0x30];
	[tilespmem:s16+$0xFFFFFFB0] =	vst v21;
	v21 =	vmul.f32 v24, v31;
	v24 =	vmovc v9;
	v19 =	vmov v8;
	v22 =	vmov v10  }
.LBB2_14:
0xea: {  	s25 =	sadd.s32 $0xFFFFFFF8, s23;
	v25 =	vmov s23;
	s9 =	sadd.s32 $0x2, s9;
	v30 =	vld [tilespmem:s15+$0xFFFFFFC0];
	v20 =	vmul.f32 v20, v12;
	[tilespmem:s8+$0x40] =	vst v19;
	s30 =	smov.u32 s15  }
0xeb: {  	s15 =	sadd.s32 $0xA0, s15;
	v32 =	vmov s25;
	v25 =	vshrl.u32 v25, $0x3;
	p5 =	slt.u32 s9, $0x7E;
	[tilespmem:s16+$0x0] =	vst v21;
	v21 =	vmul.f32 v26, v24;
	v24 =	vmovc v11;
	v11 =	vmovc v29;
	v29 =	vld.idx.msk [tilespmem:v18+s29+$0x0], $0xffff  }
0xec: {  	v18 =	vshrl.u32 v32, $0x3;
	v25 =	vshll.u32 v25, v5;
	v32 =	vld [tilespmem:s15+$0xFFFFFFB0];
	[tilespmem:s4+$0x10] =	vst v20;
	v20 =	vmul.f32 v27, v22  }
0xed: {  	v18 =	vshll.u32 v18, v5;
	v25 =	vbroadcast v25, $0x0;
	v33 =	vld.idx.msk [tilespmem:v13+s29+$0x0], $0xffff;
	v23 =	vmul.f32 v23, v24;
	[tilespmem:s13+$0xFFFFFFE0] =	vst v21  }
0xee: {  	v18 =	vbroadcast v18, $0x0;
	v21 =	vld [tilespmem:s15+$0x0];
	[tilespmem:s13+$0x20] =	vst v20;
	v27 =	vmul.f32 v28, v19;
	v19 =	vmovc v22;
	v22 =	vmovc v12;
	v12 =	vmov v31  }
.Ltmp8:
0xef: {  	v13 =	vor.u32 v2, v25;
	v25 =	vmul.f32 v30, v11;
	v20 =	vld [tilespmem:s30+$0x10];
	[tilespmem:s4+$0xFFFFFFD0] =	vst v23;
	(pc) =	sbr.rel @p5 .LBB2_14-.Ltmp8, $4  }
0xf0: {  	v18 =	vor.u32 v2, v18;
	v26 =	vld [tilespmem:s12+$0xFFFFFFE0];
	[tilespmem:s8+$0x30] =	vst v27;
	s8 =	smov.u32 s13;
	s13 =	smov.u32 s4;
	s4 =	smov.u32 s16  }
0xf1: {  	v28 =	vmul.f32 v32, v29;
	[tilespmem:s16+$0xFFFFFFC0] =	vst v25;
	v27 =	vld [tilespmem:s12+$0x20]  }
0xf2: {  	s16 =	sadd.s32 $0xA0, s16;
	v23 =	vld [tilespmem:s30+$0xFFFFFFD0];
	[tilespmem:s13+$0xFFFFFFF0] =	vst v24  }
0xf3: {  	s23 =	sadd.s32 $0x10, s23;
	v31 =	vmov v33;
	[tilespmem:s16+$0xFFFFFFB0] =	vst v28;
	v21 =	vmul.f32 v21, v33;
	v28 =	vld [tilespmem:s17+$0x30];
	s17 =	smov.u32 s12;
	s12 =	smov.u32 s30  }
0xf4: {  	v25 =	vmovc v12;
	v30 =	vmov v11;
	v11 =	vmov v29;
	v12 =	vmov v31  }
.LBB2_16:
0xf5: {  	_ =	sdelay $0x2  }
0xf6: {  	s23 =	sadd.s32 @p1 $0xA0, s15;
	s9 =	smov.u32 s14  }
0xf7: {  	v18 =	vld.idx.msk [tilespmem:v18+s29+$0x0], $0xffff;
	s9 =	smov.u32 @p1 s23  }
0xf8: {  	v29 =	vld [tilespmem:s9+$0xFFFFFFB0]  }
0xf9: {  	v31 =	vld @p1 [tilespmem:s15+$0xFFFFFFC0];
	_ =	sdelay $0x1  }
0xfa: {  	v13 =	vld.idx.msk [tilespmem:v13+s29+$0x0], $0xffff  }
0xfb: {  	v20 =	vmul.f32 @p2 v20, v25;
	[tilespmem:s16+$0x0] =	vst @p1 v21;
	v50 =	vld [tilespmem:s9+$0x0]  }
0xfc: {  	[tilespmem:s8+$0x40] =	vst @p4 v19;
	v27 =	vmul.f32 @p3 v27, v22;
	v29 =	vmul.f32 v29, v18  }
0xfd: {  	v24 =	vmul.f32 @p3 v26, v24;
	s23 =	smov.u32 @p1 s15;
	[tilespmem:s4+$0x10] =	vst @p2 v20;
	v26 =	vmul.f32 @p1 v31, v11  }
0xfe: {  	s25 =	sadd.s32 @p1 $0xA0, s16;
	s15 =	smov.u32 s7;
	v20 =	vld @p1 [tilespmem:s23+$0x10];
	[tilespmem:s13+$0x20] =	vst @p3 v27  }
0xff: {  	s15 =	smov.u32 @p1 s25;
	v19 =	vmul.f32 @p4 v28, v19;
	v27 =	vld @p2 [tilespmem:s12+$0x20];
	[tilespmem:s16+$0xFFFFFFC0] =	vst @p1 v26  }
0x100: {  	v21 =	vmul.f32 v50, v13;
	v26 =	vld @p1 [tilespmem:s23+$0xFFFFFFD0];
	[tilespmem:s15+$0xFFFFFFB0] =	vst v29;
	v29 =	vmov @p2 v30  }
0x101: {  	[tilespmem:s8+$0x30] =	vst @p4 v19;
	v51 =	vld [tilespmem:s9+$0xFFFFFFC0];
	v23 =	vmul.f32 @p2 v23, v29  }
0x102: {  	v10 =	vpsel p1, v12, v10;
	v9 =	vpsel p1, v11, v9;
	s8 =	smov.u32 @p1 s23;
	v11 =	vmov @p3 v22;
	[tilespmem:s15+$0x0] =	vst v21  }
0x103: {  	s10 =	smov.u32 @p1 s8;
	s8 =	smov.u32 @p3 s13;
	v11 =	vpsel p3, v11, v0;
	v12 =	vpsel p1, v20, v16;
	v19 =	vmov @p2 v25;
	v16 =	vld [tilespmem:s9+$0x10];
	[tilespmem:s4+$0xFFFFFFD0] =	vst @p2 v23  }
0x104: {  	[tilespmem:s13+$0xFFFFFFE0] =	vst @p3 v24;
	s8 =	smov.u32 @p3 s8;
	v12 =	vmul.f32 @p1 v12, v10;
	v8 =	vpsel p2, v19, v8;
	v15 =	vpsel p2, v27, v15;
	v20 =	vld @p2 [tilespmem:s12+$0xFFFFFFE0]  }
0x105: {  	s11 =	smov.u32 @p1 s16;
	v21 =	vld @p3 [tilespmem:s17+$0x30];
	[tilespmem:s8+$0x40] =	vst @p3 v11;
	v15 =	vmul.f32 @p2 v15, v8  }
0x106: {  	s7 =	smov.u32 @p2 s4;
	[tilespmem:s11+$0x10] =	vst @p1 v12;
	v12 =	vpsel p1, v26, v17;
	v52 =	vmul.f32 v51, v18  }
0x107: {  	[tilespmem:s7+$0x20] =	vst @p2 v15;
	v17 =	vld @p1 [tilespmem:s10+$0x20];
	v12 =	vmul.f32 @p1 v12, v9  }
0x108: {  	v16 =	vmul.f32 v16, v13;
	[tilespmem:s15+$0xFFFFFFC0] =	vst v52  }
0x109: {  	v7 =	vpsel p2, v29, v7;
	[tilespmem:s11+$0xFFFFFFD0] =	vst @p1 v12;
	v53 =	vld [tilespmem:s9+$0xFFFFFFD0];
	v14 =	vpsel p2, v20, v14  }
0x10a: {  	v12 =	vpsel p3, v21, v0;
	[tilespmem:s15+$0x10] =	vst v16;
	v7 =	vmul.f32 @p2 v14, v7;
	v14 =	vld @p1 [tilespmem:s10+$0xFFFFFFE0]  }
0x10b: {  	s14 =	smov.u32 @p2 s12;
	[tilespmem:s4+$0xFFFFFFF0] =	vst @p2 v29;
	v11 =	vmul.f32 @p3 v12, v11;
	v12 =	vld [tilespmem:s9+$0x20]  }
0x10c: {  	v10 =	vpsel p1, v10, v0;
	v15 =	vpsel p1, v17, v0;
	[tilespmem:s7+$0xFFFFFFE0] =	vst @p2 v7;
	v7 =	vld @p2 [tilespmem:s14+$0x30]  }
0x10d: {  	s4 =	smov.u32 @p1 s11;
	[tilespmem:s8+$0x30] =	vst @p3 v11;
	v11 =	vmul.f32 @p1 v15, v10  }
0x10e: {  	v8 =	vpsel p2, v8, v0;
	s8 =	smov.u32 @p1 s10;
	s10 =	smov.u32 @p1 s4;
	[tilespmem:s4+$0xFFFFFFF0] =	vst @p1 v9  }
0x10f: {  	s8 =	smov.u32 @p1 s8;
	s4 =	smov.u32 @p2 s7;
	v9 =	vpsel p1, v9, v0;
	[tilespmem:s10+$0x20] =	vst @p1 v11;
	v16 =	vmul.f32 v53, v18;
	v14 =	vpsel p1, v14, v0  }
0x110: {  	v15 =	vld @p1 [tilespmem:s8+$0x30];
	v12 =	vmul.f32 v12, v13;
	[tilespmem:s4+$0x40] =	vst @p2 v8;
	v9 =	vmul.f32 @p1 v14, v9  }
0x111: {  	[tilespmem:s15+$0xFFFFFFD0] =	vst v16;
	v7 =	vpsel p2, v7, v0  }
0x112: {  	[tilespmem:s15+$0x20] =	vst v12;
	v11 =	vld [tilespmem:s9+$0xFFFFFFE0];
	v7 =	vmul.f32 @p2 v7, v8  }
0x113: {  	[tilespmem:s10+$0xFFFFFFE0] =	vst @p1 v9;
	v8 =	vld [tilespmem:s9+$0x30]  }
0x114: {  	v9 =	vmov @p1 v10;
	[tilespmem:s4+$0x30] =	vst @p2 v7;
	s4 =	smov.u32 @p1 s10  }
0x115: {  	[tilespmem:s15+$0xFFFFFFF0] =	vst v18;
	v7 =	vpsel p1, v9, v0;
	s4 =	smov.u32 @p1 s4;
	v9 =	vpsel p1, v15, v0  }
0x116: {  	[tilespmem:s4+$0x40] =	vst @p1 v7;
	v7 =	vmul.f32 @p1 v9, v7  }
0x117: {  	[tilespmem:s15+$0x40] =	vst v13;
	v10 =	vmul.f32 v11, v18  }
0x118: {  	[tilespmem:s4+$0x30] =	vst @p1 v7;
	v7 =	vmul.f32 v8, v13  }
0x119: {  	[tilespmem:s15+$0xFFFFFFE0] =	vst v10  }
0x11a: {  	[tilespmem:s15+$0x30] =	vst v7  }
0x11b: {  	v7 =	vld [tilespmem:$0xF300]  }
0x11c: {  	v8 =	vld [tilespmem:$0xF310]  }
0x11d: {  	v9 =	vld [tilespmem:$0xF320]  }
0x11e: {  	v10 =	vld [tilespmem:$0xF330]  }
0x11f: {  	v11 =	vld [tilespmem:$0xF340]  }
0x120: {  	[tilespmem:$0x1A400] =	vst v7;
	v7 =	vld [tilespmem:$0xF350]  }
0x121: {  	[tilespmem:$0x1A410] =	vst v8;
	v8 =	vld [tilespmem:$0xF360]  }
0x122: {  	[tilespmem:$0x1A420] =	vst v9;
	v9 =	vld [tilespmem:$0xF370]  }
0x123: {  	[tilespmem:$0x1A430] =	vst v10  }
0x124: {  	[tilespmem:$0x1A440] =	vst v11  }
0x125: {  	[tilespmem:$0x1A450] =	vst v7  }
0x126: {  	[tilespmem:$0x1A460] =	vst v8  }
0x127: {  	s9 =	simm.s32 $0x1A400;
	p1 =	seq.s32 s19, $0x14;
	[tilespmem:$0x1A470] =	vst v9  }
0x128: {  	[spmem:s3] =	stream.indirect.scatter.add.f32 [tilespmem:s31], [sflag:$0x3], $0x50, s9, s18, $0xb8;
	[tilespmem:$0x1A920] =	vst v63  }
0x129: {  	v7 =	vld @!p1 [tilespmem:s21+$0xC900];
	_ =	sdelay $0x4  }
0x12a: {  	[tilespmem:$0xF200] =	vst @!p1 v7  }
0x12b: {  	v7 =	vld @!p1 [tilespmem:s21+$0xDE00];
	_ =	sdelay $0x4  }
0x12c: {  	[tilespmem:$0xF300] =	vst @!p1 v7  }
0x12d: {  	v7 =	vld @!p1 [tilespmem:s21+$0xC910];
	_ =	sdelay $0x4  }
0x12e: {  	[tilespmem:$0xF210] =	vst @!p1 v7  }
0x12f: {  	v7 =	vld @!p1 [tilespmem:s21+$0xDE10];
	_ =	sdelay $0x4  }
0x130: {  	[tilespmem:$0xF310] =	vst @!p1 v7  }
0x131: {  	v7 =	vld @!p1 [tilespmem:s21+$0xC920];
	_ =	sdelay $0x4  }
0x132: {  	[tilespmem:$0xF220] =	vst @!p1 v7  }
0x133: {  	v7 =	vld @!p1 [tilespmem:s21+$0xDE20];
	_ =	sdelay $0x4  }
0x134: {  	[tilespmem:$0xF320] =	vst @!p1 v7  }
0x135: {  	v7 =	vld @!p1 [tilespmem:s21+$0xC930];
	_ =	sdelay $0x4  }
0x136: {  	[tilespmem:$0xF230] =	vst @!p1 v7  }
0x137: {  	v7 =	vld @!p1 [tilespmem:s21+$0xDE30];
	_ =	sdelay $0x4  }
0x138: {  	[tilespmem:$0xF330] =	vst @!p1 v7  }
0x139: {  	v7 =	vld @!p1 [tilespmem:s21+$0xC940];
	_ =	sdelay $0x4  }
0x13a: {  	[tilespmem:$0xF240] =	vst @!p1 v7  }
0x13b: {  	v7 =	vld @!p1 [tilespmem:s21+$0xDE40];
	_ =	sdelay $0x4  }
0x13c: {  	[tilespmem:$0xF340] =	vst @!p1 v7  }
0x13d: {  	v7 =	vld @!p1 [tilespmem:s21+$0xC950];
	_ =	sdelay $0x4  }
0x13e: {  	[tilespmem:$0xF250] =	vst @!p1 v7  }
0x13f: {  	v7 =	vld @!p1 [tilespmem:s21+$0xDE50];
	_ =	sdelay $0x4  }
0x140: {  	[tilespmem:$0xF350] =	vst @!p1 v7  }
0x141: {  	v7 =	vld @!p1 [tilespmem:s21+$0xC960];
	_ =	sdelay $0x4  }
0x142: {  	[tilespmem:$0xF260] =	vst @!p1 v7  }
0x143: {  	v7 =	vld @!p1 [tilespmem:s21+$0xDE60];
	_ =	sdelay $0x4  }
0x144: {  	[tilespmem:$0xF360] =	vst @!p1 v7  }
0x145: {  	v7 =	vld @!p1 [tilespmem:s21+$0xC970];
	_ =	sdelay $0x4  }
0x146: {  	[tilespmem:$0xF270] =	vst @!p1 v7  }
0x147: {  	v7 =	vld @!p1 [tilespmem:s21+$0xDE70];
	_ =	sdelay $0x4  }
0x148: {  	s4 =	simm.s32 @!p1 $0x80;
	s7 =	simm.s32 @!p1 $0xF300;
	s8 =	simm.s32 @!p1 $0xF400;
	[tilespmem:$0xF370] =	vst @!p1 v7  }
0x149: {  	[tilespmem:s8], [sflag:$0x1] =	stream.indirect.gather @!p1 [hbm4b:s5+s4], $0x10, s7, s4, $0xb8;
	[tilespmem:$0x1A920] =	vst v63  }
0x14a: {  	s7 =	simm.s32 @!p1 $0xF200;
	s8 =	simm.s32 @!p1 $0x10400  }
0x14b: {  	[tilespmem:s8], [sflag:$0x1] =	stream.indirect.gather @!p1 [hbm4b:s6+s4], $0x50, s7, s4, $0xb8;
	[tilespmem:$0x1A920] =	vst v63  }
0x14c: {  	_ =	swait.ge [sflag:s1], $0x800  }
0x14d: {  	s10 =	simm.s32 $0x0;
	[sflag:s1] =	ssyncset.done $0x0  }
0x14e: {  	s11 =	simm.s32 $0x2;
	v7 =	vor.u32 s10, v1;
	[sflag:s1] =	ssyncadd.s32 $0xFFFFF800  }
0x14f: {  	v9 =	vor.u32 s11, v1;
	v8 =	vshll.u32 v7, $0x4;
	_ =	swait.ge [sflag:s1], $0x2800  }
0x150: {  	v10 =	vmul.u32 $0x50, v9;
	v9 =	vshll.u32 v9, $0x4;
	v8 =	vor.u32 v4, v8;
	[sflag:s1] =	ssyncset.done $0x0  }
0x151: {  	v9 =	vor.u32 v4, v9;
	v7 =	vmul.u32 $0x50, v7;
	s4 =	simm.s32 @!p0 $0x4;
	[sflag:s1] =	ssyncadd.s32 $0xFFFFD800  }
0x152: {  	v10 =	vadd.s32 v3, v10;
	_ =	swait.ge @!p0 [sflag:s4], $0x2800  }
0x153: {  	s12 =	simm.s32 $0x4;
	v7 =	vadd.s32 v3, v7;
	[sflag:s4] =	ssyncset.done @!p0 $0x0  }
0x154: {  	s13 =	simm.s32 $0x6;
	v11 =	vor.u32 s12, v1;
	[sflag:s4] =	ssyncadd.s32 @!p0 $0xFFFFD800  }
0x155: {  	v13 =	vor.u32 s13, v1;
	v12 =	vshll.u32 v11, $0x4;
	v8 =	vld.idx.msk [tilespmem:v8+s24+$0x0], $0xffff  }
0x156: {  	v14 =	vmul.u32 $0x50, v13;
	v13 =	vshll.u32 v13, $0x4;
	v12 =	vor.u32 v4, v12;
	v9 =	vld.idx.msk [tilespmem:v9+s24+$0x0], $0xffff  }
0x157: {  	v13 =	vor.u32 v4, v13;
	v11 =	vmul.u32 $0x50, v11;
	v10 =	vld.idx.msk [tilespmem:v10+s26+$0x0], $0xffff  }
0x158: {  	s14 =	simm.s32 $0x8;
	v14 =	vadd.s32 v3, v14;
	v7 =	vld.idx.msk [tilespmem:v7+s26+$0x0], $0xffff  }
0x159: {  	v15 =	vor.u32 s14, v1;
	v11 =	vadd.s32 v3, v11  }
0x15a: {  	v16 =	vshll.u32 v15, $0x4;
	v15 =	vmul.u32 $0x50, v15  }
0x15b: {  	v12 =	vld.idx.msk [tilespmem:v12+s24+$0x0], $0xffff  }
0x15c: {  	v15 =	vadd.s32 v3, v15;
	s15 =	simm.s32 $0xA;
	v13 =	vld.idx.msk [tilespmem:v13+s24+$0x0], $0xffff;
	v9 =	vadd.f32 v9, v10  }
0x15d: {  	v14 =	vld.idx.msk [tilespmem:v14+s26+$0x0], $0xffff;
	v10 =	vor.u32 v4, v16;
	v7 =	vadd.f32 v8, v7;
	v8 =	vor.u32 s15, v1  }
0x15e: {  	v11 =	vld.idx.msk [tilespmem:v11+s26+$0x0], $0xffff;
	v17 =	vmul.u32 $0x50, v8;
	v8 =	vshll.u32 v8, $0x4;
	v16 =	vmul.f32 $2.000000030e-01, v9  }
0x15f: {  	v54 =	vmul.f32 $2.000000030e-01, v7;
	v8 =	vor.u32 v4, v8  }
0x160: {  	v9 =	vmax.f32 v9, v16;
	v16 =	vadd.s32 v3, v17  }
0x161: {  	v7 =	vmax.f32 v7, v54;
	v9 =	vsub.f32 v9, v6  }
0x162: {  	s16 =	simm.s32 $0xC;
	v15 =	vld.idx.msk [tilespmem:v15+s26+$0x0], $0xffff;
	v13 =	vadd.f32 v13, v14;
	v7 =	vsub.f32 v7, v6  }
0x163: {  	v11 =	vadd.f32 v12, v11;
	v17 =	vor.u32 s16, v1;
	v10 =	vld.idx.msk [tilespmem:v10+s24+$0x0], $0xffff;
	v9 =	vmul.f32 $1.442695020e+00, v9  }
0x164: {  	s17 =	simm.s32 $0xE;
	v55 =	vshll.u32 v17, $0x4;
	v17 =	vmul.u32 $0x50, v17;
	v7 =	vmul.f32 $1.442695020e+00, v7;
	v8 =	vld.idx.msk [tilespmem:v8+s24+$0x0], $0xffff  }
0x165: {  	(erf) = vpow2.f32 v9;
	v9 =	vor.u32 s17, v1;
	v12 =	vld.idx.msk [tilespmem:v16+s26+$0x0], $0xffff;
	v16 =	vmul.f32 $2.000000030e-01, v13  }
0x166: {  	v57 =	vmul.f32 $2.000000030e-01, v11;
	v56 =	vmul.u32 $0x50, v9;
	v9 =	vshll.u32 v9, $0x4  }
0x167: {  	(erf) = vpow2.f32 v7;
	v7 =	vadd.s32 v3, v17;
	v13 =	vmax.f32 v13, v16  }
0x168: {  	v11 =	vmax.f32 v11, v57;
	v9 =	vor.u32 v4, v9;
	v13 =	vsub.f32 v13, v6  }
0x169: {  	v11 =	vsub.f32 v11, v6;
	v10 =	vadd.f32 v10, v15;
	v16 =	vadd.s32 v3, v56  }
0x16a: {  	s23 =	simm.s32 $0x10;
	v14 =	vor.u32 v4, v55;
	v13 =	vmul.f32 $1.442695020e+00, v13;
	v8 =	vadd.f32 v8, v12  }
0x16b: {  	v11 =	vmul.f32 $1.442695020e+00, v11;
	v17 =	vor.u32 s23, v1;
	v59 =	vmul.f32 $2.000000030e-01, v10  }
0x16c: {  	s25 =	simm.s32 $0x12;
	v12 =	vshll.u32 v17, $0x4;
	v60 =	vld.idx.msk [tilespmem:v7+s26+$0x0], $0xffff;
	v58 =	vmul.f32 $2.000000030e-01, v8;
	(erf) = vpow2.f32 v13  }
0x16d: {  	v15 =	vor.u32 v4, v12;
	v12 =	vor.u32 s25, v1;
	v9 =	vld.idx.msk [tilespmem:v9+s24+$0x0], $0xffff;
	(erf) = vpow2.f32 v11  }
0x16e: {  	v13 =	vshll.u32 v12, $0x4;
	v12 =	vmul.u32 $0x50, v12;
	v16 =	vld.idx.msk [tilespmem:v16+s26+$0x0], $0xffff;
	v7 =	vmax.f32 v8, v58  }
0x16f: {  	s30 =	simm.s32 $0x14;
	v14 =	vld.idx.msk [tilespmem:v14+s24+$0x0], $0xffff;
	v61 =	vor.u32 v4, v13;
	v8 =	vmul.u32 $0x50, v17;
	v7 =	vsub.f32 v7, v6  }
0x170: {  	v10 =	vmax.f32 v10, v59;
	v13 =	vor.u32 s30, v1;
	v12 =	vadd.s32 v3, v12  }
0x171: {  	v17 =	vsub.f32 v10, v6;
	v10 =	vadd.s32 v3, v8;
	v62 =	vmul.f32 $1.442695020e+00, v7  }
0x172: {  	s4 =	simm.s32 $0x1A510;
	v11 =	vpop (erf);
	v63 =	vshll.u32 v13, $0x4  }
0x173: {  	[tilespmem:s4+$0x0] =	vst v11;
	v7 =	vld.idx.msk [tilespmem:v15+s24+$0x0], $0xffff;
	v15 =	vmul.f32 $1.442695020e+00, v17;
	v8 =	vpop (erf);
	v11 =	vadd.f32 v9, v16;
	(erf) = vpow2.f32 v62  }
0x174: {  	s8 =	simm.s32 $0x16;
	s7 =	simm.s32 $0x18;
	v14 =	vadd.f32 v14, v60;
	v9 =	vor.u32 v4, v63;
	[tilespmem:s4+$0xFFFFFFF0] =	vst v8;
	v8 =	vld.idx.msk [tilespmem:v61+s24+$0x0], $0xffff  }
.LBB2_17:
0x175: {  	p0 =	slt.u32 s7, $0x7C;
	v16 =	vor.u32 s8, v1;
	v17 =	vld.idx.msk [tilespmem:v12+s26+$0x0], $0xffff;
	v12 =	vmul.f32 $2.000000030e-01, v11;
	(erf) = vpow2.f32 v15;
	v15 =	vpop (erf);
	s4 =	sadd.s32 $0x20, s4  }
0x176: {  	v20 =	vmul.u32 $0x50, v16;
	v16 =	vshll.u32 v16, $0x4;
	v19 =	vld.idx.msk [tilespmem:v10+s26+$0x0], $0xffff;
	v10 =	vmul.f32 $2.000000030e-01, v14;
	[tilespmem:s4+$0x0] =	vst v15;
	v15 =	vpop (erf)  }
0x177: {  	v13 =	vmul.u32 $0x50, v13;
	v16 =	vor.u32 v4, v16;
	v11 =	vmax.f32 v11, v12;
	[tilespmem:s4+$0xFFFFFFF0] =	vst v15  }
.Ltmp9:
0x178: {  	v12 =	vadd.s32 v3, v20;
	v14 =	vmax.f32 v14, v10;
	v11 =	vsub.f32 v11, v6;
	(pc) =	sbr.rel @p0 .LBB2_17-.Ltmp9, $4  }
0x179: {  	v10 =	vadd.s32 v3, v13;
	v18 =	vmov v7;
	v14 =	vsub.f32 v14, v6  }
0x17a: {  	v13 =	vor.u32 s7, v1;
	v20 =	vmul.f32 $1.442695020e+00, v11  }
0x17b: {  	v21 =	vshll.u32 v13, $0x4;
	v11 =	vadd.f32 v8, v17;
	v7 =	vld.idx.msk [tilespmem:v9+s24+$0x0], $0xffff;
	v15 =	vmul.f32 $1.442695020e+00, v14  }
0x17c: {  	s8 =	sadd.s32 $0x2, s7;
	s7 =	sadd.s32 $0x4, s7;
	v9 =	vor.u32 v4, v21;
	v14 =	vadd.f32 v18, v19;
	v8 =	vld.idx.msk [tilespmem:v16+s24+$0x0], $0xffff;
	(erf) = vpow2.f32 v20  }
0x17d: {  	v16 =	vor.u32 s8, v1  }
0x17e: {  	v17 =	vmul.u32 $0x50, v16;
	v16 =	vshll.u32 v16, $0x4  }
0x17f: {  	v13 =	vmul.u32 $0x50, v13;
	v16 =	vor.u32 v4, v16  }
0x180: {  	v17 =	vadd.s32 v3, v17  }
0x181: {  	v12 =	vld.idx.msk [tilespmem:v12+s26+$0x0], $0xffff;
	v13 =	vadd.s32 v3, v13  }
0x182: {  	v10 =	vld.idx.msk [tilespmem:v10+s26+$0x0], $0xffff  }
0x183: {  	v9 =	vld.idx.msk [tilespmem:v9+s24+$0x0], $0xffff  }
0x184: {  	v18 =	vmul.f32 $2.000000030e-01, v11;
	v16 =	vld.idx.msk [tilespmem:v16+s24+$0x0], $0xffff  }
0x185: {  	v17 =	vld.idx.msk [tilespmem:v17+s26+$0x0], $0xffff  }
0x186: {  	v11 =	vmax.f32 v11, v18;
	v13 =	vld.idx.msk [tilespmem:v13+s26+$0x0], $0xffff  }
0x187: {  	v19 =	vmul.f32 $2.000000030e-01, v14;
	v11 =	vsub.f32 v11, v6  }
0x188: {  	v8 =	vadd.f32 v8, v12  }
0x189: {  	v12 =	vmax.f32 v14, v19;
	v7 =	vadd.f32 v7, v10;
	v11 =	vmul.f32 $1.442695020e+00, v11  }
0x18a: {  	v61 =	vsub.f32 v12, v6;
	v12 =	vmul.f32 $2.000000030e-01, v8;
	v14 =	vadd.f32 v16, v17  }
0x18b: {  	(erf) = vpow2.f32 v15;
	v15 =	vmul.f32 $2.000000030e-01, v7;
	v9 =	vadd.f32 v9, v13  }
0x18c: {  	(erf) = vpow2.f32 v11;
	v8 =	vmax.f32 v8, v12;
	v12 =	vmul.f32 $2.000000030e-01, v14  }
0x18d: {  	v7 =	vmax.f32 v7, v15;
	v8 =	vsub.f32 v8, v6;
	v13 =	vmul.f32 $2.000000030e-01, v9  }
0x18e: {  	v10 =	vmul.f32 $1.442695020e+00, v61;
	v7 =	vsub.f32 v7, v6;
	v62 =	vmax.f32 v14, v12  }
0x18f: {  	v8 =	vmul.f32 $1.442695020e+00, v8;
	v9 =	vmax.f32 v9, v13;
	v11 =	vsub.f32 v62, v6  }
0x190: {  	(erf) = vpow2.f32 v10;
	v7 =	vmul.f32 $1.442695020e+00, v7;
	v9 =	vsub.f32 v9, v6  }
0x191: {  	(erf) = vpow2.f32 v8;
	v8 =	vmul.f32 $1.442695020e+00, v11  }
0x192: {  	(erf) = vpow2.f32 v7;
	v7 =	vmul.f32 $1.442695020e+00, v9;
	_ =	sdelay $0x1  }
0x193: {  	(erf) = vpow2.f32 v8  }
0x194: {  	s4 =	sadd.s32 $0x20, s4;
	v8 =	vpop (erf);
	(erf) = vpow2.f32 v7  }
0x195: {  	v7 =	vpop (erf);
	[tilespmem:s4+$0x0] =	vst v8  }
0x196: {  	v8 =	vpop (erf);
	[tilespmem:s4+$0xFFFFFFF0] =	vst v7;
	s4 =	sadd.s32 $0x20, s4  }
0x197: {  	v7 =	vpop (erf);
	[tilespmem:s4+$0x0] =	vst v8  }
0x198: {  	s7 =	simm.s32 $0x8;
	s25 =	simm.s32 $0x0;
	v8 =	vpop (erf);
	[tilespmem:s4+$0xFFFFFFF0] =	vst v7;
	s4 =	sadd.s32 $0x20, s4  }
0x199: {  	p5 =	por $0x1, $0x1;
	v63 =	vmov s25;
	v7 =	vpop (erf);
	[tilespmem:s4+$0x0] =	vst v8;
	v8 =	vmov s7  }
.Ltmp10:
0x19a: {  	v9 =	vshrl.u32 v63, $0x3;
	[tilespmem:s4+$0xFFFFFFF0] =	vst v7;
	v7 =	vpop (erf);
	s4 =	sadd.s32 $0x20, s4;
	v8 =	vshrl.u32 v8, $0x3;
	(pc) =	sbr.rel @!p5 .LBB2_19-.Ltmp10, $4  }
0x19b: {  	v9 =	vshll.u32 v9, v5;
	[tilespmem:s4+$0x0] =	vst v7;
	v7 =	vpop (erf);
	v8 =	vshll.u32 v8, v5  }
0x19c: {  	s9 =	simm.s32 $0x12C50;
	v9 =	vbroadcast v9, $0x0;
	s30 =	sadd.s32 $0x20, s4;
	[tilespmem:s4+$0xFFFFFFF0] =	vst v7;
	v7 =	vpop (erf);
	v8 =	vbroadcast v8, $0x0  }
0x19d: {  	p0 =	por $0x0, $0x0;
	p2 =	por $0x0, $0x0;
	p3 =	por $0x0, $0x0;
	[tilespmem:s30+$0x0] =	vst v7;
	v7 =	vpop (erf)  }
0x19e: {  	p4 =	por $0x0, $0x0;
	v18 =	vor.u32 v2, v9;
	s7 =	simm.s32 $0x17C50;
	s4 =	simm.s32 $0x18;
	[tilespmem:s30+$0xFFFFFFF0] =	vst v7;
	v13 =	vor.u32 v2, v8  }
0x19f: {  	_ =	sdelay $0x3  }
0x1a0: {  	v7 =	vld.idx.msk [tilespmem:v18+s29+$0x0], $0xffff  }
0x1a1: {  	v9 =	vld [tilespmem:s9+$0xFFFFFFB0]  }
0x1a2: {  	s8 =	simm.s32 $0x10;
	v10 =	vmov s4;
	v8 =	vld.idx.msk [tilespmem:v13+s29+$0x0], $0xffff  }
0x1a3: {  	v12 =	vld [tilespmem:s9+$0x0];
	p5 =	por $0x1, $0x1;
	v11 =	vmov s8;
	v10 =	vshrl.u32 v10, $0x3  }
.Ltmp11:
0x1a4: {  	v11 =	vshrl.u32 v11, $0x3;
	v10 =	vshll.u32 v10, v5;
	(pc) =	sbr.rel @!p5 .LBB2_21-.Ltmp11, $3  }
0x1a5: {  	v11 =	vshll.u32 v11, v5;
	v10 =	vbroadcast v10, $0x0  }
0x1a6: {  	v11 =	vbroadcast v11, $0x0;
	v9 =	vmul.f32 v9, v7;
	_ =	sdelay $0x1  }
0x1a7: {  	s4 =	simm.s32 $0x28;
	p0 =	por $0x1, $0x1;
	v13 =	vor.u32 v2, v10;
	v21 =	vmul.f32 v12, v8;
	v18 =	vor.u32 v2, v11;
	[tilespmem:s7+$0xFFFFFFB0] =	vst v9  }
0x1a8: {  	_ =	sdelay $0x2  }
0x1a9: {  	v11 =	vld [tilespmem:s9+$0xFFFFFFC0]  }
0x1aa: {  	v9 =	vld.idx.msk [tilespmem:v18+s29+$0x0], $0xffff;
	s10 =	simm.s32 $0x12CF0  }
0x1ab: {  	v12 =	vld [tilespmem:s10+$0xFFFFFFB0]  }
0x1ac: {  	s8 =	simm.s32 $0x20;
	v14 =	vmov s4;
	v10 =	vld.idx.msk [tilespmem:v13+s29+$0x0], $0xffff  }
0x1ad: {  	p5 =	por $0x1, $0x1;
	v13 =	vmov s8;
	v14 =	vshrl.u32 v14, $0x3;
	v15 =	vld [tilespmem:s10+$0x0]  }
.Ltmp12:
0x1ae: {  	v13 =	vshrl.u32 v13, $0x3;
	v14 =	vshll.u32 v14, v5;
	(pc) =	sbr.rel @!p5 .LBB2_23-.Ltmp12, $4  }
0x1af: {  	v13 =	vshll.u32 v13, v5;
	v14 =	vbroadcast v14, $0x0;
	v11 =	vmul.f32 v11, v7  }
0x1b0: {  	[tilespmem:s7+$0x0] =	vst v21;
	v16 =	vbroadcast v13, $0x0;
	v12 =	vmul.f32 v12, v9  }
0x1b1: {  	s11 =	simm.s32 $0x17CF0;
	v20 =	vld [tilespmem:s9+$0x10];
	[tilespmem:s7+$0xFFFFFFC0] =	vst v11  }
0x1b2: {  	s4 =	simm.s32 $0x38;
	p2 =	por $0x1, $0x1;
	v13 =	vor.u32 v2, v14;
	v18 =	vor.u32 v2, v16;
	v21 =	vmul.f32 v15, v10;
	v23 =	vld [tilespmem:s9+$0xFFFFFFD0];
	[tilespmem:s11+$0xFFFFFFB0] =	vst v12  }
0x1b3: {  	_ =	sdelay $0x2  }
0x1b4: {  	v14 =	vld [tilespmem:s10+$0xFFFFFFC0]  }
0x1b5: {  	v11 =	vld.idx.msk [tilespmem:v18+s29+$0x0], $0xffff;
	s12 =	simm.s32 $0x12D90  }
0x1b6: {  	v15 =	vld [tilespmem:s12+$0xFFFFFFB0]  }
0x1b7: {  	s8 =	simm.s32 $0x30;
	v16 =	vmov s4;
	v12 =	vld.idx.msk [tilespmem:v13+s29+$0x0], $0xffff;
	v17 =	vmul.f32 v20, v8  }
0x1b8: {  	p5 =	por $0x1, $0x1;
	v13 =	vmov s8;
	v16 =	vshrl.u32 v16, $0x3;
	[tilespmem:s11+$0x0] =	vst v21;
	v19 =	vld [tilespmem:s12+$0x0];
	v18 =	vmul.f32 v23, v7  }
.Ltmp13:
0x1b9: {  	v13 =	vshrl.u32 v13, $0x3;
	v16 =	vshll.u32 v16, v5;
	[tilespmem:s7+$0x10] =	vst v17;
	v17 =	vmul.f32 v14, v9;
	(pc) =	sbr.rel @!p5 .LBB2_25-.Ltmp13, $4  }
0x1ba: {  	v13 =	vshll.u32 v13, v5;
	v20 =	vbroadcast v16, $0x0;
	v16 =	vld [tilespmem:s10+$0x10];
	[tilespmem:s7+$0xFFFFFFD0] =	vst v18  }
0x1bb: {  	v18 =	vbroadcast v13, $0x0;
	v21 =	vmul.f32 v15, v11;
	v15 =	vld [tilespmem:s9+$0x20];
	[tilespmem:s11+$0xFFFFFFC0] =	vst v17  }
0x1bc: {  	s4 =	simm.s32 $0x17D90;
	v14 =	vld [tilespmem:s9+$0xFFFFFFE0];
	[tilespmem:s7+$0xFFFFFFF0] =	vst v7  }
0x1bd: {  	p3 =	por $0x1, $0x1;
	s8 =	simm.s32 $0x48;
	v13 =	vor.u32 v2, v20;
	v18 =	vor.u32 v2, v18;
	v17 =	vld [tilespmem:s10+$0xFFFFFFD0];
	[tilespmem:s4+$0xFFFFFFB0] =	vst v21;
	v21 =	vmul.f32 v19, v12  }
0x1be: {  	_ =	sdelay $0x2  }
0x1bf: {  	v19 =	vld [tilespmem:s12+$0xFFFFFFC0];
	v20 =	vmul.f32 v16, v10  }
0x1c0: {  	v29 =	vld.idx.msk [tilespmem:v18+s29+$0x0], $0xffff;
	s13 =	simm.s32 $0x40;
	[tilespmem:s4+$0x0] =	vst v21;
	v18 =	vmul.f32 v14, v7  }
0x1c1: {  	s15 =	simm.s32 $0x12E30;
	v22 =	vmov s8;
	v31 =	vld.idx.msk [tilespmem:v13+s29+$0x0], $0xffff;
	[tilespmem:s11+$0x10] =	vst v20;
	v20 =	vmov s13;
	v13 =	vmul.f32 v17, v9  }
0x1c2: {  	v21 =	vld [tilespmem:s15+$0xFFFFFFB0];
	v22 =	vshrl.u32 v22, $0x3;
	[tilespmem:s7+$0xFFFFFFE0] =	vst v18;
	v18 =	vshrl.u32 v20, $0x3  }
0x1c3: {  	v23 =	vmul.f32 v15, v8;
	v22 =	vshll.u32 v22, v5;
	[tilespmem:s11+$0xFFFFFFD0] =	vst v13;
	v13 =	vshll.u32 v18, v5  }
0x1c4: {  	p5 =	por $0x1, $0x1;
	v24 =	vld [tilespmem:s15+$0x0];
	v18 =	vbroadcast v22, $0x0;
	v22 =	vbroadcast v13, $0x0  }
.Ltmp14:
0x1c5: {  	v19 =	vmul.f32 v19, v11;
	v20 =	vld [tilespmem:s12+$0x10];
	(pc) =	sbr.rel @!p5 .LBB2_27-.Ltmp14, $4  }
0x1c6: {  	[tilespmem:s7+$0x20] =	vst v23;
	v26 =	vld [tilespmem:s10+$0xFFFFFFE0];
	v13 =	vor.u32 v2, v18;
	v18 =	vor.u32 v2, v22  }
0x1c7: {  	s14 =	simm.s32 $0x8;
	v27 =	vld [tilespmem:s10+$0x20];
	v21 =	vmul.f32 v21, v29;
	[tilespmem:s4+$0xFFFFFFC0] =	vst v19  }
0x1c8: {  	s16 =	simm.s32 $0x17E30;
	s23 =	simm.s32 $0x58;
	p4 =	por $0x1, $0x1;
	[tilespmem:s11+$0xFFFFFFF0] =	vst v9;
	v23 =	vld [tilespmem:s12+$0xFFFFFFD0]  }
0x1c9: {  	s8 =	simm.s32 $0x17C50;
	s17 =	simm.s32 $0x12CF0;
	s13 =	simm.s32 $0x17CF0;
	v28 =	vld [tilespmem:s9+$0x30];
	[tilespmem:s16+$0xFFFFFFB0] =	vst v21;
	v21 =	vmul.f32 v24, v31;
	v24 =	vmovc v9;
	v19 =	vmov v8;
	v22 =	vmov v10  }
.LBB2_28:
0x1ca: {  	s25 =	sadd.s32 $0xFFFFFFF8, s23;
	v25 =	vmov s23;
	s14 =	sadd.s32 $0x2, s14;
	v30 =	vld [tilespmem:s15+$0xFFFFFFC0];
	v20 =	vmul.f32 v20, v12;
	[tilespmem:s8+$0x40] =	vst v19;
	s30 =	smov.u32 s15  }
0x1cb: {  	s15 =	sadd.s32 $0xA0, s15;
	v32 =	vmov s25;
	v25 =	vshrl.u32 v25, $0x3;
	p5 =	slt.u32 s14, $0x7E;
	[tilespmem:s16+$0x0] =	vst v21;
	v21 =	vmul.f32 v26, v24;
	v24 =	vmovc v11;
	v11 =	vmovc v29;
	v29 =	vld.idx.msk [tilespmem:v18+s29+$0x0], $0xffff  }
0x1cc: {  	v18 =	vshrl.u32 v32, $0x3;
	v25 =	vshll.u32 v25, v5;
	v32 =	vld [tilespmem:s15+$0xFFFFFFB0];
	[tilespmem:s4+$0x10] =	vst v20;
	v20 =	vmul.f32 v27, v22  }
0x1cd: {  	v18 =	vshll.u32 v18, v5;
	v25 =	vbroadcast v25, $0x0;
	v33 =	vld.idx.msk [tilespmem:v13+s29+$0x0], $0xffff;
	v23 =	vmul.f32 v23, v24;
	[tilespmem:s13+$0xFFFFFFE0] =	vst v21  }
0x1ce: {  	v18 =	vbroadcast v18, $0x0;
	v21 =	vld [tilespmem:s15+$0x0];
	[tilespmem:s13+$0x20] =	vst v20;
	v27 =	vmul.f32 v28, v19;
	v19 =	vmovc v22;
	v22 =	vmovc v12;
	v12 =	vmov v31  }
.Ltmp15:
0x1cf: {  	v13 =	vor.u32 v2, v25;
	v25 =	vmul.f32 v30, v11;
	v20 =	vld [tilespmem:s30+$0x10];
	[tilespmem:s4+$0xFFFFFFD0] =	vst v23;
	(pc) =	sbr.rel @p5 .LBB2_28-.Ltmp15, $4  }
0x1d0: {  	v18 =	vor.u32 v2, v18;
	v26 =	vld [tilespmem:s12+$0xFFFFFFE0];
	[tilespmem:s8+$0x30] =	vst v27;
	s8 =	smov.u32 s13;
	s13 =	smov.u32 s4;
	s4 =	smov.u32 s16  }
0x1d1: {  	v28 =	vmul.f32 v32, v29;
	[tilespmem:s16+$0xFFFFFFC0] =	vst v25;
	v27 =	vld [tilespmem:s12+$0x20]  }
0x1d2: {  	s16 =	sadd.s32 $0xA0, s16;
	v23 =	vld [tilespmem:s30+$0xFFFFFFD0];
	[tilespmem:s13+$0xFFFFFFF0] =	vst v24  }
0x1d3: {  	s23 =	sadd.s32 $0x10, s23;
	v31 =	vmov v33;
	[tilespmem:s16+$0xFFFFFFB0] =	vst v28;
	v21 =	vmul.f32 v21, v33;
	v28 =	vld [tilespmem:s17+$0x30];
	s17 =	smov.u32 s12;
	s12 =	smov.u32 s30  }
0x1d4: {  	v25 =	vmovc v12;
	v30 =	vmov v11;
	v11 =	vmov v29;
	v12 =	vmov v31  }
.LBB2_30:
0x1d5: {  	_ =	sdelay $0x2  }
0x1d6: {  	s23 =	sadd.s32 @p0 $0xA0, s15;
	s14 =	smov.u32 s9  }
0x1d7: {  	v18 =	vld.idx.msk [tilespmem:v18+s29+$0x0], $0xffff;
	s14 =	smov.u32 @p0 s23  }
0x1d8: {  	v29 =	vld [tilespmem:s14+$0xFFFFFFB0]  }
0x1d9: {  	v31 =	vld @p0 [tilespmem:s15+$0xFFFFFFC0];
	_ =	sdelay $0x1  }
0x1da: {  	v13 =	vld.idx.msk [tilespmem:v13+s29+$0x0], $0xffff  }
0x1db: {  	v20 =	vmul.f32 @p2 v20, v25;
	[tilespmem:s16+$0x0] =	vst @p0 v21;
	v52 =	vld [tilespmem:s14+$0x0]  }
0x1dc: {  	[tilespmem:s8+$0x40] =	vst @p4 v19;
	v27 =	vmul.f32 @p3 v27, v22;
	v29 =	vmul.f32 v29, v18  }
0x1dd: {  	v24 =	vmul.f32 @p3 v26, v24;
	s23 =	smov.u32 @p0 s15;
	[tilespmem:s4+$0x10] =	vst @p2 v20;
	v26 =	vmul.f32 @p0 v31, v11  }
0x1de: {  	s25 =	sadd.s32 @p0 $0xA0, s16;
	s15 =	smov.u32 s7;
	v20 =	vld @p0 [tilespmem:s23+$0x10];
	[tilespmem:s13+$0x20] =	vst @p3 v27  }
0x1df: {  	s15 =	smov.u32 @p0 s25;
	v19 =	vmul.f32 @p4 v28, v19;
	v27 =	vld @p2 [tilespmem:s12+$0x20];
	[tilespmem:s16+$0xFFFFFFC0] =	vst @p0 v26  }
0x1e0: {  	v21 =	vmul.f32 v52, v13;
	v26 =	vld @p0 [tilespmem:s23+$0xFFFFFFD0];
	[tilespmem:s15+$0xFFFFFFB0] =	vst v29;
	v29 =	vmov @p2 v30  }
0x1e1: {  	[tilespmem:s8+$0x30] =	vst @p4 v19;
	v53 =	vld [tilespmem:s14+$0xFFFFFFC0];
	v23 =	vmul.f32 @p2 v23, v29  }
0x1e2: {  	v10 =	vpsel p0, v12, v10;
	v9 =	vpsel p0, v11, v9;
	s8 =	smov.u32 @p0 s23;
	v11 =	vmov @p3 v22;
	[tilespmem:s15+$0x0] =	vst v21  }
0x1e3: {  	s10 =	smov.u32 @p0 s8;
	s8 =	smov.u32 @p3 s13;
	v11 =	vpsel p3, v11, v0;
	v12 =	vpsel p0, v20, v16;
	v19 =	vmov @p2 v25;
	v54 =	vld [tilespmem:s14+$0x10];
	[tilespmem:s4+$0xFFFFFFD0] =	vst @p2 v23  }
0x1e4: {  	[tilespmem:s13+$0xFFFFFFE0] =	vst @p3 v24;
	s8 =	smov.u32 @p3 s8;
	v12 =	vmul.f32 @p0 v12, v10;
	v8 =	vpsel p2, v19, v8;
	v15 =	vpsel p2, v27, v15;
	v20 =	vld @p2 [tilespmem:s12+$0xFFFFFFE0]  }
0x1e5: {  	s11 =	smov.u32 @p0 s16;
	v21 =	vld @p3 [tilespmem:s17+$0x30];
	[tilespmem:s8+$0x40] =	vst @p3 v11;
	v15 =	vmul.f32 @p2 v15, v8  }
0x1e6: {  	s7 =	smov.u32 @p2 s4;
	[tilespmem:s11+$0x10] =	vst @p0 v12;
	v12 =	vpsel p0, v26, v17;
	v55 =	vmul.f32 v53, v18  }
0x1e7: {  	[tilespmem:s7+$0x20] =	vst @p2 v15;
	v17 =	vld @p0 [tilespmem:s10+$0x20];
	v12 =	vmul.f32 @p0 v12, v9  }
0x1e8: {  	v16 =	vmul.f32 v54, v13;
	[tilespmem:s15+$0xFFFFFFC0] =	vst v55  }
0x1e9: {  	v7 =	vpsel p2, v29, v7;
	[tilespmem:s11+$0xFFFFFFD0] =	vst @p0 v12;
	v56 =	vld [tilespmem:s14+$0xFFFFFFD0];
	v14 =	vpsel p2, v20, v14  }
0x1ea: {  	v12 =	vpsel p3, v21, v0;
	[tilespmem:s15+$0x10] =	vst v16;
	v7 =	vmul.f32 @p2 v14, v7;
	v14 =	vld @p0 [tilespmem:s10+$0xFFFFFFE0]  }
0x1eb: {  	s9 =	smov.u32 @p2 s12;
	[tilespmem:s4+$0xFFFFFFF0] =	vst @p2 v29;
	v11 =	vmul.f32 @p3 v12, v11;
	v57 =	vld [tilespmem:s14+$0x20]  }
0x1ec: {  	v10 =	vpsel p0, v10, v0;
	v15 =	vpsel p0, v17, v0;
	[tilespmem:s7+$0xFFFFFFE0] =	vst @p2 v7;
	v7 =	vld @p2 [tilespmem:s9+$0x30]  }
0x1ed: {  	s4 =	smov.u32 @p0 s11;
	[tilespmem:s8+$0x30] =	vst @p3 v11;
	v11 =	vmul.f32 @p0 v15, v10  }
0x1ee: {  	v8 =	vpsel p2, v8, v0;
	s8 =	smov.u32 @p0 s10;
	[tilespmem:s4+$0xFFFFFFF0] =	vst @p0 v9;
	s9 =	smov.u32 @p0 s4  }
0x1ef: {  	s8 =	smov.u32 @p0 s8;
	v9 =	vpsel p0, v9, v0;
	v58 =	vmul.f32 v56, v18;
	s4 =	smov.u32 @p2 s7;
	[tilespmem:s9+$0x20] =	vst @p0 v11;
	v14 =	vpsel p0, v14, v0  }
0x1f0: {  	v12 =	vmul.f32 v57, v13;
	[tilespmem:s4+$0x40] =	vst @p2 v8;
	v15 =	vld @p0 [tilespmem:s8+$0x30];
	v9 =	vmul.f32 @p0 v14, v9  }
0x1f1: {  	[tilespmem:s15+$0xFFFFFFD0] =	vst v58;
	v7 =	vpsel p2, v7, v0  }
0x1f2: {  	[tilespmem:s15+$0x20] =	vst v12;
	v59 =	vld [tilespmem:s14+$0xFFFFFFE0];
	v7 =	vmul.f32 @p2 v7, v8  }
0x1f3: {  	[tilespmem:s9+$0xFFFFFFE0] =	vst @p0 v9;
	v8 =	vld [tilespmem:s14+$0x30]  }
0x1f4: {  	v9 =	vmov @p0 v10;
	[tilespmem:s4+$0x30] =	vst @p2 v7;
	s4 =	smov.u32 @p0 s9  }
0x1f5: {  	[tilespmem:s15+$0xFFFFFFF0] =	vst v18;
	v7 =	vpsel p0, v9, v0;
	s4 =	smov.u32 @p0 s4;
	v9 =	vpsel p0, v15, v0  }
0x1f6: {  	[tilespmem:s4+$0x40] =	vst @p0 v7;
	v7 =	vmul.f32 @p0 v9, v7  }
0x1f7: {  	[tilespmem:s15+$0x40] =	vst v13;
	v60 =	vmul.f32 v59, v18  }
0x1f8: {  	[tilespmem:s4+$0x30] =	vst @p0 v7;
	v7 =	vmul.f32 v8, v13  }
0x1f9: {  	[tilespmem:s15+$0xFFFFFFE0] =	vst v60  }
0x1fa: {  	[tilespmem:s15+$0x30] =	vst v7  }
0x1fb: {  	v7 =	vld [tilespmem:$0xF380]  }
0x1fc: {  	v8 =	vld [tilespmem:$0xF390]  }
0x1fd: {  	v61 =	vld [tilespmem:$0xF3A0]  }
0x1fe: {  	v10 =	vld [tilespmem:$0xF3B0]  }
0x1ff: {  	v62 =	vld [tilespmem:$0xF3C0]  }
0x200: {  	v63 =	vld [tilespmem:$0xF3F0];
	[tilespmem:$0x1A480] =	vst v7  }
0x201: {  	v7 =	vld [tilespmem:$0xF3D0];
	[tilespmem:$0x1A490] =	vst v8  }
0x202: {  	v8 =	vld [tilespmem:$0xF3E0];
	[tilespmem:$0x1A4A0] =	vst v61  }
0x203: {  	[tilespmem:$0x1A4B0] =	vst v10  }
.Ltmp16:
0x204: {  	[tilespmem:$0x1A4C0] =	vst v62;
	(pc) =	sbr.rel @p1 .LBB2_32-.Ltmp16, $4  }
0x205: {  	[tilespmem:$0x1A4F0] =	vst v63  }
0x206: {  	[tilespmem:$0x1A4D0] =	vst v7  }
0x207: {  	[tilespmem:$0x1A4E0] =	vst v8  }
0x208: {  	[spmem:s3] =	stream.indirect.scatter.add.f32 [tilespmem:s2], [sflag:$0x4], $0x50, s0, s18, $0xb8;
	[tilespmem:$0x1A920] =	vst v63  }
0x209: {  	v7 =	vld [tilespmem:s21+$0xC980];
	_ =	sdelay $0x4  }
0x20a: {  	[tilespmem:$0xF280] =	vst v7  }
0x20b: {  	v7 =	vld [tilespmem:s21+$0xDE80];
	_ =	sdelay $0x4  }
0x20c: {  	[tilespmem:$0xF380] =	vst v7  }
0x20d: {  	v7 =	vld [tilespmem:s21+$0xC990];
	_ =	sdelay $0x4  }
0x20e: {  	[tilespmem:$0xF290] =	vst v7  }
0x20f: {  	v7 =	vld [tilespmem:s21+$0xDE90];
	_ =	sdelay $0x4  }
0x210: {  	[tilespmem:$0xF390] =	vst v7  }
0x211: {  	v7 =	vld [tilespmem:s21+$0xC9A0];
	_ =	sdelay $0x4  }
0x212: {  	[tilespmem:$0xF2A0] =	vst v7  }
0x213: {  	v7 =	vld [tilespmem:s21+$0xDEA0];
	_ =	sdelay $0x4  }
0x214: {  	[tilespmem:$0xF3A0] =	vst v7  }
0x215: {  	v7 =	vld [tilespmem:s21+$0xC9B0];
	_ =	sdelay $0x4  }
0x216: {  	[tilespmem:$0xF2B0] =	vst v7  }
0x217: {  	v7 =	vld [tilespmem:s21+$0xDEB0];
	_ =	sdelay $0x4  }
0x218: {  	[tilespmem:$0xF3B0] =	vst v7  }
0x219: {  	v7 =	vld [tilespmem:s21+$0xC9C0];
	_ =	sdelay $0x4  }
0x21a: {  	[tilespmem:$0xF2C0] =	vst v7  }
0x21b: {  	v7 =	vld [tilespmem:s21+$0xDEC0];
	_ =	sdelay $0x4  }
0x21c: {  	[tilespmem:$0xF3C0] =	vst v7  }
0x21d: {  	v7 =	vld [tilespmem:s21+$0xC9D0];
	_ =	sdelay $0x4  }
0x21e: {  	[tilespmem:$0xF2D0] =	vst v7  }
0x21f: {  	v7 =	vld [tilespmem:s21+$0xDED0];
	_ =	sdelay $0x4  }
0x220: {  	[tilespmem:$0xF3D0] =	vst v7  }
0x221: {  	v7 =	vld [tilespmem:s21+$0xC9E0];
	_ =	sdelay $0x4  }
0x222: {  	[tilespmem:$0xF2E0] =	vst v7  }
0x223: {  	v7 =	vld [tilespmem:s21+$0xDEE0];
	_ =	sdelay $0x4  }
0x224: {  	[tilespmem:$0xF3E0] =	vst v7  }
0x225: {  	v7 =	vld [tilespmem:s21+$0xC9F0];
	_ =	sdelay $0x4  }
0x226: {  	[tilespmem:$0xF2F0] =	vst v7  }
0x227: {  	v7 =	vld [tilespmem:s21+$0xDEF0];
	_ =	sdelay $0x3  }
.Ltmp17:
0x228: {  	_ = 	snop;
	(pc) =	sbr.rel .LBB2_2-.Ltmp17, $4  }
0x229: {  	s4 =	simm.s32 $0xF380;
	[tilespmem:$0xF3F0] =	vst v7  }
0x22a: {  	[tilespmem:s24], [sflag:$0x2] =	stream.indirect.gather [hbm4b:s5+s18], $0x10, s4, s18, $0xb8;
	[tilespmem:$0x1A920] =	vst v63  }
0x22b: {  	s30 =	simm.s32 $0xF280;
	s19 =	sadd.s32 $0x1, s19  }
0x22c: {  	[tilespmem:s26], [sflag:$0x2] =	stream.indirect.gather [hbm4b:s6+s18], $0x50, s30, s18, $0xb8;
	[tilespmem:$0x1A920] =	vst v63  }
.LBB2_5:
.Ltmp18:
0x22d: {  	(pc) =	sbr.rel .LBB2_16-.Ltmp18, $2  }
0x22e: {  	_ =	sdelay $0x2  }
0x22f: {  	s15 =	simm.s32 $0x10450;
	s16 =	simm.s32 $0x15450  }
.LBB2_19:
.Ltmp19:
0x230: {  	(pc) =	sbr.rel .LBB2_30-.Ltmp19, $2  }
0x231: {  	_ =	sdelay $0x2  }
0x232: {  	s15 =	simm.s32 $0x12C50;
	s16 =	simm.s32 $0x17C50  }
.LBB2_7:
.Ltmp20:
0x233: {  	(pc) =	sbr.rel .LBB2_16-.Ltmp20, $2  }
0x234: {  	_ =	sdelay $0x2  }
0x235: {  	v11 =	vmov v7;
	v12 =	vmov v8;
	s15 =	simm.s32 $0x10450;
	s16 =	simm.s32 $0x15450  }
.LBB2_21:
.Ltmp21:
0x236: {  	(pc) =	sbr.rel .LBB2_30-.Ltmp21, $2  }
0x237: {  	_ =	sdelay $0x2  }
0x238: {  	v11 =	vmov v7;
	v12 =	vmov v8;
	s15 =	simm.s32 $0x12C50;
	s16 =	simm.s32 $0x17C50  }
.LBB2_9:
.Ltmp22:
0x239: {  	(pc) =	sbr.rel .LBB2_16-.Ltmp22, $3  }
0x23a: {  	_ =	sdelay $0x1  }
0x23b: {  	s15 =	simm.s32 $0x104F0  }
0x23c: {  	v25 =	vmovc v8;
	v30 =	vmov v7;
	v11 =	vmov v9;
	v12 =	vmov v10;
	s16 =	simm.s32 $0x154F0;
	s4 =	simm.s32 $0x15450;
	s12 =	simm.s32 $0x10450  }
.LBB2_23:
.Ltmp23:
0x23d: {  	(pc) =	sbr.rel .LBB2_30-.Ltmp23, $3  }
0x23e: {  	_ =	sdelay $0x1  }
0x23f: {  	s15 =	simm.s32 $0x12CF0  }
0x240: {  	v25 =	vmovc v8;
	v30 =	vmov v7;
	v11 =	vmov v9;
	v12 =	vmov v10;
	s16 =	simm.s32 $0x17CF0;
	s4 =	simm.s32 $0x17C50;
	s12 =	simm.s32 $0x12C50  }
.LBB2_11:
.Ltmp24:
0x241: {  	_ = 	snop;
	(pc) =	sbr.rel .LBB2_16-.Ltmp24, $3  }
0x242: {  	_ =	sdelay $0x1  }
0x243: {  	s15 =	simm.s32 $0x10590;
	s16 =	simm.s32 $0x15590;
	s4 =	simm.s32 $0x154F0;
	v25 =	vmov v10;
	v24 =	vmov v7;
	v30 =	vmov v9  }
0x244: {  	v22 =	vmovc v8;
	s13 =	simm.s32 $0x15450;
	s12 =	simm.s32 $0x104F0;
	s17 =	simm.s32 $0x10450;
	v20 =	vmovc v16;
	v27 =	vmov v15;
	v26 =	vmov v14;
	v23 =	vmov v17  }
.LBB2_25:
.Ltmp25:
0x245: {  	_ = 	snop;
	(pc) =	sbr.rel .LBB2_30-.Ltmp25, $3  }
0x246: {  	_ =	sdelay $0x1  }
0x247: {  	s15 =	simm.s32 $0x12D90;
	s16 =	simm.s32 $0x17D90;
	s4 =	simm.s32 $0x17CF0;
	v25 =	vmov v10;
	v24 =	vmov v7;
	v30 =	vmov v9  }
0x248: {  	v22 =	vmovc v8;
	s13 =	simm.s32 $0x17C50;
	s12 =	simm.s32 $0x12CF0;
	s17 =	simm.s32 $0x12C50;
	v20 =	vmovc v16;
	v27 =	vmov v15;
	v26 =	vmov v14;
	v23 =	vmov v17  }
.LBB2_13:
.Ltmp26:
0x249: {  	(pc) =	sbr.rel .LBB2_16-.Ltmp26, $3  }
0x24a: {  	_ =	sdelay $0x1  }
0x24b: {  	v25 =	vmov v12;
	v30 =	vmov v11  }
0x24c: {  	v19 =	vmovc v8;
	s8 =	simm.s32 $0x15450;
	v24 =	vmovc v9;
	v11 =	vmov v29;
	v22 =	vmov v10;
	s13 =	simm.s32 $0x154F0;
	v12 =	vmov v31;
	s17 =	simm.s32 $0x104F0  }
.LBB2_27:
.Ltmp27:
0x24d: {  	(pc) =	sbr.rel .LBB2_30-.Ltmp27, $3  }
0x24e: {  	_ =	sdelay $0x1  }
0x24f: {  	v25 =	vmov v12;
	v30 =	vmov v11  }
0x250: {  	v19 =	vmovc v8;
	s8 =	simm.s32 $0x17C50;
	v24 =	vmovc v9;
	v11 =	vmov v29;
	v22 =	vmov v10;
	s13 =	simm.s32 $0x17CF0;
	v12 =	vmov v31;
	s17 =	simm.s32 $0x12CF0  }
.LBB2_33:
0x251: {  	_ =	sfence.sel $0x180000  }
0x252: {  	[bflag:$0x0] =	sbarrier.arrive $0xFFFF  }
0x253: {  	_ =	strace $0x90000047  }
0x254: {  	s0 =	stileid.u32;
	[bflag:$0x2] =	sbarrier.arrive $0xFFFF  }
0x255: {  	p0 =	sne.s32 s0, $0x0;
	s0 =	rddreg [dreg:$0x3]  }
0x256: {  	s0 =	sadd.s32 @!p0 $0x100000, s0  }
0x257: {  	[sflag:s0] =	ssyncadd.tile.s32 @!p0 $0x1;
	_ =	shalt  }
.Lfunc_end2:
_tile_overlayer_lowered:
.L_overlay_start_2:
0x258: {  	(tag) =	ssettag $0x2  }
0x259: {  	s0 =	rddreg [dreg:$0x0];
	s2 =	stileid.u32  }
0x25a: {  	s1 =	rddreg [dreg:$0x1];
	p0 =	sne.s32 s2, $0x0  }
0x25b: {  	s3 =	rddreg [dreg:$0x2];
	[bflag:$0x3] =	sbarrier.arrive $0xFFFF;
	s2 =	simm.s32 @!p0 $0x1C05  }
0x25c: {  	[timem:s3], [sflag:s2] =	dma.local @!p0 [hbm:s0], s1  }
0x25d: {  	s0 =	simm.s32 @!p0 $0x5  }
0x25e: {  	_ =	swait.ge @!p0 [sflag:s0], s1  }
0x25f: {  	s1 =	ssub.s32 @!p0 $0x0, s1;
	[sflag:s0] =	ssyncset.done @!p0 $0x0  }
0x260: {  	[sflag:s0] =	ssyncadd.s32 @!p0 s1  }
0x261: {  	[bflag:$0x3] =	sbarrier.arrive $0xFFFF  }
0x262: {  	_ =	shalt  }

</sc_bundles>
